<compile_context>
chip_gen: v7x
topology: tpu7x:2x2x1
jax: 0.10.2.dev20260603
libtpu: 0.0.44.dev20260713+nightly
codegen_flags: <defaults>
</compile_context>

<pallas_src>
import jax
import jax.numpy as jnp
from jax import lax
from jax.experimental import pallas as pl
from jax.experimental.pallas import tpu as pltpu
from jax.experimental.pallas import tpu_sc as plsc

N = 2048
D = 768
E = 8
BS = 512
NBLK = 16
LPAD = NBLK * BS
NPAIR = 2 * N



def _cumsum0(a):
    m = a.shape[0]
    s = 1
    while s < m:
        a = a + jnp.concatenate(
            [jnp.zeros((s, a.shape[1]), a.dtype), a[:-s]], axis=0)
        s *= 2
    return a

def _gateplan_body(x_ref, gw_ref, gb_ref, probs_ref, wq_ref, pos_ref, blk_ref):
    x = x_ref[...]
    logits = jax.lax.dot_general(x, gw_ref[...], (((1,), (1,)), ((), ())),
                                 preferred_element_type=jnp.float32)
    logits = logits + gb_ref[...]
    m = jnp.max(logits, axis=1, keepdims=True)
    ex = jnp.exp(logits - m)
    p = ex / jnp.sum(ex, axis=1, keepdims=True)
    probs_ref[...] = p
    iota = jax.lax.broadcasted_iota(jnp.int32, (N, E), 1)
    m1 = jnp.max(p, axis=1, keepdims=True)
    idx1 = jnp.min(jnp.where(p == m1, iota, E), axis=1, keepdims=True)
    pick1 = iota == idx1
    pm = jnp.where(pick1, -1.0, p)
    m2 = jnp.max(pm, axis=1, keepdims=True)
    idx2 = jnp.min(jnp.where(pm == m2, iota, E), axis=1, keepdims=True)
    pick2 = iota == idx2
    denom = m1 + m2 + 1e-9
    wq_ref[...] = jnp.concatenate([m1 / denom, m2 / denom], axis=0)
    oh = jnp.concatenate([pick1.astype(jnp.float32),
                          pick2.astype(jnp.float32)], axis=0)
    csum = _cumsum0(oh)
    excl = csum - oh
    counts = csum[NPAIR - 1:NPAIR, :]
    nbrow = jnp.floor((counts + (BS - 1)) * (1.0 / BS)) * BS
    ir = jax.lax.broadcasted_iota(jnp.int32, (E, E), 0)
    ic = jax.lax.broadcasted_iota(jnp.int32, (E, E), 1)
    lt8 = (ir <= ic).astype(jnp.float32)
    incl8 = jax.lax.dot_general(nbrow, lt8, (((1,), (0,)), ((), ())),
                                preferred_element_type=jnp.float32)
    base = incl8 - nbrow
    posf = jnp.sum(oh * (base + excl), axis=1, keepdims=True)
    pos_ref[...] = posf.astype(jnp.int32)
    nblk8 = nbrow * (1.0 / BS)
    cblk = jax.lax.dot_general(nblk8, lt8, (((1,), (0,)), ((), ())),
                               preferred_element_type=jnp.float32)
    bidx = jax.lax.broadcasted_iota(jnp.int32, (1, 32), 1).astype(jnp.float32)
    eb = jnp.zeros((1, 32), jnp.float32)
    for e in range(E):
        eb = eb + (bidx >= cblk[0:1, e:e + 1]).astype(jnp.float32)
    eb = jnp.minimum(eb, float(E - 1))
    i32b = jax.lax.broadcasted_iota(jnp.int32, (1, 32), 1)
    blk_ref[...] = jnp.where(i32b == 31, cblk[0:1, E - 1:E], eb).astype(jnp.int32)


def _gateplan(x, gate_W, gate_b):
    return pl.pallas_call(
        _gateplan_body,
        in_specs=[
            pl.BlockSpec((N, D), lambda: (0, 0)),
            pl.BlockSpec((E, D), lambda: (0, 0)),
            pl.BlockSpec((1, E), lambda: (0, 0)),
        ],
        out_specs=[
            pl.BlockSpec((N, E), lambda: (0, 0)),
            pl.BlockSpec((NPAIR, 1), lambda: (0, 0)),
            pl.BlockSpec((NPAIR, 1), lambda: (0, 0)),
            pl.BlockSpec((1, 32), lambda: (0, 0)),
        ],
        out_shape=[
            jax.ShapeDtypeStruct((N, E), jnp.float32),
            jax.ShapeDtypeStruct((NPAIR, 1), jnp.float32),
            jax.ShapeDtypeStruct((NPAIR, 1), jnp.int32),
            jax.ShapeDtypeStruct((1, 32), jnp.int32),
        ],
    )(x, gate_W, gate_b.reshape(1, E))



def _sc_mesh():
    return plsc.VectorSubcoreMesh(core_axis_name="c", subcore_axis_name="s")


_CHUNK2 = NPAIR // 32


_TOKB = N // 32


def _scatter_body(x_hbm, pos_hbm, xs_hbm, posv0, posv1, xbuf, sem0, sem1):
    c = lax.axis_index("c")
    s = lax.axis_index("s")
    wid = c * 16 + s
    t0 = wid * _TOKB
    pltpu.sync_copy(pos_hbm.at[pl.ds(t0, _TOKB)], posv0)
    pltpu.sync_copy(pos_hbm.at[pl.ds(N + t0, _TOKB)], posv1)
    pltpu.sync_copy(x_hbm.at[pl.ds(t0, _TOKB)], xbuf)
    cp0 = pltpu.async_copy(xbuf, xs_hbm.at[posv0], sem0)
    cp1 = pltpu.async_copy(xbuf, xs_hbm.at[posv1], sem1)
    cp0.wait()
    cp1.wait()


def _scatter(x, pos):
    f = pl.kernel(
        _scatter_body,
        out_type=[jax.ShapeDtypeStruct((LPAD, D), jnp.float32)],
        mesh=_sc_mesh(),
        scratch_types=[
            pltpu.VMEM((_TOKB,), jnp.int32),
            pltpu.VMEM((_TOKB,), jnp.int32),
            pltpu.VMEM((_TOKB, D), jnp.float32),
            pltpu.SemaphoreType.DMA,
            pltpu.SemaphoreType.DMA,
        ],
    )
    return f(x, pos)[0]



def _ln_stats(h):
    mu = jnp.mean(h, axis=1, keepdims=True)
    var = jnp.mean(h * h, axis=1, keepdims=True) - mu * mu
    return mu, jax.lax.rsqrt(var + 1e-5)


def _mlp_body(blk_ref, xs_ref, W1_ref, W2_ref, y_ref, w1c, w2c):
    b = pl.program_id(0)
    fresh = jnp.logical_or(b == 0, blk_ref[b] != blk_ref[jnp.maximum(b - 1, 0)])

    @pl.when(jnp.logical_and(b < blk_ref[31], fresh))
    def _():
        w1c[...] = W1_ref[0].astype(jnp.bfloat16)
        w2c[...] = W2_ref[0].astype(jnp.bfloat16)

    @pl.when(b < blk_ref[31])
    def _():
        x = xs_ref[...]
        h = jax.lax.dot_general(x.astype(jnp.bfloat16), w1c[...],
                                (((1,), (1,)), ((), ())),
                                preferred_element_type=jnp.float32)
        mu, rs = _ln_stats(h)
        hb = jnp.maximum((h - mu) * rs, 0.0).astype(jnp.bfloat16)
        h2 = jax.lax.dot_general(hb, w2c[...], (((1,), (1,)), ((), ())),
                                 preferred_element_type=jnp.float32)
        mu2, rs2 = _ln_stats(h2)
        y_ref[...] = jnp.maximum(x + (h2 - mu2) * rs2, 0.0)


def _mlp(blk_info, x_sorted, W1, W2):
    eix = lambda b, blk: (blk[b], 0, 0)
    grid_spec = pltpu.PrefetchScalarGridSpec(
        num_scalar_prefetch=1,
        grid=(NBLK,),
        in_specs=[
            pl.BlockSpec((BS, D), lambda b, blk: (b, 0)),
            pl.BlockSpec((1, D, D), eix),
            pl.BlockSpec((1, D, D), eix),
        ],
        out_specs=pl.BlockSpec((BS, D), lambda b, blk: (b, 0)),
        scratch_shapes=[
            pltpu.VMEM((D, D), jnp.bfloat16),
            pltpu.VMEM((D, D), jnp.bfloat16),
        ],
    )
    return pl.pallas_call(
        _mlp_body,
        grid_spec=grid_spec,
        out_shape=jax.ShapeDtypeStruct((LPAD, D), jnp.float32),
        compiler_params=pltpu.CompilerParams(
            dimension_semantics=("arbitrary",)),
    )(blk_info, x_sorted, W1, W2)



_TOK = N // 32


def _combine_body(y_hbm, pos_hbm, wq_hbm, out_hbm, p1v, p2v, w1v, w2v,
                  buf1, buf2, sem1, sem2):
    c = lax.axis_index("c")
    s = lax.axis_index("s")
    wid = c * 16 + s
    t0 = wid * _TOK
    pltpu.sync_copy(pos_hbm.at[pl.ds(t0, _TOK)], p1v)
    pltpu.sync_copy(pos_hbm.at[pl.ds(N + t0, _TOK)], p2v)
    pltpu.sync_copy(wq_hbm.at[pl.ds(t0, _TOK)], w1v.at[pl.ds(0, _TOK)])
    pltpu.sync_copy(wq_hbm.at[pl.ds(N + t0, _TOK)], w2v.at[pl.ds(0, _TOK)])
    cp1 = pltpu.async_copy(y_hbm.at[p1v], buf1, sem1)
    cp2 = pltpu.async_copy(y_hbm.at[p2v], buf2, sem2)
    cp1.wait()
    cp2.wait()

    def row(j, carry):
        w1 = w1v[pl.ds(j, 16)][0]
        w2 = w2v[pl.ds(j, 16)][0]
        for i in range(D // 16):
            v1 = buf1[j, pl.ds(i * 16, 16)]
            v2 = buf2[j, pl.ds(i * 16, 16)]
            buf1[j, pl.ds(i * 16, 16)] = w1 * v1 + w2 * v2
        return carry

    lax.fori_loop(0, _TOK, row, 0)
    pltpu.sync_copy(buf1, out_hbm.at[pl.ds(t0, _TOK)])


def _combine(y, pos, wq):
    f = pl.kernel(
        _combine_body,
        out_type=[jax.ShapeDtypeStruct((N, D), jnp.float32)],
        mesh=_sc_mesh(),
        scratch_types=[
            pltpu.VMEM((_TOK,), jnp.int32),
            pltpu.VMEM((_TOK,), jnp.int32),
            pltpu.VMEM((_TOK + 16,), jnp.float32),
            pltpu.VMEM((_TOK + 16,), jnp.float32),
            pltpu.VMEM((_TOK, D), jnp.float32),
            pltpu.VMEM((_TOK, D), jnp.float32),
            pltpu.SemaphoreType.DMA,
            pltpu.SemaphoreType.DMA,
        ],
    )
    return f(y, pos, wq)[0]



@jax.jit
def kernel(x, gate_W, gate_b, W1, b1, ln1_g, ln1_b, W2, b2, ln2_g, ln2_b):
    probs, wq, pos, blk = _gateplan(x, gate_W, gate_b)
    wq = wq.reshape(NPAIR)
    pos = pos.reshape(NPAIR)
    blk = blk.reshape(32)
    x_sorted = _scatter(x, pos)
    y = _mlp(blk, x_sorted, W1, W2)
    out = _combine(y, pos, wq)
    return out, probs

# --- scband reference (transcript-rebuilt; emitter-appended) ---
"""Pipeline reference for scband-mo-elayer-57724360458723 (READ-ONLY COPY).

The authoritative reference and input builder live on the scoring server;
editing this copy changes nothing except your own understanding.
"""

import jax, jax.numpy as jnp
import numpy as np

N = 2048
D = 768
E = 8
K = 2

def _layernorm(x, g, b, eps=1e-5):
    mu = x.mean(-1, keepdims=True)
    var = ((x - mu) ** 2).mean(-1, keepdims=True)
    return (x - mu) / jnp.sqrt(var + eps) * g + b

def _expert(x, W1, b1, g1, be1, W2, b2, g2, be2):
    # ResidualBlock: Linear -> LayerNorm -> ReLU -> (Dropout=identity in eval) -> Linear -> LayerNorm, then relu(x + block(x))
    h = x @ W1.T + b1
    h = _layernorm(h, g1, be1)
    h = jax.nn.relu(h)
    h = h @ W2.T + b2
    h = _layernorm(h, g2, be2)
    return jax.nn.relu(x + h)

def setup_inputs(seed: int = 0) -> dict:
    key = jax.random.key(seed)
    ks = jax.random.split(key, 8)
    x = jax.random.normal(ks[0], (N, D), dtype=jnp.float32)
    gate_W = jax.random.normal(ks[1], (E, D), dtype=jnp.float32) * 0.02
    gate_b = jnp.zeros((E,), dtype=jnp.float32)
    W1 = jax.random.normal(ks[2], (E, D, D), dtype=jnp.float32) * 0.02
    b1 = jnp.zeros((E, D), dtype=jnp.float32)
    ln1_g = jnp.ones((E, D), dtype=jnp.float32)
    ln1_b = jnp.zeros((E, D), dtype=jnp.float32)
    W2 = jax.random.normal(ks[3], (E, D, D), dtype=jnp.float32) * 0.02
    b2 = jnp.zeros((E, D), dtype=jnp.float32)
    ln2_g = jnp.ones((E, D), dtype=jnp.float32)
    ln2_b = jnp.zeros((E, D), dtype=jnp.float32)
    return {"x": x, "gate_W": gate_W, "gate_b": gate_b, "W1": W1, "b1": b1,
            "ln1_g": ln1_g, "ln1_b": ln1_b, "W2": W2, "b2": b2,
            "ln2_g": ln2_g, "ln2_b": ln2_b}

def reference(x, gate_W, gate_b, W1, b1, ln1_g, ln1_b, W2, b2, ln2_g, ln2_b):
    gate_logits = x @ gate_W.T + gate_b
    gate_probs = jax.nn.softmax(gate_logits, axis=1)
    top_k_probs, top_k_idx = jax.lax.top_k(gate_probs, K)
    top_k_probs = top_k_probs / (top_k_probs.sum(axis=1, keepdims=True) + 1e-9)
    moe_out = jnp.zeros_like(x)
    for i in range(E):
        # per-token weight for expert i (0 if not routed) -- math-equivalent to torch's masked gather/scatter
        w_i = (top_k_probs * (top_k_idx == i)).sum(axis=1)[:, None]
        exp_out = _expert(x, W1[i], b1[i], ln1_g[i], ln1_b[i], W2[i], b2[i], ln2_g[i], ln2_b[i])
        moe_out = moe_out + w_i * exp_out
    return moe_out, gate_probs

if __name__ == "__main__":
    import jax
    _d = setup_inputs()
    print(jax.jit(kernel)(*tuple(_d.values())))

</pallas_src>

<mosaic_0001>
#map = affine_map<(d0, d1) -> (0, 0)>
#map1 = affine_map<(d0, d1) -> (0)>
module attributes {stable_mosaic.version = 14 : i64} {
  func.func @_combine_body(%arg0: i32, %arg1: i32, %arg2: memref<8192x768xf32, #tpu.memory_space<hbm>>, %arg3: memref<4096xi32, #tpu.memory_space<hbm>>, %arg4: memref<4096xf32, #tpu.memory_space<hbm>>, %arg5: memref<2048x768xf32, #tpu.memory_space<hbm>>, %arg6: memref<64xi32, #tpu.memory_space<vmem>>, %arg7: memref<64xi32, #tpu.memory_space<vmem>>, %arg8: memref<80xf32, #tpu.memory_space<vmem>>, %arg9: memref<80xf32, #tpu.memory_space<vmem>>, %arg10: memref<64x768xf32, #tpu.memory_space<vmem>>, %arg11: memref<64x768xf32, #tpu.memory_space<vmem>>, %arg12: memref<!tpu.dma_semaphore, #tpu.memory_space<semaphore_mem>>, %arg13: memref<!tpu.dma_semaphore, #tpu.memory_space<semaphore_mem>>) attributes {dimension_semantics = [#tpu.dimension_semantics<core_parallel>, #tpu.dimension_semantics<subcore_parallel>], iteration_bounds = array<i64: 2, 16>, scalar_prefetch = 0 : i64, scratch_operands = 8 : i64, tpu.core_type = #tpu.core_type<sc_vector_subcore>, window_params = [{transform_indices = #map}, {transform_indices = #map1}, {transform_indices = #map1}, {transform_indices = #map}]} {
    %mul3A = arith.constant 16 : i32
    %mul3A_0 = arith.muli %arg0, %mul3A : i32
    %add3A = arith.addi %mul3A_0, %arg1 : i32
    %mul3A_1 = arith.constant 64 : i32
    %mul3A_2 = arith.muli %add3A, %mul3A_1 : i32
    "tpu.region"() ({
      %run_scoped3A = tpu.sem_alloc : memref<!tpu.dma_semaphore, #tpu.memory_space<semaphore_mem>>
      %dma_start3A_22 = tpu.memref_slice %arg3[%mul3A_2] : memref<4096xi32, #tpu.memory_space<hbm>> -> memref<64xi32, #tpu.memory_space<hbm>>
      %dma_start3A_23 = tpu.memref_slice %arg3[%mul3A_2] : memref<4096xi32, #tpu.memory_space<hbm>> -> memref<64xi32, #tpu.memory_space<hbm>>
      tpu.enqueue_dma source(%dma_start3A_23 : memref<64xi32, #tpu.memory_space<hbm>>) target(%arg6 : memref<64xi32, #tpu.memory_space<vmem>>) target_semaphore(%run_scoped3A : memref<!tpu.dma_semaphore, #tpu.memory_space<semaphore_mem>>)
      %dma_wait3A_24 = tpu.memref_slice %arg3[%mul3A_2] : memref<4096xi32, #tpu.memory_space<hbm>> -> memref<64xi32, #tpu.memory_space<hbm>>
      %dma_wait3A_25 = tpu.memref_slice %arg3[%mul3A_2] : memref<4096xi32, #tpu.memory_space<hbm>> -> memref<64xi32, #tpu.memory_space<hbm>>
      tpu.wait_dma2 semaphore(%run_scoped3A : memref<!tpu.dma_semaphore, #tpu.memory_space<semaphore_mem>>) src(%dma_wait3A_25 : memref<64xi32, #tpu.memory_space<hbm>>) dst(%arg6 : memref<64xi32, #tpu.memory_space<vmem>>)
      tpu.yield
    }) : () -> ()
    %add3A_3 = arith.constant 2048 : i32
    %add3A_4 = arith.addi %add3A_3, %mul3A_2 : i32
    "tpu.region"() ({
      %run_scoped3A = tpu.sem_alloc : memref<!tpu.dma_semaphore, #tpu.memory_space<semaphore_mem>>
      %dma_start3A_22 = tpu.memref_slice %arg3[%add3A_4] : memref<4096xi32, #tpu.memory_space<hbm>> -> memref<64xi32, #tpu.memory_space<hbm>>
      %dma_start3A_23 = tpu.memref_slice %arg3[%add3A_4] : memref<4096xi32, #tpu.memory_space<hbm>> -> memref<64xi32, #tpu.memory_space<hbm>>
      tpu.enqueue_dma source(%dma_start3A_23 : memref<64xi32, #tpu.memory_space<hbm>>) target(%arg7 : memref<64xi32, #tpu.memory_space<vmem>>) target_semaphore(%run_scoped3A : memref<!tpu.dma_semaphore, #tpu.memory_space<semaphore_mem>>)
      %dma_wait3A_24 = tpu.memref_slice %arg3[%add3A_4] : memref<4096xi32, #tpu.memory_space<hbm>> -> memref<64xi32, #tpu.memory_space<hbm>>
      %dma_wait3A_25 = tpu.memref_slice %arg3[%add3A_4] : memref<4096xi32, #tpu.memory_space<hbm>> -> memref<64xi32, #tpu.memory_space<hbm>>
      tpu.wait_dma2 semaphore(%run_scoped3A : memref<!tpu.dma_semaphore, #tpu.memory_space<semaphore_mem>>) src(%dma_wait3A_25 : memref<64xi32, #tpu.memory_space<hbm>>) dst(%arg7 : memref<64xi32, #tpu.memory_space<vmem>>)
      tpu.yield
    }) : () -> ()
    "tpu.region"() ({
      %run_scoped3A = tpu.sem_alloc : memref<!tpu.dma_semaphore, #tpu.memory_space<semaphore_mem>>
      %dma_start3A_22 = arith.constant 0 : i32
      %dma_start3A_23 = tpu.memref_slice %arg8[%dma_start3A_22] : memref<80xf32, #tpu.memory_space<vmem>> -> memref<64xf32, #tpu.memory_space<vmem>>
      %dma_start3A_24 = tpu.memref_slice %arg4[%mul3A_2] : memref<4096xf32, #tpu.memory_space<hbm>> -> memref<64xf32, #tpu.memory_space<hbm>>
      %dma_start3A_25 = arith.constant 0 : i32
      %dma_start3A_26 = tpu.memref_slice %arg8[%dma_start3A_25] : memref<80xf32, #tpu.memory_space<vmem>> -> memref<64xf32, #tpu.memory_space<vmem>>
      %dma_start3A_27 = tpu.memref_slice %arg4[%mul3A_2] : memref<4096xf32, #tpu.memory_space<hbm>> -> memref<64xf32, #tpu.memory_space<hbm>>
      tpu.enqueue_dma source(%dma_start3A_27 : memref<64xf32, #tpu.memory_space<hbm>>) target(%dma_start3A_26 : memref<64xf32, #tpu.memory_space<vmem>>) target_semaphore(%run_scoped3A : memref<!tpu.dma_semaphore, #tpu.memory_space<semaphore_mem>>)
      %dma_wait3A_28 = arith.constant 0 : i32
      %dma_wait3A_29 = tpu.memref_slice %arg8[%dma_wait3A_28] : memref<80xf32, #tpu.memory_space<vmem>> -> memref<64xf32, #tpu.memory_space<vmem>>
      %dma_wait3A_30 = tpu.memref_slice %arg4[%mul3A_2] : memref<4096xf32, #tpu.memory_space<hbm>> -> memref<64xf32, #tpu.memory_space<hbm>>
      %dma_wait3A_31 = arith.constant 0 : i32
      %dma_wait3A_32 = tpu.memref_slice %arg8[%dma_wait3A_31] : memref<80xf32, #tpu.memory_space<vmem>> -> memref<64xf32, #tpu.memory_space<vmem>>
      %dma_wait3A_33 = tpu.memref_slice %arg4[%mul3A_2] : memref<4096xf32, #tpu.memory_space<hbm>> -> memref<64xf32, #tpu.memory_space<hbm>>
      tpu.wait_dma2 semaphore(%run_scoped3A : memref<!tpu.dma_semaphore, #tpu.memory_space<semaphore_mem>>) src(%dma_wait3A_33 : memref<64xf32, #tpu.memory_space<hbm>>) dst(%dma_wait3A_32 : memref<64xf32, #tpu.memory_space<vmem>>)
      tpu.yield
    }) : () -> ()
    %add3A_5 = arith.constant 2048 : i32
    %add3A_6 = arith.addi %add3A_5, %mul3A_2 : i32
    "tpu.region"() ({
      %run_scoped3A = tpu.sem_alloc : memref<!tpu.dma_semaphore, #tpu.memory_space<semaphore_mem>>
      %dma_start3A_22 = arith.constant 0 : i32
      %dma_start3A_23 = tpu.memref_slice %arg9[%dma_start3A_22] : memref<80xf32, #tpu.memory_space<vmem>> -> memref<64xf32, #tpu.memory_space<vmem>>
      %dma_start3A_24 = tpu.memref_slice %arg4[%add3A_6] : memref<4096xf32, #tpu.memory_space<hbm>> -> memref<64xf32, #tpu.memory_space<hbm>>
      %dma_start3A_25 = arith.constant 0 : i32
      %dma_start3A_26 = tpu.memref_slice %arg9[%dma_start3A_25] : memref<80xf32, #tpu.memory_space<vmem>> -> memref<64xf32, #tpu.memory_space<vmem>>
      %dma_start3A_27 = tpu.memref_slice %arg4[%add3A_6] : memref<4096xf32, #tpu.memory_space<hbm>> -> memref<64xf32, #tpu.memory_space<hbm>>
      tpu.enqueue_dma source(%dma_start3A_27 : memref<64xf32, #tpu.memory_space<hbm>>) target(%dma_start3A_26 : memref<64xf32, #tpu.memory_space<vmem>>) target_semaphore(%run_scoped3A : memref<!tpu.dma_semaphore, #tpu.memory_space<semaphore_mem>>)
      %dma_wait3A_28 = arith.constant 0 : i32
      %dma_wait3A_29 = tpu.memref_slice %arg9[%dma_wait3A_28] : memref<80xf32, #tpu.memory_space<vmem>> -> memref<64xf32, #tpu.memory_space<vmem>>
      %dma_wait3A_30 = tpu.memref_slice %arg4[%add3A_6] : memref<4096xf32, #tpu.memory_space<hbm>> -> memref<64xf32, #tpu.memory_space<hbm>>
      %dma_wait3A_31 = arith.constant 0 : i32
      %dma_wait3A_32 = tpu.memref_slice %arg9[%dma_wait3A_31] : memref<80xf32, #tpu.memory_space<vmem>> -> memref<64xf32, #tpu.memory_space<vmem>>
      %dma_wait3A_33 = tpu.memref_slice %arg4[%add3A_6] : memref<4096xf32, #tpu.memory_space<hbm>> -> memref<64xf32, #tpu.memory_space<hbm>>
      tpu.wait_dma2 semaphore(%run_scoped3A : memref<!tpu.dma_semaphore, #tpu.memory_space<semaphore_mem>>) src(%dma_wait3A_33 : memref<64xf32, #tpu.memory_space<hbm>>) dst(%dma_wait3A_32 : memref<64xf32, #tpu.memory_space<vmem>>)
      tpu.yield
    }) : () -> ()
    %dma_start3A = arith.constant 0 : i32
    %dma_start3A_7 = arith.constant 0 : i32
    %dma_start3A_8 = tpu.memref_slice %arg2[%dma_start3A, %dma_start3A_7] : memref<8192x768xf32, #tpu.memory_space<hbm>> -> memref<8192x768xf32, #tpu.memory_space<hbm>>
    tpu.enqueue_indirect_dma source(%dma_start3A_8 : memref<8192x768xf32, #tpu.memory_space<hbm>>) target(%arg10 : memref<64x768xf32, #tpu.memory_space<vmem>>) offsets(%arg6 : memref<64xi32, #tpu.memory_space<vmem>>) semaphore(%arg12 : memref<!tpu.dma_semaphore, #tpu.memory_space<semaphore_mem>>)
    %dma_start3A_9 = arith.constant 0 : i32
    %dma_start3A_10 = arith.constant 0 : i32
    %dma_start3A_11 = tpu.memref_slice %arg2[%dma_start3A_9, %dma_start3A_10] : memref<8192x768xf32, #tpu.memory_space<hbm>> -> memref<8192x768xf32, #tpu.memory_space<hbm>>
    tpu.enqueue_indirect_dma source(%dma_start3A_11 : memref<8192x768xf32, #tpu.memory_space<hbm>>) target(%arg11 : memref<64x768xf32, #tpu.memory_space<vmem>>) offsets(%arg7 : memref<64xi32, #tpu.memory_space<vmem>>) semaphore(%arg13 : memref<!tpu.dma_semaphore, #tpu.memory_space<semaphore_mem>>)
    %dma_wait3A = arith.constant 0 : i32
    %dma_wait3A_12 = arith.constant 0 : i32
    %dma_wait3A_13 = tpu.memref_slice %arg2[%dma_wait3A, %dma_wait3A_12] : memref<8192x768xf32, #tpu.memory_space<hbm>> -> memref<8192x768xf32, #tpu.memory_space<hbm>>
    tpu.wait_indirect_dma semaphore(%arg12 : memref<!tpu.dma_semaphore, #tpu.memory_space<semaphore_mem>>) src(%dma_wait3A_13 : memref<8192x768xf32, #tpu.memory_space<hbm>>) dst(%arg10 : memref<64x768xf32, #tpu.memory_space<vmem>>)
    %dma_wait3A_14 = arith.constant 0 : i32
    %dma_wait3A_15 = arith.constant 0 : i32
    %dma_wait3A_16 = tpu.memref_slice %arg2[%dma_wait3A_14, %dma_wait3A_15] : memref<8192x768xf32, #tpu.memory_space<hbm>> -> memref<8192x768xf32, #tpu.memory_space<hbm>>
    tpu.wait_indirect_dma semaphore(%arg13 : memref<!tpu.dma_semaphore, #tpu.memory_space<semaphore_mem>>) src(%dma_wait3A_16 : memref<8192x768xf32, #tpu.memory_space<hbm>>) dst(%arg11 : memref<64x768xf32, #tpu.memory_space<vmem>>)
    %scan3A = arith.constant 0 : i32
    %scan3A_17 = arith.constant 0 : i32
    %scan3A_18 = arith.constant 64 : i32
    %scan3A_19 = arith.addi %scan3A_17, %scan3A_18 : i32
    %scan3A_20 = arith.constant 1 : i32
    scf.for %scan3A_22 = %scan3A_17 to %scan3A_19 step %scan3A_20  : i32 {
      %get3A = arith.index_cast %scan3A_22 : i32 to index
      %get3A_23 = tpu.vector_load %arg8[%get3A] {strides = array<i32>} : memref<80xf32, #tpu.memory_space<vmem>>, vector<16xf32>,
      %get3A_24 = vector.shape_cast %get3A_23 : vector<16xf32> to vector<16xf32>
      %slice3A = vector.extract_strided_slice %get3A_24 {offsets = [0], sizes = [1], strides = [1]} : vector<16xf32> to vector<1xf32>
      %squeeze3A = vector.extract %slice3A[0] : f32 from vector<1xf32>
      %get3A_25 = arith.index_cast %scan3A_22 : i32 to index
      %get3A_26 = tpu.vector_load %arg9[%get3A_25] {strides = array<i32>} : memref<80xf32, #tpu.memory_space<vmem>>, vector<16xf32>,
      %get3A_27 = vector.shape_cast %get3A_26 : vector<16xf32> to vector<16xf32>
      %slice3A_28 = vector.extract_strided_slice %get3A_27 {offsets = [0], sizes = [1], strides = [1]} : vector<16xf32> to vector<1xf32>
      %squeeze3A_29 = vector.extract %slice3A_28[0] : f32 from vector<1xf32>
      %get3A_30 = arith.index_cast %scan3A_22 : i32 to index
      %get3A_31 = arith.constant 0 : index
      %get3A_32 = tpu.vector_load %arg10[%get3A_30, %get3A_31] {strides = array<i32>} : memref<64x768xf32, #tpu.memory_space<vmem>>, vector<1x16xf32>,
      %get3A_33 = vector.shape_cast %get3A_32 : vector<1x16xf32> to vector<16xf32>
      %get3A_34 = arith.index_cast %scan3A_22 : i32 to index
      %get3A_35 = arith.constant 0 : index
      %get3A_36 = tpu.vector_load %arg11[%get3A_34, %get3A_35] {strides = array<i32>} : memref<64x768xf32, #tpu.memory_space<vmem>>, vector<1x16xf32>,
      %get3A_37 = vector.shape_cast %get3A_36 : vector<1x16xf32> to vector<16xf32>
      %mul3A_38 = vector.broadcast %squeeze3A : f32 to vector<16xf32>
      %mul3A_39 = arith.mulf %mul3A_38, %get3A_33 : vector<16xf32>
      %mul3A_40 = vector.broadcast %squeeze3A_29 : f32 to vector<16xf32>
      %mul3A_41 = arith.mulf %mul3A_40, %get3A_37 : vector<16xf32>
      %add3A_42 = arith.addf %mul3A_39, %mul3A_41 : vector<16xf32>
      %swap3A = arith.index_cast %scan3A_22 : i32 to index
      %swap3A_43 = arith.constant 0 : index
      %swap3A_44 = tpu.vector_load %arg10[%swap3A, %swap3A_43] {strides = array<i32>} : memref<64x768xf32, #tpu.memory_space<vmem>>, vector<1x16xf32>,
      %swap3A_45 = vector.shape_cast %swap3A_44 : vector<1x16xf32> to vector<16xf32>
      %swap3A_46 = vector.shape_cast %add3A_42 : vector<16xf32> to vector<1x16xf32>
      tpu.vector_store %arg10[%swap3A, %swap3A_43], %swap3A_46 {strides = array<i32>} : memref<64x768xf32, #tpu.memory_space<vmem>>, vector<1x16xf32>,
      %get3A_47 = arith.index_cast %scan3A_22 : i32 to index
      %get3A_48 = arith.constant 16 : index
      %get3A_49 = tpu.vector_load %arg10[%get3A_47, %get3A_48] {strides = array<i32>} : memref<64x768xf32, #tpu.memory_space<vmem>>, vector<1x16xf32>,
      %get3A_50 = vector.shape_cast %get3A_49 : vector<1x16xf32> to vector<16xf32>
      %get3A_51 = arith.index_cast %scan3A_22 : i32 to index
      %get3A_52 = arith.constant 16 : index
      %get3A_53 = tpu.vector_load %arg11[%get3A_51, %get3A_52] {strides = array<i32>} : memref<64x768xf32, #tpu.memory_space<vmem>>, vector<1x16xf32>,
      %get3A_54 = vector.shape_cast %get3A_53 : vector<1x16xf32> to vector<16xf32>
      %mul3A_55 = vector.broadcast %squeeze3A : f32 to vector<16xf32>
      %mul3A_56 = arith.mulf %mul3A_55, %get3A_50 : vector<16xf32>
      %mul3A_57 = vector.broadcast %squeeze3A_29 : f32 to vector<16xf32>
      %mul3A_58 = arith.mulf %mul3A_57, %get3A_54 : vector<16xf32>
      %add3A_59 = arith.addf %mul3A_56, %mul3A_58 : vector<16xf32>
      %swap3A_60 = arith.index_cast %scan3A_22 : i32 to index
      %swap3A_61 = arith.constant 16 : index
      %swap3A_62 = tpu.vector_load %arg10[%swap3A_60, %swap3A_61] {strides = array<i32>} : memref<64x768xf32, #tpu.memory_space<vmem>>, vector<1x16xf32>,
      %swap3A_63 = vector.shape_cast %swap3A_62 : vector<1x16xf32> to vector<16xf32>
      %swap3A_64 = vector.shape_cast %add3A_59 : vector<16xf32> to vector<1x16xf32>
      tpu.vector_store %arg10[%swap3A_60, %swap3A_61], %swap3A_64 {strides = array<i32>} : memref<64x768xf32, #tpu.memory_space<vmem>>, vector<1x16xf32>,
      %get3A_65 = arith.index_cast %scan3A_22 : i32 to index
      %get3A_66 = arith.constant 32 : index
      %get3A_67 = tpu.vector_load %arg10[%get3A_65, %get3A_66] {strides = array<i32>} : memref<64x768xf32, #tpu.memory_space<vmem>>, vector<1x16xf32>,
      %get3A_68 = vector.shape_cast %get3A_67 : vector<1x16xf32> to vector<16xf32>
      %get3A_69 = arith.index_cast %scan3A_22 : i32 to index
      %get3A_70 = arith.constant 32 : index
      %get3A_71 = tpu.vector_load %arg11[%get3A_69, %get3A_70] {strides = array<i32>} : memref<64x768xf32, #tpu.memory_space<vmem>>, vector<1x16xf32>,
      %get3A_72 = vector.shape_cast %get3A_71 : vector<1x16xf32> to vector<16xf32>
      %mul3A_73 = vector.broadcast %squeeze3A : f32 to vector<16xf32>
      %mul3A_74 = arith.mulf %mul3A_73, %get3A_68 : vector<16xf32>
      %mul3A_75 = vector.broadcast %squeeze3A_29 : f32 to vector<16xf32>
      %mul3A_76 = arith.mulf %mul3A_75, %get3A_72 : vector<16xf32>
      %add3A_77 = arith.addf %mul3A_74, %mul3A_76 : vector<16xf32>
      %swap3A_78 = arith.index_cast %scan3A_22 : i32 to index
      %swap3A_79 = arith.constant 32 : index
      %swap3A_80 = tpu.vector_load %arg10[%swap3A_78, %swap3A_79] {strides = array<i32>} : memref<64x768xf32, #tpu.memory_space<vmem>>, vector<1x16xf32>,
      %swap3A_81 = vector.shape_cast %swap3A_80 : vector<1x16xf32> to vector<16xf32>
      %swap3A_82 = vector.shape_cast %add3A_77 : vector<16xf32> to vector<1x16xf32>
      tpu.vector_store %arg10[%swap3A_78, %swap3A_79], %swap3A_82 {strides = array<i32>} : memref<64x768xf32, #tpu.memory_space<vmem>>, vector<1x16xf32>,
      %get3A_83 = arith.index_cast %scan3A_22 : i32 to index
      %get3A_84 = arith.constant 48 : index
      %get3A_85 = tpu.vector_load %arg10[%get3A_83, %get3A_84] {strides = array<i32>} : memref<64x768xf32, #tpu.memory_space<vmem>>, vector<1x16xf32>,
      %get3A_86 = vector.shape_cast %get3A_85 : vector<1x16xf32> to vector<16xf32>
      %get3A_87 = arith.index_cast %scan3A_22 : i32 to index
      %get3A_88 = arith.constant 48 : index
      %get3A_89 = tpu.vector_load %arg11[%get3A_87, %get3A_88] {strides = array<i32>} : memref<64x768xf32, #tpu.memory_space<vmem>>, vector<1x16xf32>,
      %get3A_90 = vector.shape_cast %get3A_89 : vector<1x16xf32> to vector<16xf32>
      %mul3A_91 = vector.broadcast %squeeze3A : f32 to vector<16xf32>
      %mul3A_92 = arith.mulf %mul3A_91, %get3A_86 : vector<16xf32>
      %mul3A_93 = vector.broadcast %squeeze3A_29 : f32 to vector<16xf32>
      %mul3A_94 = arith.mulf %mul3A_93, %get3A_90 : vector<16xf32>
      %add3A_95 = arith.addf %mul3A_92, %mul3A_94 : vector<16xf32>
      %swap3A_96 = arith.index_cast %scan3A_22 : i32 to index
      %swap3A_97 = arith.constant 48 : index
      %swap3A_98 = tpu.vector_load %arg10[%swap3A_96, %swap3A_97] {strides = array<i32>} : memref<64x768xf32, #tpu.memory_space<vmem>>, vector<1x16xf32>,
      %swap3A_99 = vector.shape_cast %swap3A_98 : vector<1x16xf32> to vector<16xf32>
      %swap3A_100 = vector.shape_cast %add3A_95 : vector<16xf32> to vector<1x16xf32>
      tpu.vector_store %arg10[%swap3A_96, %swap3A_97], %swap3A_100 {strides = array<i32>} : memref<64x768xf32, #tpu.memory_space<vmem>>, vector<1x16xf32>,
      %get3A_101 = arith.index_cast %scan3A_22 : i32 to index
      %get3A_102 = arith.constant 64 : index
      %get3A_103 = tpu.vector_load %arg10[%get3A_101, %get3A_102] {strides = array<i32>} : memref<64x768xf32, #tpu.memory_space<vmem>>, vector<1x16xf32>,
      %get3A_104 = vector.shape_cast %get3A_103 : vector<1x16xf32> to vector<16xf32>
      %get3A_105 = arith.index_cast %scan3A_22 : i32 to index
      %get3A_106 = arith.constant 64 : index
      %get3A_107 = tpu.vector_load %arg11[%get3A_105, %get3A_106] {strides = array<i32>} : memref<64x768xf32, #tpu.memory_space<vmem>>, vector<1x16xf32>,
      %get3A_108 = vector.shape_cast %get3A_107 : vector<1x16xf32> to vector<16xf32>
      %mul3A_109 = vector.broadcast %squeeze3A : f32 to vector<16xf32>
      %mul3A_110 = arith.mulf %mul3A_109, %get3A_104 : vector<16xf32>
      %mul3A_111 = vector.broadcast %squeeze3A_29 : f32 to vector<16xf32>
      %mul3A_112 = arith.mulf %mul3A_111, %get3A_108 : vector<16xf32>
      %add3A_113 = arith.addf %mul3A_110, %mul3A_112 : vector<16xf32>
      %swap3A_114 = arith.index_cast %scan3A_22 : i32 to index
      %swap3A_115 = arith.constant 64 : index
      %swap3A_116 = tpu.vector_load %arg10[%swap3A_114, %swap3A_115] {strides = array<i32>} : memref<64x768xf32, #tpu.memory_space<vmem>>, vector<1x16xf32>,
      %swap3A_117 = vector.shape_cast %swap3A_116 : vector<1x16xf32> to vector<16xf32>
      %swap3A_118 = vector.shape_cast %add3A_113 : vector<16xf32> to vector<1x16xf32>
      tpu.vector_store %arg10[%swap3A_114, %swap3A_115], %swap3A_118 {strides = array<i32>} : memref<64x768xf32, #tpu.memory_space<vmem>>, vector<1x16xf32>,
      %get3A_119 = arith.index_cast %scan3A_22 : i32 to index
      %get3A_120 = arith.constant 80 : index
      %get3A_121 = tpu.vector_load %arg10[%get3A_119, %get3A_120] {strides = array<i32>} : memref<64x768xf32, #tpu.memory_space<vmem>>, vector<1x16xf32>,
      %get3A_122 = vector.shape_cast %get3A_121 : vector<1x16xf32> to vector<16xf32>
      %get3A_123 = arith.index_cast %scan3A_22 : i32 to index
      %get3A_124 = arith.constant 80 : index
      %get3A_125 = tpu.vector_load %arg11[%get3A_123, %get3A_124] {strides = array<i32>} : memref<64x768xf32, #tpu.memory_space<vmem>>, vector<1x16xf32>,
      %get3A_126 = vector.shape_cast %get3A_125 : vector<1x16xf32> to vector<16xf32>
      %mul3A_127 = vector.broadcast %squeeze3A : f32 to vector<16xf32>
      %mul3A_128 = arith.mulf %mul3A_127, %get3A_122 : vector<16xf32>
      %mul3A_129 = vector.broadcast %squeeze3A_29 : f32 to vector<16xf32>
      %mul3A_130 = arith.mulf %mul3A_129, %get3A_126 : vector<16xf32>
      %add3A_131 = arith.addf %mul3A_128, %mul3A_130 : vector<16xf32>
      %swap3A_132 = arith.index_cast %scan3A_22 : i32 to index
      %swap3A_133 = arith.constant 80 : index
      %swap3A_134 = tpu.vector_load %arg10[%swap3A_132, %swap3A_133] {strides = array<i32>} : memref<64x768xf32, #tpu.memory_space<vmem>>, vector<1x16xf32>,
      %swap3A_135 = vector.shape_cast %swap3A_134 : vector<1x16xf32> to vector<16xf32>
      %swap3A_136 = vector.shape_cast %add3A_131 : vector<16xf32> to vector<1x16xf32>
      tpu.vector_store %arg10[%swap3A_132, %swap3A_133], %swap3A_136 {strides = array<i32>} : memref<64x768xf32, #tpu.memory_space<vmem>>, vector<1x16xf32>,
      %get3A_137 = arith.index_cast %scan3A_22 : i32 to index
      %get3A_138 = arith.constant 96 : index
      %get3A_139 = tpu.vector_load %arg10[%get3A_137, %get3A_138] {strides = array<i32>} : memref<64x768xf32, #tpu.memory_space<vmem>>, vector<1x16xf32>,
      %get3A_140 = vector.shape_cast %get3A_139 : vector<1x16xf32> to vector<16xf32>
      %get3A_141 = arith.index_cast %scan3A_22 : i32 to index
      %get3A_142 = arith.constant 96 : index
      %get3A_143 = tpu.vector_load %arg11[%get3A_141, %get3A_142] {strides = array<i32>} : memref<64x768xf32, #tpu.memory_space<vmem>>, vector<1x16xf32>,
      %get3A_144 = vector.shape_cast %get3A_143 : vector<1x16xf32> to vector<16xf32>
      %mul3A_145 = vector.broadcast %squeeze3A : f32 to vector<16xf32>
      %mul3A_146 = arith.mulf %mul3A_145, %get3A_140 : vector<16xf32>
      %mul3A_147 = vector.broadcast %squeeze3A_29 : f32 to vector<16xf32>
      %mul3A_148 = arith.mulf %mul3A_147, %get3A_144 : vector<16xf32>
      %add3A_149 = arith.addf %mul3A_146, %mul3A_148 : vector<16xf32>
      %swap3A_150 = arith.index_cast %scan3A_22 : i32 to index
      %swap3A_151 = arith.constant 96 : index
      %swap3A_152 = tpu.vector_load %arg10[%swap3A_150, %swap3A_151] {strides = array<i32>} : memref<64x768xf32, #tpu.memory_space<vmem>>, vector<1x16xf32>,
      %swap3A_153 = vector.shape_cast %swap3A_152 : vector<1x16xf32> to vector<16xf32>
      %swap3A_154 = vector.shape_cast %add3A_149 : vector<16xf32> to vector<1x16xf32>
      tpu.vector_store %arg10[%swap3A_150, %swap3A_151], %swap3A_154 {strides = array<i32>} : memref<64x768xf32, #tpu.memory_space<vmem>>, vector<1x16xf32>,
      %get3A_155 = arith.index_cast %scan3A_22 : i32 to index
      %get3A_156 = arith.constant 112 : index
      %get3A_157 = tpu.vector_load %arg10[%get3A_155, %get3A_156] {strides = array<i32>} : memref<64x768xf32, #tpu.memory_space<vmem>>, vector<1x16xf32>,
      %get3A_158 = vector.shape_cast %get3A_157 : vector<1x16xf32> to vector<16xf32>
      %get3A_159 = arith.index_cast %scan3A_22 : i32 to index
      %get3A_160 = arith.constant 112 : index
      %get3A_161 = tpu.vector_load %arg11[%get3A_159, %get3A_160] {strides = array<i32>} : memref<64x768xf32, #tpu.memory_space<vmem>>, vector<1x16xf32>,
      %get3A_162 = vector.shape_cast %get3A_161 : vector<1x16xf32> to vector<16xf32>
      %mul3A_163 = vector.broadcast %squeeze3A : f32 to vector<16xf32>
      %mul3A_164 = arith.mulf %mul3A_163, %get3A_158 : vector<16xf32>
      %mul3A_165 = vector.broadcast %squeeze3A_29 : f32 to vector<16xf32>
      %mul3A_166 = arith.mulf %mul3A_165, %get3A_162 : vector<16xf32>
      %add3A_167 = arith.addf %mul3A_164, %mul3A_166 : vector<16xf32>
      %swap3A_168 = arith.index_cast %scan3A_22 : i32 to index
      %swap3A_169 = arith.constant 112 : index
      %swap3A_170 = tpu.vector_load %arg10[%swap3A_168, %swap3A_169] {strides = array<i32>} : memref<64x768xf32, #tpu.memory_space<vmem>>, vector<1x16xf32>,
      %swap3A_171 = vector.shape_cast %swap3A_170 : vector<1x16xf32> to vector<16xf32>
      %swap3A_172 = vector.shape_cast %add3A_167 : vector<16xf32> to vector<1x16xf32>
      tpu.vector_store %arg10[%swap3A_168, %swap3A_169], %swap3A_172 {strides = array<i32>} : memref<64x768xf32, #tpu.memory_space<vmem>>, vector<1x16xf32>,
      %get3A_173 = arith.index_cast %scan3A_22 : i32 to index
      %get3A_174 = arith.constant 128 : index
      %get3A_175 = tpu.vector_load %arg10[%get3A_173, %get3A_174] {strides = array<i32>} : memref<64x768xf32, #tpu.memory_space<vmem>>, vector<1x16xf32>,
      %get3A_176 = vector.shape_cast %get3A_175 : vector<1x16xf32> to vector<16xf32>
      %get3A_177 = arith.index_cast %scan3A_22 : i32 to index
      %get3A_178 = arith.constant 128 : index
      %get3A_179 = tpu.vector_load %arg11[%get3A_177, %get3A_178] {strides = array<i32>} : memref<64x768xf32, #tpu.memory_space<vmem>>, vector<1x16xf32>,
      %get3A_180 = vector.shape_cast %get3A_179 : vector<1x16xf32> to vector<16xf32>
      %mul3A_181 = vector.broadcast %squeeze3A : f32 to vector<16xf32>
      %mul3A_182 = arith.mulf %mul3A_181, %get3A_176 : vector<16xf32>
      %mul3A_183 = vector.broadcast %squeeze3A_29 : f32 to vector<16xf32>
      %mul3A_184 = arith.mulf %mul3A_183, %get3A_180 : vector<16xf32>
      %add3A_185 = arith.addf %mul3A_182, %mul3A_184 : vector<16xf32>
      %swap3A_186 = arith.index_cast %scan3A_22 : i32 to index
      %swap3A_187 = arith.constant 128 : index
      %swap3A_188 = tpu.vector_load %arg10[%swap3A_186, %swap3A_187] {strides = array<i32>} : memref<64x768xf32, #tpu.memory_space<vmem>>, vector<1x16xf32>,
      %swap3A_189 = vector.shape_cast %swap3A_188 : vector<1x16xf32> to vector<16xf32>
      %swap3A_190 = vector.shape_cast %add3A_185 : vector<16xf32> to vector<1x16xf32>
      tpu.vector_store %arg10[%swap3A_186, %swap3A_187], %swap3A_190 {strides = array<i32>} : memref<64x768xf32, #tpu.memory_space<vmem>>, vector<1x16xf32>,
      %get3A_191 = arith.index_cast %scan3A_22 : i32 to index
      %get3A_192 = arith.constant 144 : index
      %get3A_193 = tpu.vector_load %arg10[%get3A_191, %get3A_192] {strides = array<i32>} : memref<64x768xf32, #tpu.memory_space<vmem>>, vector<1x16xf32>,
      %get3A_194 = vector.shape_cast %get3A_193 : vector<1x16xf32> to vector<16xf32>
      %get3A_195 = arith.index_cast %scan3A_22 : i32 to index
      %get3A_196 = arith.constant 144 : index
      %get3A_197 = tpu.vector_load %arg11[%get3A_195, %get3A_196] {strides = array<i32>} : memref<64x768xf32, #tpu.memory_space<vmem>>, vector<1x16xf32>,
      %get3A_198 = vector.shape_cast %get3A_197 : vector<1x16xf32> to vector<16xf32>
      %mul3A_199 = vector.broadcast %squeeze3A : f32 to vector<16xf32>
      %mul3A_200 = arith.mulf %mul3A_199, %get3A_194 : vector<16xf32>
      %mul3A_201 = vector.broadcast %squeeze3A_29 : f32 to vector<16xf32>
      %mul3A_202 = arith.mulf %mul3A_201, %get3A_198 : vector<16xf32>
      %add3A_203 = arith.addf %mul3A_200, %mul3A_202 : vector<16xf32>
      %swap3A_204 = arith.index_cast %scan3A_22 : i32 to index
      %swap3A_205 = arith.constant 144 : index
      %swap3A_206 = tpu.vector_load %arg10[%swap3A_204, %swap3A_205] {strides = array<i32>} : memref<64x768xf32, #tpu.memory_space<vmem>>, vector<1x16xf32>,
      %swap3A_207 = vector.shape_cast %swap3A_206 : vector<1x16xf32> to vector<16xf32>
      %swap3A_208 = vector.shape_cast %add3A_203 : vector<16xf32> to vector<1x16xf32>
      tpu.vector_store %arg10[%swap3A_204, %swap3A_205], %swap3A_208 {strides = array<i32>} : memref<64x768xf32, #tpu.memory_space<vmem>>, vector<1x16xf32>,
      %get3A_209 = arith.index_cast %scan3A_22 : i32 to index
      %get3A_210 = arith.constant 160 : index
      %get3A_211 = tpu.vector_load %arg10[%get3A_209, %get3A_210] {strides = array<i32>} : memref<64x768xf32, #tpu.memory_space<vmem>>, vector<1x16xf32>,
      %get3A_212 = vector.shape_cast %get3A_211 : vector<1x16xf32> to vector<16xf32>
      %get3A_213 = arith.index_cast %scan3A_22 : i32 to index
      %get3A_214 = arith.constant 160 : index
      %get3A_215 = tpu.vector_load %arg11[%get3A_213, %get3A_214] {strides = array<i32>} : memref<64x768xf32, #tpu.memory_space<vmem>>, vector<1x16xf32>,
      %get3A_216 = vector.shape_cast %get3A_215 : vector<1x16xf32> to vector<16xf32>
      %mul3A_217 = vector.broadcast %squeeze3A : f32 to vector<16xf32>
      %mul3A_218 = arith.mulf %mul3A_217, %get3A_212 : vector<16xf32>
      %mul3A_219 = vector.broadcast %squeeze3A_29 : f32 to vector<16xf32>
      %mul3A_220 = arith.mulf %mul3A_219, %get3A_216 : vector<16xf32>
      %add3A_221 = arith.addf %mul3A_218, %mul3A_220 : vector<16xf32>
      %swap3A_222 = arith.index_cast %scan3A_22 : i32 to index
      %swap3A_223 = arith.constant 160 : index
      %swap3A_224 = tpu.vector_load %arg10[%swap3A_222, %swap3A_223] {strides = array<i32>} : memref<64x768xf32, #tpu.memory_space<vmem>>, vector<1x16xf32>,
      %swap3A_225 = vector.shape_cast %swap3A_224 : vector<1x16xf32> to vector<16xf32>
      %swap3A_226 = vector.shape_cast %add3A_221 : vector<16xf32> to vector<1x16xf32>
      tpu.vector_store %arg10[%swap3A_222, %swap3A_223], %swap3A_226 {strides = array<i32>} : memref<64x768xf32, #tpu.memory_space<vmem>>, vector<1x16xf32>,
      %get3A_227 = arith.index_cast %scan3A_22 : i32 to index
      %get3A_228 = arith.constant 176 : index
      %get3A_229 = tpu.vector_load %arg10[%get3A_227, %get3A_228] {strides = array<i32>} : memref<64x768xf32, #tpu.memory_space<vmem>>, vector<1x16xf32>,
      %get3A_230 = vector.shape_cast %get3A_229 : vector<1x16xf32> to vector<16xf32>
      %get3A_231 = arith.index_cast %scan3A_22 : i32 to index
      %get3A_232 = arith.constant 176 : index
      %get3A_233 = tpu.vector_load %arg11[%get3A_231, %get3A_232] {strides = array<i32>} : memref<64x768xf32, #tpu.memory_space<vmem>>, vector<1x16xf32>,
      %get3A_234 = vector.shape_cast %get3A_233 : vector<1x16xf32> to vector<16xf32>
      %mul3A_235 = vector.broadcast %squeeze3A : f32 to vector<16xf32>
      %mul3A_236 = arith.mulf %mul3A_235, %get3A_230 : vector<16xf32>
      %mul3A_237 = vector.broadcast %squeeze3A_29 : f32 to vector<16xf32>
      %mul3A_238 = arith.mulf %mul3A_237, %get3A_234 : vector<16xf32>
      %add3A_239 = arith.addf %mul3A_236, %mul3A_238 : vector<16xf32>
      %swap3A_240 = arith.index_cast %scan3A_22 : i32 to index
      %swap3A_241 = arith.constant 176 : index
      %swap3A_242 = tpu.vector_load %arg10[%swap3A_240, %swap3A_241] {strides = array<i32>} : memref<64x768xf32, #tpu.memory_space<vmem>>, vector<1x16xf32>,
      %swap3A_243 = vector.shape_cast %swap3A_242 : vector<1x16xf32> to vector<16xf32>
      %swap3A_244 = vector.shape_cast %add3A_239 : vector<16xf32> to vector<1x16xf32>
      tpu.vector_store %arg10[%swap3A_240, %swap3A_241], %swap3A_244 {strides = array<i32>} : memref<64x768xf32, #tpu.memory_space<vmem>>, vector<1x16xf32>,
      %get3A_245 = arith.index_cast %scan3A_22 : i32 to index
      %get3A_246 = arith.constant 192 : index
      %get3A_247 = tpu.vector_load %arg10[%get3A_245, %get3A_246] {strides = array<i32>} : memref<64x768xf32, #tpu.memory_space<vmem>>, vector<1x16xf32>,
      %get3A_248 = vector.shape_cast %get3A_247 : vector<1x16xf32> to vector<16xf32>
      %get3A_249 = arith.index_cast %scan3A_22 : i32 to index
      %get3A_250 = arith.constant 192 : index
      %get3A_251 = tpu.vector_load %arg11[%get3A_249, %get3A_250] {strides = array<i32>} : memref<64x768xf32, #tpu.memory_space<vmem>>, vector<1x16xf32>,
      %get3A_252 = vector.shape_cast %get3A_251 : vector<1x16xf32> to vector<16xf32>
      %mul3A_253 = vector.broadcast %squeeze3A : f32 to vector<16xf32>
      %mul3A_254 = arith.mulf %mul3A_253, %get3A_248 : vector<16xf32>
      %mul3A_255 = vector.broadcast %squeeze3A_29 : f32 to vector<16xf32>
      %mul3A_256 = arith.mulf %mul3A_255, %get3A_252 : vector<16xf32>
      %add3A_257 = arith.addf %mul3A_254, %mul3A_256 : vector<16xf32>
      %swap3A_258 = arith.index_cast %scan3A_22 : i32 to index
      %swap3A_259 = arith.constant 192 : index
      %swap3A_260 = tpu.vector_load %arg10[%swap3A_258, %swap3A_259] {strides = array<i32>} : memref<64x768xf32, #tpu.memory_space<vmem>>, vector<1x16xf32>,
      %swap3A_261 = vector.shape_cast %swap3A_260 : vector<1x16xf32> to vector<16xf32>
      %swap3A_262 = vector.shape_cast %add3A_257 : vector<16xf32> to vector<1x16xf32>
      tpu.vector_store %arg10[%swap3A_258, %swap3A_259], %swap3A_262 {strides = array<i32>} : memref<64x768xf32, #tpu.memory_space<vmem>>, vector<1x16xf32>,
      %get3A_263 = arith.index_cast %scan3A_22 : i32 to index
      %get3A_264 = arith.constant 208 : index
      %get3A_265 = tpu.vector_load %arg10[%get3A_263, %get3A_264] {strides = array<i32>} : memref<64x768xf32, #tpu.memory_space<vmem>>, vector<1x16xf32>,
      %get3A_266 = vector.shape_cast %get3A_265 : vector<1x16xf32> to vector<16xf32>
      %get3A_267 = arith.index_cast %scan3A_22 : i32 to index
      %get3A_268 = arith.constant 208 : index
      %get3A_269 = tpu.vector_load %arg11[%get3A_267, %get3A_268] {strides = array<i32>} : memref<64x768xf32, #tpu.memory_space<vmem>>, vector<1x16xf32>,
      %get3A_270 = vector.shape_cast %get3A_269 : vector<1x16xf32> to vector<16xf32>
      %mul3A_271 = vector.broadcast %squeeze3A : f32 to vector<16xf32>
      %mul3A_272 = arith.mulf %mul3A_271, %get3A_266 : vector<16xf32>
      %mul3A_273 = vector.broadcast %squeeze3A_29 : f32 to vector<16xf32>
      %mul3A_274 = arith.mulf %mul3A_273, %get3A_270 : vector<16xf32>
      %add3A_275 = arith.addf %mul3A_272, %mul3A_274 : vector<16xf32>
      %swap3A_276 = arith.index_cast %scan3A_22 : i32 to index
      %swap3A_277 = arith.constant 208 : index
      %swap3A_278 = tpu.vector_load %arg10[%swap3A_276, %swap3A_277] {strides = array<i32>} : memref<64x768xf32, #tpu.memory_space<vmem>>, vector<1x16xf32>,
      %swap3A_279 = vector.shape_cast %swap3A_278 : vector<1x16xf32> to vector<16xf32>
      %swap3A_280 = vector.shape_cast %add3A_275 : vector<16xf32> to vector<1x16xf32>
      tpu.vector_store %arg10[%swap3A_276, %swap3A_277], %swap3A_280 {strides = array<i32>} : memref<64x768xf32, #tpu.memory_space<vmem>>, vector<1x16xf32>,
      %get3A_281 = arith.index_cast %scan3A_22 : i32 to index
      %get3A_282 = arith.constant 224 : index
      %get3A_283 = tpu.vector_load %arg10[%get3A_281, %get3A_282] {strides = array<i32>} : memref<64x768xf32, #tpu.memory_space<vmem>>, vector<1x16xf32>,
      %get3A_284 = vector.shape_cast %get3A_283 : vector<1x16xf32> to vector<16xf32>
      %get3A_285 = arith.index_cast %scan3A_22 : i32 to index
      %get3A_286 = arith.constant 224 : index
      %get3A_287 = tpu.vector_load %arg11[%get3A_285, %get3A_286] {strides = array<i32>} : memref<64x768xf32, #tpu.memory_space<vmem>>, vector<1x16xf32>,
      %get3A_288 = vector.shape_cast %get3A_287 : vector<1x16xf32> to vector<16xf32>
      %mul3A_289 = vector.broadcast %squeeze3A : f32 to vector<16xf32>
      %mul3A_290 = arith.mulf %mul3A_289, %get3A_284 : vector<16xf32>
      %mul3A_291 = vector.broadcast %squeeze3A_29 : f32 to vector<16xf32>
      %mul3A_292 = arith.mulf %mul3A_291, %get3A_288 : vector<16xf32>
      %add3A_293 = arith.addf %mul3A_290, %mul3A_292 : vector<16xf32>
      %swap3A_294 = arith.index_cast %scan3A_22 : i32 to index
      %swap3A_295 = arith.constant 224 : index
      %swap3A_296 = tpu.vector_load %arg10[%swap3A_294, %swap3A_295] {strides = array<i32>} : memref<64x768xf32, #tpu.memory_space<vmem>>, vector<1x16xf32>,
      %swap3A_297 = vector.shape_cast %swap3A_296 : vector<1x16xf32> to vector<16xf32>
      %swap3A_298 = vector.shape_cast %add3A_293 : vector<16xf32> to vector<1x16xf32>
      tpu.vector_store %arg10[%swap3A_294, %swap3A_295], %swap3A_298 {strides = array<i32>} : memref<64x768xf32, #tpu.memory_space<vmem>>, vector<1x16xf32>,
      %get3A_299 = arith.index_cast %scan3A_22 : i32 to index
      %get3A_300 = arith.constant 240 : index
      %get3A_301 = tpu.vector_load %arg10[%get3A_299, %get3A_300] {strides = array<i32>} : memref<64x768xf32, #tpu.memory_space<vmem>>, vector<1x16xf32>,
      %get3A_302 = vector.shape_cast %get3A_301 : vector<1x16xf32> to vector<16xf32>
      %get3A_303 = arith.index_cast %scan3A_22 : i32 to index
      %get3A_304 = arith.constant 240 : index
      %get3A_305 = tpu.vector_load %arg11[%get3A_303, %get3A_304] {strides = array<i32>} : memref<64x768xf32, #tpu.memory_space<vmem>>, vector<1x16xf32>,
      %get3A_306 = vector.shape_cast %get3A_305 : vector<1x16xf32> to vector<16xf32>
      %mul3A_307 = vector.broadcast %squeeze3A : f32 to vector<16xf32>
      %mul3A_308 = arith.mulf %mul3A_307, %get3A_302 : vector<16xf32>
      %mul3A_309 = vector.broadcast %squeeze3A_29 : f32 to vector<16xf32>
      %mul3A_310 = arith.mulf %mul3A_309, %get3A_306 : vector<16xf32>
      %add3A_311 = arith.addf %mul3A_308, %mul3A_310 : vector<16xf32>
      %swap3A_312 = arith.index_cast %scan3A_22 : i32 to index
      %swap3A_313 = arith.constant 240 : index
      %swap3A_314 = tpu.vector_load %arg10[%swap3A_312, %swap3A_313] {strides = array<i32>} : memref<64x768xf32, #tpu.memory_space<vmem>>, vector<1x16xf32>,
      %swap3A_315 = vector.shape_cast %swap3A_314 : vector<1x16xf32> to vector<16xf32>
      %swap3A_316 = vector.shape_cast %add3A_311 : vector<16xf32> to vector<1x16xf32>
      tpu.vector_store %arg10[%swap3A_312, %swap3A_313], %swap3A_316 {strides = array<i32>} : memref<64x768xf32, #tpu.memory_space<vmem>>, vector<1x16xf32>,
      %get3A_317 = arith.index_cast %scan3A_22 : i32 to index
      %get3A_318 = arith.constant 256 : index
      %get3A_319 = tpu.vector_load %arg10[%get3A_317, %get3A_318] {strides = array<i32>} : memref<64x768xf32, #tpu.memory_space<vmem>>, vector<1x16xf32>,
      %get3A_320 = vector.shape_cast %get3A_319 : vector<1x16xf32> to vector<16xf32>
      %get3A_321 = arith.index_cast %scan3A_22 : i32 to index
      %get3A_322 = arith.constant 256 : index
      %get3A_323 = tpu.vector_load %arg11[%get3A_321, %get3A_322] {strides = array<i32>} : memref<64x768xf32, #tpu.memory_space<vmem>>, vector<1x16xf32>,
      %get3A_324 = vector.shape_cast %get3A_323 : vector<1x16xf32> to vector<16xf32>
      %mul3A_325 = vector.broadcast %squeeze3A : f32 to vector<16xf32>
      %mul3A_326 = arith.mulf %mul3A_325, %get3A_320 : vector<16xf32>
      %mul3A_327 = vector.broadcast %squeeze3A_29 : f32 to vector<16xf32>
      %mul3A_328 = arith.mulf %mul3A_327, %get3A_324 : vector<16xf32>
      %add3A_329 = arith.addf %mul3A_326, %mul3A_328 : vector<16xf32>
      %swap3A_330 = arith.index_cast %scan3A_22 : i32 to index
      %swap3A_331 = arith.constant 256 : index
      %swap3A_332 = tpu.vector_load %arg10[%swap3A_330, %swap3A_331] {strides = array<i32>} : memref<64x768xf32, #tpu.memory_space<vmem>>, vector<1x16xf32>,
      %swap3A_333 = vector.shape_cast %swap3A_332 : vector<1x16xf32> to vector<16xf32>
      %swap3A_334 = vector.shape_cast %add3A_329 : vector<16xf32> to vector<1x16xf32>
      tpu.vector_store %arg10[%swap3A_330, %swap3A_331], %swap3A_334 {strides = array<i32>} : memref<64x768xf32, #tpu.memory_space<vmem>>, vector<1x16xf32>,
      %get3A_335 = arith.index_cast %scan3A_22 : i32 to index
      %get3A_336 = arith.constant 272 : index
      %get3A_337 = tpu.vector_load %arg10[%get3A_335, %get3A_336] {strides = array<i32>} : memref<64x768xf32, #tpu.memory_space<vmem>>, vector<1x16xf32>,
      %get3A_338 = vector.shape_cast %get3A_337 : vector<1x16xf32> to vector<16xf32>
      %get3A_339 = arith.index_cast %scan3A_22 : i32 to index
      %get3A_340 = arith.constant 272 : index
      %get3A_341 = tpu.vector_load %arg11[%get3A_339, %get3A_340] {strides = array<i32>} : memref<64x768xf32, #tpu.memory_space<vmem>>, vector<1x16xf32>,
      %get3A_342 = vector.shape_cast %get3A_341 : vector<1x16xf32> to vector<16xf32>
      %mul3A_343 = vector.broadcast %squeeze3A : f32 to vector<16xf32>
      %mul3A_344 = arith.mulf %mul3A_343, %get3A_338 : vector<16xf32>
      %mul3A_345 = vector.broadcast %squeeze3A_29 : f32 to vector<16xf32>
      %mul3A_346 = arith.mulf %mul3A_345, %get3A_342 : vector<16xf32>
      %add3A_347 = arith.addf %mul3A_344, %mul3A_346 : vector<16xf32>
      %swap3A_348 = arith.index_cast %scan3A_22 : i32 to index
      %swap3A_349 = arith.constant 272 : index
      %swap3A_350 = tpu.vector_load %arg10[%swap3A_348, %swap3A_349] {strides = array<i32>} : memref<64x768xf32, #tpu.memory_space<vmem>>, vector<1x16xf32>,
      %swap3A_351 = vector.shape_cast %swap3A_350 : vector<1x16xf32> to vector<16xf32>
      %swap3A_352 = vector.shape_cast %add3A_347 : vector<16xf32> to vector<1x16xf32>
      tpu.vector_store %arg10[%swap3A_348, %swap3A_349], %swap3A_352 {strides = array<i32>} : memref<64x768xf32, #tpu.memory_space<vmem>>, vector<1x16xf32>,
      %get3A_353 = arith.index_cast %scan3A_22 : i32 to index
      %get3A_354 = arith.constant 288 : index
      %get3A_355 = tpu.vector_load %arg10[%get3A_353, %get3A_354] {strides = array<i32>} : memref<64x768xf32, #tpu.memory_space<vmem>>, vector<1x16xf32>,
      %get3A_356 = vector.shape_cast %get3A_355 : vector<1x16xf32> to vector<16xf32>
      %get3A_357 = arith.index_cast %scan3A_22 : i32 to index
      %get3A_358 = arith.constant 288 : index
      %get3A_359 = tpu.vector_load %arg11[%get3A_357, %get3A_358] {strides = array<i32>} : memref<64x768xf32, #tpu.memory_space<vmem>>, vector<1x16xf32>,
      %get3A_360 = vector.shape_cast %get3A_359 : vector<1x16xf32> to vector<16xf32>
      %mul3A_361 = vector.broadcast %squeeze3A : f32 to vector<16xf32>
      %mul3A_362 = arith.mulf %mul3A_361, %get3A_356 : vector<16xf32>
      %mul3A_363 = vector.broadcast %squeeze3A_29 : f32 to vector<16xf32>
      %mul3A_364 = arith.mulf %mul3A_363, %get3A_360 : vector<16xf32>
      %add3A_365 = arith.addf %mul3A_362, %mul3A_364 : vector<16xf32>
      %swap3A_366 = arith.index_cast %scan3A_22 : i32 to index
      %swap3A_367 = arith.constant 288 : index
      %swap3A_368 = tpu.vector_load %arg10[%swap3A_366, %swap3A_367] {strides = array<i32>} : memref<64x768xf32, #tpu.memory_space<vmem>>, vector<1x16xf32>,
      %swap3A_369 = vector.shape_cast %swap3A_368 : vector<1x16xf32> to vector<16xf32>
      %swap3A_370 = vector.shape_cast %add3A_365 : vector<16xf32> to vector<1x16xf32>
      tpu.vector_store %arg10[%swap3A_366, %swap3A_367], %swap3A_370 {strides = array<i32>} : memref<64x768xf32, #tpu.memory_space<vmem>>, vector<1x16xf32>,
      %get3A_371 = arith.index_cast %scan3A_22 : i32 to index
      %get3A_372 = arith.constant 304 : index
      %get3A_373 = tpu.vector_load %arg10[%get3A_371, %get3A_372] {strides = array<i32>} : memref<64x768xf32, #tpu.memory_space<vmem>>, vector<1x16xf32>,
      %get3A_374 = vector.shape_cast %get3A_373 : vector<1x16xf32> to vector<16xf32>
      %get3A_375 = arith.index_cast %scan3A_22 : i32 to index
      %get3A_376 = arith.constant 304 : index
      %get3A_377 = tpu.vector_load %arg11[%get3A_375, %get3A_376] {strides = array<i32>} : memref<64x768xf32, #tpu.memory_space<vmem>>, vector<1x16xf32>,
      %get3A_378 = vector.shape_cast %get3A_377 : vector<1x16xf32> to vector<16xf32>
      %mul3A_379 = vector.broadcast %squeeze3A : f32 to vector<16xf32>
      %mul3A_380 = arith.mulf %mul3A_379, %get3A_374 : vector<16xf32>
      %mul3A_381 = vector.broadcast %squeeze3A_29 : f32 to vector<16xf32>
      %mul3A_382 = arith.mulf %mul3A_381, %get3A_378 : vector<16xf32>
      %add3A_383 = arith.addf %mul3A_380, %mul3A_382 : vector<16xf32>
      %swap3A_384 = arith.index_cast %scan3A_22 : i32 to index
      %swap3A_385 = arith.constant 304 : index
      %swap3A_386 = tpu.vector_load %arg10[%swap3A_384, %swap3A_385] {strides = array<i32>} : memref<64x768xf32, #tpu.memory_space<vmem>>, vector<1x16xf32>,
      %swap3A_387 = vector.shape_cast %swap3A_386 : vector<1x16xf32> to vector<16xf32>
      %swap3A_388 = vector.shape_cast %add3A_383 : vector<16xf32> to vector<1x16xf32>
      tpu.vector_store %arg10[%swap3A_384, %swap3A_385], %swap3A_388 {strides = array<i32>} : memref<64x768xf32, #tpu.memory_space<vmem>>, vector<1x16xf32>,
      %get3A_389 = arith.index_cast %scan3A_22 : i32 to index
      %get3A_390 = arith.constant 320 : index
      %get3A_391 = tpu.vector_load %arg10[%get3A_389, %get3A_390] {strides = array<i32>} : memref<64x768xf32, #tpu.memory_space<vmem>>, vector<1x16xf32>,
      %get3A_392 = vector.shape_cast %get3A_391 : vector<1x16xf32> to vector<16xf32>
      %get3A_393 = arith.index_cast %scan3A_22 : i32 to index
      %get3A_394 = arith.constant 320 : index
      %get3A_395 = tpu.vector_load %arg11[%get3A_393, %get3A_394] {strides = array<i32>} : memref<64x768xf32, #tpu.memory_space<vmem>>, vector<1x16xf32>,
      %get3A_396 = vector.shape_cast %get3A_395 : vector<1x16xf32> to vector<16xf32>
      %mul3A_397 = vector.broadcast %squeeze3A : f32 to vector<16xf32>
      %mul3A_398 = arith.mulf %mul3A_397, %get3A_392 : vector<16xf32>
      %mul3A_399 = vector.broadcast %squeeze3A_29 : f32 to vector<16xf32>
      %mul3A_400 = arith.mulf %mul3A_399, %get3A_396 : vector<16xf32>
      %add3A_401 = arith.addf %mul3A_398, %mul3A_400 : vector<16xf32>
      %swap3A_402 = arith.index_cast %scan3A_22 : i32 to index
      %swap3A_403 = arith.constant 320 : index
      %swap3A_404 = tpu.vector_load %arg10[%swap3A_402, %swap3A_403] {strides = array<i32>} : memref<64x768xf32, #tpu.memory_space<vmem>>, vector<1x16xf32>,
      %swap3A_405 = vector.shape_cast %swap3A_404 : vector<1x16xf32> to vector<16xf32>
      %swap3A_406 = vector.shape_cast %add3A_401 : vector<16xf32> to vector<1x16xf32>
      tpu.vector_store %arg10[%swap3A_402, %swap3A_403], %swap3A_406 {strides = array<i32>} : memref<64x768xf32, #tpu.memory_space<vmem>>, vector<1x16xf32>,
      %get3A_407 = arith.index_cast %scan3A_22 : i32 to index
      %get3A_408 = arith.constant 336 : index
      %get3A_409 = tpu.vector_load %arg10[%get3A_407, %get3A_408] {strides = array<i32>} : memref<64x768xf32, #tpu.memory_space<vmem>>, vector<1x16xf32>,
      %get3A_410 = vector.shape_cast %get3A_409 : vector<1x16xf32> to vector<16xf32>
      %get3A_411 = arith.index_cast %scan3A_22 : i32 to index
      %get3A_412 = arith.constant 336 : index
      %get3A_413 = tpu.vector_load %arg11[%get3A_411, %get3A_412] {strides = array<i32>} : memref<64x768xf32, #tpu.memory_space<vmem>>, vector<1x16xf32>,
      %get3A_414 = vector.shape_cast %get3A_413 : vector<1x16xf32> to vector<16xf32>
      %mul3A_415 = vector.broadcast %squeeze3A : f32 to vector<16xf32>
      %mul3A_416 = arith.mulf %mul3A_415, %get3A_410 : vector<16xf32>
      %mul3A_417 = vector.broadcast %squeeze3A_29 : f32 to vector<16xf32>
      %mul3A_418 = arith.mulf %mul3A_417, %get3A_414 : vector<16xf32>
      %add3A_419 = arith.addf %mul3A_416, %mul3A_418 : vector<16xf32>
      %swap3A_420 = arith.index_cast %scan3A_22 : i32 to index
      %swap3A_421 = arith.constant 336 : index
      %swap3A_422 = tpu.vector_load %arg10[%swap3A_420, %swap3A_421] {strides = array<i32>} : memref<64x768xf32, #tpu.memory_space<vmem>>, vector<1x16xf32>,
      %swap3A_423 = vector.shape_cast %swap3A_422 : vector<1x16xf32> to vector<16xf32>
      %swap3A_424 = vector.shape_cast %add3A_419 : vector<16xf32> to vector<1x16xf32>
      tpu.vector_store %arg10[%swap3A_420, %swap3A_421], %swap3A_424 {strides = array<i32>} : memref<64x768xf32, #tpu.memory_space<vmem>>, vector<1x16xf32>,
      %get3A_425 = arith.index_cast %scan3A_22 : i32 to index
      %get3A_426 = arith.constant 352 : index
      %get3A_427 = tpu.vector_load %arg10[%get3A_425, %get3A_426] {strides = array<i32>} : memref<64x768xf32, #tpu.memory_space<vmem>>, vector<1x16xf32>,
      %get3A_428 = vector.shape_cast %get3A_427 : vector<1x16xf32> to vector<16xf32>
      %get3A_429 = arith.index_cast %scan3A_22 : i32 to index
      %get3A_430 = arith.constant 352 : index
      %get3A_431 = tpu.vector_load %arg11[%get3A_429, %get3A_430] {strides = array<i32>} : memref<64x768xf32, #tpu.memory_space<vmem>>, vector<1x16xf32>,
      %get3A_432 = vector.shape_cast %get3A_431 : vector<1x16xf32> to vector<16xf32>
      %mul3A_433 = vector.broadcast %squeeze3A : f32 to vector<16xf32>
      %mul3A_434 = arith.mulf %mul3A_433, %get3A_428 : vector<16xf32>
      %mul3A_435 = vector.broadcast %squeeze3A_29 : f32 to vector<16xf32>
      %mul3A_436 = arith.mulf %mul3A_435, %get3A_432 : vector<16xf32>
      %add3A_437 = arith.addf %mul3A_434, %mul3A_436 : vector<16xf32>
      %swap3A_438 = arith.index_cast %scan3A_22 : i32 to index
      %swap3A_439 = arith.constant 352 : index
      %swap3A_440 = tpu.vector_load %arg10[%swap3A_438, %swap3A_439] {strides = array<i32>} : memref<64x768xf32, #tpu.memory_space<vmem>>, vector<1x16xf32>,
      %swap3A_441 = vector.shape_cast %swap3A_440 : vector<1x16xf32> to vector<16xf32>
      %swap3A_442 = vector.shape_cast %add3A_437 : vector<16xf32> to vector<1x16xf32>
      tpu.vector_store %arg10[%swap3A_438, %swap3A_439], %swap3A_442 {strides = array<i32>} : memref<64x768xf32, #tpu.memory_space<vmem>>, vector<1x16xf32>,
      %get3A_443 = arith.index_cast %scan3A_22 : i32 to index
      %get3A_444 = arith.constant 368 : index
      %get3A_445 = tpu.vector_load %arg10[%get3A_443, %get3A_444] {strides = array<i32>} : memref<64x768xf32, #tpu.memory_space<vmem>>, vector<1x16xf32>,
      %get3A_446 = vector.shape_cast %get3A_445 : vector<1x16xf32> to vector<16xf32>
      %get3A_447 = arith.index_cast %scan3A_22 : i32 to index
      %get3A_448 = arith.constant 368 : index
      %get3A_449 = tpu.vector_load %arg11[%get3A_447, %get3A_448] {strides = array<i32>} : memref<64x768xf32, #tpu.memory_space<vmem>>, vector<1x16xf32>,
      %get3A_450 = vector.shape_cast %get3A_449 : vector<1x16xf32> to vector<16xf32>
      %mul3A_451 = vector.broadcast %squeeze3A : f32 to vector<16xf32>
      %mul3A_452 = arith.mulf %mul3A_451, %get3A_446 : vector<16xf32>
      %mul3A_453 = vector.broadcast %squeeze3A_29 : f32 to vector<16xf32>
      %mul3A_454 = arith.mulf %mul3A_453, %get3A_450 : vector<16xf32>
      %add3A_455 = arith.addf %mul3A_452, %mul3A_454 : vector<16xf32>
      %swap3A_456 = arith.index_cast %scan3A_22 : i32 to index
      %swap3A_457 = arith.constant 368 : index
      %swap3A_458 = tpu.vector_load %arg10[%swap3A_456, %swap3A_457] {strides = array<i32>} : memref<64x768xf32, #tpu.memory_space<vmem>>, vector<1x16xf32>,
      %swap3A_459 = vector.shape_cast %swap3A_458 : vector<1x16xf32> to vector<16xf32>
      %swap3A_460 = vector.shape_cast %add3A_455 : vector<16xf32> to vector<1x16xf32>
      tpu.vector_store %arg10[%swap3A_456, %swap3A_457], %swap3A_460 {strides = array<i32>} : memref<64x768xf32, #tpu.memory_space<vmem>>, vector<1x16xf32>,
      %get3A_461 = arith.index_cast %scan3A_22 : i32 to index
      %get3A_462 = arith.constant 384 : index
      %get3A_463 = tpu.vector_load %arg10[%get3A_461, %get3A_462] {strides = array<i32>} : memref<64x768xf32, #tpu.memory_space<vmem>>, vector<1x16xf32>,
      %get3A_464 = vector.shape_cast %get3A_463 : vector<1x16xf32> to vector<16xf32>
      %get3A_465 = arith.index_cast %scan3A_22 : i32 to index
      %get3A_466 = arith.constant 384 : index
      %get3A_467 = tpu.vector_load %arg11[%get3A_465, %get3A_466] {strides = array<i32>} : memref<64x768xf32, #tpu.memory_space<vmem>>, vector<1x16xf32>,
      %get3A_468 = vector.shape_cast %get3A_467 : vector<1x16xf32> to vector<16xf32>
      %mul3A_469 = vector.broadcast %squeeze3A : f32 to vector<16xf32>
      %mul3A_470 = arith.mulf %mul3A_469, %get3A_464 : vector<16xf32>
      %mul3A_471 = vector.broadcast %squeeze3A_29 : f32 to vector<16xf32>
      %mul3A_472 = arith.mulf %mul3A_471, %get3A_468 : vector<16xf32>
      %add3A_473 = arith.addf %mul3A_470, %mul3A_472 : vector<16xf32>
      %swap3A_474 = arith.index_cast %scan3A_22 : i32 to index
      %swap3A_475 = arith.constant 384 : index
      %swap3A_476 = tpu.vector_load %arg10[%swap3A_474, %swap3A_475] {strides = array<i32>} : memref<64x768xf32, #tpu.memory_space<vmem>>, vector<1x16xf32>,
      %swap3A_477 = vector.shape_cast %swap3A_476 : vector<1x16xf32> to vector<16xf32>
      %swap3A_478 = vector.shape_cast %add3A_473 : vector<16xf32> to vector<1x16xf32>
      tpu.vector_store %arg10[%swap3A_474, %swap3A_475], %swap3A_478 {strides = array<i32>} : memref<64x768xf32, #tpu.memory_space<vmem>>, vector<1x16xf32>,
      %get3A_479 = arith.index_cast %scan3A_22 : i32 to index
      %get3A_480 = arith.constant 400 : index
      %get3A_481 = tpu.vector_load %arg10[%get3A_479, %get3A_480] {strides = array<i32>} : memref<64x768xf32, #tpu.memory_space<vmem>>, vector<1x16xf32>,
      %get3A_482 = vector.shape_cast %get3A_481 : vector<1x16xf32> to vector<16xf32>
      %get3A_483 = arith.index_cast %scan3A_22 : i32 to index
      %get3A_484 = arith.constant 400 : index
      %get3A_485 = tpu.vector_load %arg11[%get3A_483, %get3A_484] {strides = array<i32>} : memref<64x768xf32, #tpu.memory_space<vmem>>, vector<1x16xf32>,
      %get3A_486 = vector.shape_cast %get3A_485 : vector<1x16xf32> to vector<16xf32>
      %mul3A_487 = vector.broadcast %squeeze3A : f32 to vector<16xf32>
      %mul3A_488 = arith.mulf %mul3A_487, %get3A_482 : vector<16xf32>
      %mul3A_489 = vector.broadcast %squeeze3A_29 : f32 to vector<16xf32>
      %mul3A_490 = arith.mulf %mul3A_489, %get3A_486 : vector<16xf32>
      %add3A_491 = arith.addf %mul3A_488, %mul3A_490 : vector<16xf32>
      %swap3A_492 = arith.index_cast %scan3A_22 : i32 to index
      %swap3A_493 = arith.constant 400 : index
      %swap3A_494 = tpu.vector_load %arg10[%swap3A_492, %swap3A_493] {strides = array<i32>} : memref<64x768xf32, #tpu.memory_space<vmem>>, vector<1x16xf32>,
      %swap3A_495 = vector.shape_cast %swap3A_494 : vector<1x16xf32> to vector<16xf32>
      %swap3A_496 = vector.shape_cast %add3A_491 : vector<16xf32> to vector<1x16xf32>
      tpu.vector_store %arg10[%swap3A_492, %swap3A_493], %swap3A_496 {strides = array<i32>} : memref<64x768xf32, #tpu.memory_space<vmem>>, vector<1x16xf32>,
      %get3A_497 = arith.index_cast %scan3A_22 : i32 to index
      %get3A_498 = arith.constant 416 : index
      %get3A_499 = tpu.vector_load %arg10[%get3A_497, %get3A_498] {strides = array<i32>} : memref<64x768xf32, #tpu.memory_space<vmem>>, vector<1x16xf32>,
      %get3A_500 = vector.shape_cast %get3A_499 : vector<1x16xf32> to vector<16xf32>
      %get3A_501 = arith.index_cast %scan3A_22 : i32 to index
      %get3A_502 = arith.constant 416 : index
      %get3A_503 = tpu.vector_load %arg11[%get3A_501, %get3A_502] {strides = array<i32>} : memref<64x768xf32, #tpu.memory_space<vmem>>, vector<1x16xf32>,
      %get3A_504 = vector.shape_cast %get3A_503 : vector<1x16xf32> to vector<16xf32>
      %mul3A_505 = vector.broadcast %squeeze3A : f32 to vector<16xf32>
      %mul3A_506 = arith.mulf %mul3A_505, %get3A_500 : vector<16xf32>
      %mul3A_507 = vector.broadcast %squeeze3A_29 : f32 to vector<16xf32>
      %mul3A_508 = arith.mulf %mul3A_507, %get3A_504 : vector<16xf32>
      %add3A_509 = arith.addf %mul3A_506, %mul3A_508 : vector<16xf32>
      %swap3A_510 = arith.index_cast %scan3A_22 : i32 to index
      %swap3A_511 = arith.constant 416 : index
      %swap3A_512 = tpu.vector_load %arg10[%swap3A_510, %swap3A_511] {strides = array<i32>} : memref<64x768xf32, #tpu.memory_space<vmem>>, vector<1x16xf32>,
      %swap3A_513 = vector.shape_cast %swap3A_512 : vector<1x16xf32> to vector<16xf32>
      %swap3A_514 = vector.shape_cast %add3A_509 : vector<16xf32> to vector<1x16xf32>
      tpu.vector_store %arg10[%swap3A_510, %swap3A_511], %swap3A_514 {strides = array<i32>} : memref<64x768xf32, #tpu.memory_space<vmem>>, vector<1x16xf32>,
      %get3A_515 = arith.index_cast %scan3A_22 : i32 to index
      %get3A_516 = arith.constant 432 : index
      %get3A_517 = tpu.vector_load %arg10[%get3A_515, %get3A_516] {strides = array<i32>} : memref<64x768xf32, #tpu.memory_space<vmem>>, vector<1x16xf32>,
      %get3A_518 = vector.shape_cast %get3A_517 : vector<1x16xf32> to vector<16xf32>
      %get3A_519 = arith.index_cast %scan3A_22 : i32 to index
      %get3A_520 = arith.constant 432 : index
      %get3A_521 = tpu.vector_load %arg11[%get3A_519, %get3A_520] {strides = array<i32>} : memref<64x768xf32, #tpu.memory_space<vmem>>, vector<1x16xf32>,
      %get3A_522 = vector.shape_cast %get3A_521 : vector<1x16xf32> to vector<16xf32>
      %mul3A_523 = vector.broadcast %squeeze3A : f32 to vector<16xf32>
      %mul3A_524 = arith.mulf %mul3A_523, %get3A_518 : vector<16xf32>
      %mul3A_525 = vector.broadcast %squeeze3A_29 : f32 to vector<16xf32>
      %mul3A_526 = arith.mulf %mul3A_525, %get3A_522 : vector<16xf32>
      %add3A_527 = arith.addf %mul3A_524, %mul3A_526 : vector<16xf32>
      %swap3A_528 = arith.index_cast %scan3A_22 : i32 to index
      %swap3A_529 = arith.constant 432 : index
      %swap3A_530 = tpu.vector_load %arg10[%swap3A_528, %swap3A_529] {strides = array<i32>} : memref<64x768xf32, #tpu.memory_space<vmem>>, vector<1x16xf32>,
      %swap3A_531 = vector.shape_cast %swap3A_530 : vector<1x16xf32> to vector<16xf32>
      %swap3A_532 = vector.shape_cast %add3A_527 : vector<16xf32> to vector<1x16xf32>
      tpu.vector_store %arg10[%swap3A_528, %swap3A_529], %swap3A_532 {strides = array<i32>} : memref<64x768xf32, #tpu.memory_space<vmem>>, vector<1x16xf32>,
      %get3A_533 = arith.index_cast %scan3A_22 : i32 to index
      %get3A_534 = arith.constant 448 : index
      %get3A_535 = tpu.vector_load %arg10[%get3A_533, %get3A_534] {strides = array<i32>} : memref<64x768xf32, #tpu.memory_space<vmem>>, vector<1x16xf32>,
      %get3A_536 = vector.shape_cast %get3A_535 : vector<1x16xf32> to vector<16xf32>
      %get3A_537 = arith.index_cast %scan3A_22 : i32 to index
      %get3A_538 = arith.constant 448 : index
      %get3A_539 = tpu.vector_load %arg11[%get3A_537, %get3A_538] {strides = array<i32>} : memref<64x768xf32, #tpu.memory_space<vmem>>, vector<1x16xf32>,
      %get3A_540 = vector.shape_cast %get3A_539 : vector<1x16xf32> to vector<16xf32>
      %mul3A_541 = vector.broadcast %squeeze3A : f32 to vector<16xf32>
      %mul3A_542 = arith.mulf %mul3A_541, %get3A_536 : vector<16xf32>
      %mul3A_543 = vector.broadcast %squeeze3A_29 : f32 to vector<16xf32>
      %mul3A_544 = arith.mulf %mul3A_543, %get3A_540 : vector<16xf32>
      %add3A_545 = arith.addf %mul3A_542, %mul3A_544 : vector<16xf32>
      %swap3A_546 = arith.index_cast %scan3A_22 : i32 to index
      %swap3A_547 = arith.constant 448 : index
      %swap3A_548 = tpu.vector_load %arg10[%swap3A_546, %swap3A_547] {strides = array<i32>} : memref<64x768xf32, #tpu.memory_space<vmem>>, vector<1x16xf32>,
      %swap3A_549 = vector.shape_cast %swap3A_548 : vector<1x16xf32> to vector<16xf32>
      %swap3A_550 = vector.shape_cast %add3A_545 : vector<16xf32> to vector<1x16xf32>
      tpu.vector_store %arg10[%swap3A_546, %swap3A_547], %swap3A_550 {strides = array<i32>} : memref<64x768xf32, #tpu.memory_space<vmem>>, vector<1x16xf32>,
      %get3A_551 = arith.index_cast %scan3A_22 : i32 to index
      %get3A_552 = arith.constant 464 : index
      %get3A_553 = tpu.vector_load %arg10[%get3A_551, %get3A_552] {strides = array<i32>} : memref<64x768xf32, #tpu.memory_space<vmem>>, vector<1x16xf32>,
      %get3A_554 = vector.shape_cast %get3A_553 : vector<1x16xf32> to vector<16xf32>
      %get3A_555 = arith.index_cast %scan3A_22 : i32 to index
      %get3A_556 = arith.constant 464 : index
      %get3A_557 = tpu.vector_load %arg11[%get3A_555, %get3A_556] {strides = array<i32>} : memref<64x768xf32, #tpu.memory_space<vmem>>, vector<1x16xf32>,
      %get3A_558 = vector.shape_cast %get3A_557 : vector<1x16xf32> to vector<16xf32>
      %mul3A_559 = vector.broadcast %squeeze3A : f32 to vector<16xf32>
      %mul3A_560 = arith.mulf %mul3A_559, %get3A_554 : vector<16xf32>
      %mul3A_561 = vector.broadcast %squeeze3A_29 : f32 to vector<16xf32>
      %mul3A_562 = arith.mulf %mul3A_561, %get3A_558 : vector<16xf32>
      %add3A_563 = arith.addf %mul3A_560, %mul3A_562 : vector<16xf32>
      %swap3A_564 = arith.index_cast %scan3A_22 : i32 to index
      %swap3A_565 = arith.constant 464 : index
      %swap3A_566 = tpu.vector_load %arg10[%swap3A_564, %swap3A_565] {strides = array<i32>} : memref<64x768xf32, #tpu.memory_space<vmem>>, vector<1x16xf32>,
      %swap3A_567 = vector.shape_cast %swap3A_566 : vector<1x16xf32> to vector<16xf32>
      %swap3A_568 = vector.shape_cast %add3A_563 : vector<16xf32> to vector<1x16xf32>
      tpu.vector_store %arg10[%swap3A_564, %swap3A_565], %swap3A_568 {strides = array<i32>} : memref<64x768xf32, #tpu.memory_space<vmem>>, vector<1x16xf32>,
      %get3A_569 = arith.index_cast %scan3A_22 : i32 to index
      %get3A_570 = arith.constant 480 : index
      %get3A_571 = tpu.vector_load %arg10[%get3A_569, %get3A_570] {strides = array<i32>} : memref<64x768xf32, #tpu.memory_space<vmem>>, vector<1x16xf32>,
      %get3A_572 = vector.shape_cast %get3A_571 : vector<1x16xf32> to vector<16xf32>
      %get3A_573 = arith.index_cast %scan3A_22 : i32 to index
      %get3A_574 = arith.constant 480 : index
      %get3A_575 = tpu.vector_load %arg11[%get3A_573, %get3A_574] {strides = array<i32>} : memref<64x768xf32, #tpu.memory_space<vmem>>, vector<1x16xf32>,
      %get3A_576 = vector.shape_cast %get3A_575 : vector<1x16xf32> to vector<16xf32>
      %mul3A_577 = vector.broadcast %squeeze3A : f32 to vector<16xf32>
      %mul3A_578 = arith.mulf %mul3A_577, %get3A_572 : vector<16xf32>
      %mul3A_579 = vector.broadcast %squeeze3A_29 : f32 to vector<16xf32>
      %mul3A_580 = arith.mulf %mul3A_579, %get3A_576 : vector<16xf32>
      %add3A_581 = arith.addf %mul3A_578, %mul3A_580 : vector<16xf32>
      %swap3A_582 = arith.index_cast %scan3A_22 : i32 to index
      %swap3A_583 = arith.constant 480 : index
      %swap3A_584 = tpu.vector_load %arg10[%swap3A_582, %swap3A_583] {strides = array<i32>} : memref<64x768xf32, #tpu.memory_space<vmem>>, vector<1x16xf32>,
      %swap3A_585 = vector.shape_cast %swap3A_584 : vector<1x16xf32> to vector<16xf32>
      %swap3A_586 = vector.shape_cast %add3A_581 : vector<16xf32> to vector<1x16xf32>
      tpu.vector_store %arg10[%swap3A_582, %swap3A_583], %swap3A_586 {strides = array<i32>} : memref<64x768xf32, #tpu.memory_space<vmem>>, vector<1x16xf32>,
      %get3A_587 = arith.index_cast %scan3A_22 : i32 to index
      %get3A_588 = arith.constant 496 : index
      %get3A_589 = tpu.vector_load %arg10[%get3A_587, %get3A_588] {strides = array<i32>} : memref<64x768xf32, #tpu.memory_space<vmem>>, vector<1x16xf32>,
      %get3A_590 = vector.shape_cast %get3A_589 : vector<1x16xf32> to vector<16xf32>
      %get3A_591 = arith.index_cast %scan3A_22 : i32 to index
      %get3A_592 = arith.constant 496 : index
      %get3A_593 = tpu.vector_load %arg11[%get3A_591, %get3A_592] {strides = array<i32>} : memref<64x768xf32, #tpu.memory_space<vmem>>, vector<1x16xf32>,
      %get3A_594 = vector.shape_cast %get3A_593 : vector<1x16xf32> to vector<16xf32>
      %mul3A_595 = vector.broadcast %squeeze3A : f32 to vector<16xf32>
      %mul3A_596 = arith.mulf %mul3A_595, %get3A_590 : vector<16xf32>
      %mul3A_597 = vector.broadcast %squeeze3A_29 : f32 to vector<16xf32>
      %mul3A_598 = arith.mulf %mul3A_597, %get3A_594 : vector<16xf32>
      %add3A_599 = arith.addf %mul3A_596, %mul3A_598 : vector<16xf32>
      %swap3A_600 = arith.index_cast %scan3A_22 : i32 to index
      %swap3A_601 = arith.constant 496 : index
      %swap3A_602 = tpu.vector_load %arg10[%swap3A_600, %swap3A_601] {strides = array<i32>} : memref<64x768xf32, #tpu.memory_space<vmem>>, vector<1x16xf32>,
      %swap3A_603 = vector.shape_cast %swap3A_602 : vector<1x16xf32> to vector<16xf32>
      %swap3A_604 = vector.shape_cast %add3A_599 : vector<16xf32> to vector<1x16xf32>
      tpu.vector_store %arg10[%swap3A_600, %swap3A_601], %swap3A_604 {strides = array<i32>} : memref<64x768xf32, #tpu.memory_space<vmem>>, vector<1x16xf32>,
      %get3A_605 = arith.index_cast %scan3A_22 : i32 to index
      %get3A_606 = arith.constant 512 : index
      %get3A_607 = tpu.vector_load %arg10[%get3A_605, %get3A_606] {strides = array<i32>} : memref<64x768xf32, #tpu.memory_space<vmem>>, vector<1x16xf32>,
      %get3A_608 = vector.shape_cast %get3A_607 : vector<1x16xf32> to vector<16xf32>
      %get3A_609 = arith.index_cast %scan3A_22 : i32 to index
      %get3A_610 = arith.constant 512 : index
      %get3A_611 = tpu.vector_load %arg11[%get3A_609, %get3A_610] {strides = array<i32>} : memref<64x768xf32, #tpu.memory_space<vmem>>, vector<1x16xf32>,
      %get3A_612 = vector.shape_cast %get3A_611 : vector<1x16xf32> to vector<16xf32>
      %mul3A_613 = vector.broadcast %squeeze3A : f32 to vector<16xf32>
      %mul3A_614 = arith.mulf %mul3A_613, %get3A_608 : vector<16xf32>
      %mul3A_615 = vector.broadcast %squeeze3A_29 : f32 to vector<16xf32>
      %mul3A_616 = arith.mulf %mul3A_615, %get3A_612 : vector<16xf32>
      %add3A_617 = arith.addf %mul3A_614, %mul3A_616 : vector<16xf32>
      %swap3A_618 = arith.index_cast %scan3A_22 : i32 to index
      %swap3A_619 = arith.constant 512 : index
      %swap3A_620 = tpu.vector_load %arg10[%swap3A_618, %swap3A_619] {strides = array<i32>} : memref<64x768xf32, #tpu.memory_space<vmem>>, vector<1x16xf32>,
      %swap3A_621 = vector.shape_cast %swap3A_620 : vector<1x16xf32> to vector<16xf32>
      %swap3A_622 = vector.shape_cast %add3A_617 : vector<16xf32> to vector<1x16xf32>
      tpu.vector_store %arg10[%swap3A_618, %swap3A_619], %swap3A_622 {strides = array<i32>} : memref<64x768xf32, #tpu.memory_space<vmem>>, vector<1x16xf32>,
      %get3A_623 = arith.index_cast %scan3A_22 : i32 to index
      %get3A_624 = arith.constant 528 : index
      %get3A_625 = tpu.vector_load %arg10[%get3A_623, %get3A_624] {strides = array<i32>} : memref<64x768xf32, #tpu.memory_space<vmem>>, vector<1x16xf32>,
      %get3A_626 = vector.shape_cast %get3A_625 : vector<1x16xf32> to vector<16xf32>
      %get3A_627 = arith.index_cast %scan3A_22 : i32 to index
      %get3A_628 = arith.constant 528 : index
      %get3A_629 = tpu.vector_load %arg11[%get3A_627, %get3A_628] {strides = array<i32>} : memref<64x768xf32, #tpu.memory_space<vmem>>, vector<1x16xf32>,
      %get3A_630 = vector.shape_cast %get3A_629 : vector<1x16xf32> to vector<16xf32>
      %mul3A_631 = vector.broadcast %squeeze3A : f32 to vector<16xf32>
      %mul3A_632 = arith.mulf %mul3A_631, %get3A_626 : vector<16xf32>
      %mul3A_633 = vector.broadcast %squeeze3A_29 : f32 to vector<16xf32>
      %mul3A_634 = arith.mulf %mul3A_633, %get3A_630 : vector<16xf32>
      %add3A_635 = arith.addf %mul3A_632, %mul3A_634 : vector<16xf32>
      %swap3A_636 = arith.index_cast %scan3A_22 : i32 to index
      %swap3A_637 = arith.constant 528 : index
      %swap3A_638 = tpu.vector_load %arg10[%swap3A_636, %swap3A_637] {strides = array<i32>} : memref<64x768xf32, #tpu.memory_space<vmem>>, vector<1x16xf32>,
      %swap3A_639 = vector.shape_cast %swap3A_638 : vector<1x16xf32> to vector<16xf32>
      %swap3A_640 = vector.shape_cast %add3A_635 : vector<16xf32> to vector<1x16xf32>
      tpu.vector_store %arg10[%swap3A_636, %swap3A_637], %swap3A_640 {strides = array<i32>} : memref<64x768xf32, #tpu.memory_space<vmem>>, vector<1x16xf32>,
      %get3A_641 = arith.index_cast %scan3A_22 : i32 to index
      %get3A_642 = arith.constant 544 : index
      %get3A_643 = tpu.vector_load %arg10[%get3A_641, %get3A_642] {strides = array<i32>} : memref<64x768xf32, #tpu.memory_space<vmem>>, vector<1x16xf32>,
      %get3A_644 = vector.shape_cast %get3A_643 : vector<1x16xf32> to vector<16xf32>
      %get3A_645 = arith.index_cast %scan3A_22 : i32 to index
      %get3A_646 = arith.constant 544 : index
      %get3A_647 = tpu.vector_load %arg11[%get3A_645, %get3A_646] {strides = array<i32>} : memref<64x768xf32, #tpu.memory_space<vmem>>, vector<1x16xf32>,
      %get3A_648 = vector.shape_cast %get3A_647 : vector<1x16xf32> to vector<16xf32>
      %mul3A_649 = vector.broadcast %squeeze3A : f32 to vector<16xf32>
      %mul3A_650 = arith.mulf %mul3A_649, %get3A_644 : vector<16xf32>
      %mul3A_651 = vector.broadcast %squeeze3A_29 : f32 to vector<16xf32>
      %mul3A_652 = arith.mulf %mul3A_651, %get3A_648 : vector<16xf32>
      %add3A_653 = arith.addf %mul3A_650, %mul3A_652 : vector<16xf32>
      %swap3A_654 = arith.index_cast %scan3A_22 : i32 to index
      %swap3A_655 = arith.constant 544 : index
      %swap3A_656 = tpu.vector_load %arg10[%swap3A_654, %swap3A_655] {strides = array<i32>} : memref<64x768xf32, #tpu.memory_space<vmem>>, vector<1x16xf32>,
      %swap3A_657 = vector.shape_cast %swap3A_656 : vector<1x16xf32> to vector<16xf32>
      %swap3A_658 = vector.shape_cast %add3A_653 : vector<16xf32> to vector<1x16xf32>
      tpu.vector_store %arg10[%swap3A_654, %swap3A_655], %swap3A_658 {strides = array<i32>} : memref<64x768xf32, #tpu.memory_space<vmem>>, vector<1x16xf32>,
      %get3A_659 = arith.index_cast %scan3A_22 : i32 to index
      %get3A_660 = arith.constant 560 : index
      %get3A_661 = tpu.vector_load %arg10[%get3A_659, %get3A_660] {strides = array<i32>} : memref<64x768xf32, #tpu.memory_space<vmem>>, vector<1x16xf32>,
      %get3A_662 = vector.shape_cast %get3A_661 : vector<1x16xf32> to vector<16xf32>
      %get3A_663 = arith.index_cast %scan3A_22 : i32 to index
      %get3A_664 = arith.constant 560 : index
      %get3A_665 = tpu.vector_load %arg11[%get3A_663, %get3A_664] {strides = array<i32>} : memref<64x768xf32, #tpu.memory_space<vmem>>, vector<1x16xf32>,
      %get3A_666 = vector.shape_cast %get3A_665 : vector<1x16xf32> to vector<16xf32>
      %mul3A_667 = vector.broadcast %squeeze3A : f32 to vector<16xf32>
      %mul3A_668 = arith.mulf %mul3A_667, %get3A_662 : vector<16xf32>
      %mul3A_669 = vector.broadcast %squeeze3A_29 : f32 to vector<16xf32>
      %mul3A_670 = arith.mulf %mul3A_669, %get3A_666 : vector<16xf32>
      %add3A_671 = arith.addf %mul3A_668, %mul3A_670 : vector<16xf32>
      %swap3A_672 = arith.index_cast %scan3A_22 : i32 to index
      %swap3A_673 = arith.constant 560 : index
      %swap3A_674 = tpu.vector_load %arg10[%swap3A_672, %swap3A_673] {strides = array<i32>} : memref<64x768xf32, #tpu.memory_space<vmem>>, vector<1x16xf32>,
      %swap3A_675 = vector.shape_cast %swap3A_674 : vector<1x16xf32> to vector<16xf32>
      %swap3A_676 = vector.shape_cast %add3A_671 : vector<16xf32> to vector<1x16xf32>
      tpu.vector_store %arg10[%swap3A_672, %swap3A_673], %swap3A_676 {strides = array<i32>} : memref<64x768xf32, #tpu.memory_space<vmem>>, vector<1x16xf32>,
      %get3A_677 = arith.index_cast %scan3A_22 : i32 to index
      %get3A_678 = arith.constant 576 : index
      %get3A_679 = tpu.vector_load %arg10[%get3A_677, %get3A_678] {strides = array<i32>} : memref<64x768xf32, #tpu.memory_space<vmem>>, vector<1x16xf32>,
      %get3A_680 = vector.shape_cast %get3A_679 : vector<1x16xf32> to vector<16xf32>
      %get3A_681 = arith.index_cast %scan3A_22 : i32 to index
      %get3A_682 = arith.constant 576 : index
      %get3A_683 = tpu.vector_load %arg11[%get3A_681, %get3A_682] {strides = array<i32>} : memref<64x768xf32, #tpu.memory_space<vmem>>, vector<1x16xf32>,
      %get3A_684 = vector.shape_cast %get3A_683 : vector<1x16xf32> to vector<16xf32>
      %mul3A_685 = vector.broadcast %squeeze3A : f32 to vector<16xf32>
      %mul3A_686 = arith.mulf %mul3A_685, %get3A_680 : vector<16xf32>
      %mul3A_687 = vector.broadcast %squeeze3A_29 : f32 to vector<16xf32>
      %mul3A_688 = arith.mulf %mul3A_687, %get3A_684 : vector<16xf32>
      %add3A_689 = arith.addf %mul3A_686, %mul3A_688 : vector<16xf32>
      %swap3A_690 = arith.index_cast %scan3A_22 : i32 to index
      %swap3A_691 = arith.constant 576 : index
      %swap3A_692 = tpu.vector_load %arg10[%swap3A_690, %swap3A_691] {strides = array<i32>} : memref<64x768xf32, #tpu.memory_space<vmem>>, vector<1x16xf32>,
      %swap3A_693 = vector.shape_cast %swap3A_692 : vector<1x16xf32> to vector<16xf32>
      %swap3A_694 = vector.shape_cast %add3A_689 : vector<16xf32> to vector<1x16xf32>
      tpu.vector_store %arg10[%swap3A_690, %swap3A_691], %swap3A_694 {strides = array<i32>} : memref<64x768xf32, #tpu.memory_space<vmem>>, vector<1x16xf32>,
      %get3A_695 = arith.index_cast %scan3A_22 : i32 to index
      %get3A_696 = arith.constant 592 : index
      %get3A_697 = tpu.vector_load %arg10[%get3A_695, %get3A_696] {strides = array<i32>} : memref<64x768xf32, #tpu.memory_space<vmem>>, vector<1x16xf32>,
      %get3A_698 = vector.shape_cast %get3A_697 : vector<1x16xf32> to vector<16xf32>
      %get3A_699 = arith.index_cast %scan3A_22 : i32 to index
      %get3A_700 = arith.constant 592 : index
      %get3A_701 = tpu.vector_load %arg11[%get3A_699, %get3A_700] {strides = array<i32>} : memref<64x768xf32, #tpu.memory_space<vmem>>, vector<1x16xf32>,
      %get3A_702 = vector.shape_cast %get3A_701 : vector<1x16xf32> to vector<16xf32>
      %mul3A_703 = vector.broadcast %squeeze3A : f32 to vector<16xf32>
      %mul3A_704 = arith.mulf %mul3A_703, %get3A_698 : vector<16xf32>
      %mul3A_705 = vector.broadcast %squeeze3A_29 : f32 to vector<16xf32>
      %mul3A_706 = arith.mulf %mul3A_705, %get3A_702 : vector<16xf32>
      %add3A_707 = arith.addf %mul3A_704, %mul3A_706 : vector<16xf32>
      %swap3A_708 = arith.index_cast %scan3A_22 : i32 to index
      %swap3A_709 = arith.constant 592 : index
      %swap3A_710 = tpu.vector_load %arg10[%swap3A_708, %swap3A_709] {strides = array<i32>} : memref<64x768xf32, #tpu.memory_space<vmem>>, vector<1x16xf32>,
      %swap3A_711 = vector.shape_cast %swap3A_710 : vector<1x16xf32> to vector<16xf32>
      %swap3A_712 = vector.shape_cast %add3A_707 : vector<16xf32> to vector<1x16xf32>
      tpu.vector_store %arg10[%swap3A_708, %swap3A_709], %swap3A_712 {strides = array<i32>} : memref<64x768xf32, #tpu.memory_space<vmem>>, vector<1x16xf32>,
      %get3A_713 = arith.index_cast %scan3A_22 : i32 to index
      %get3A_714 = arith.constant 608 : index
      %get3A_715 = tpu.vector_load %arg10[%get3A_713, %get3A_714] {strides = array<i32>} : memref<64x768xf32, #tpu.memory_space<vmem>>, vector<1x16xf32>,
      %get3A_716 = vector.shape_cast %get3A_715 : vector<1x16xf32> to vector<16xf32>
      %get3A_717 = arith.index_cast %scan3A_22 : i32 to index
      %get3A_718 = arith.constant 608 : index
      %get3A_719 = tpu.vector_load %arg11[%get3A_717, %get3A_718] {strides = array<i32>} : memref<64x768xf32, #tpu.memory_space<vmem>>, vector<1x16xf32>,
      %get3A_720 = vector.shape_cast %get3A_719 : vector<1x16xf32> to vector<16xf32>
      %mul3A_721 = vector.broadcast %squeeze3A : f32 to vector<16xf32>
      %mul3A_722 = arith.mulf %mul3A_721, %get3A_716 : vector<16xf32>
      %mul3A_723 = vector.broadcast %squeeze3A_29 : f32 to vector<16xf32>
      %mul3A_724 = arith.mulf %mul3A_723, %get3A_720 : vector<16xf32>
      %add3A_725 = arith.addf %mul3A_722, %mul3A_724 : vector<16xf32>
      %swap3A_726 = arith.index_cast %scan3A_22 : i32 to index
      %swap3A_727 = arith.constant 608 : index
      %swap3A_728 = tpu.vector_load %arg10[%swap3A_726, %swap3A_727] {strides = array<i32>} : memref<64x768xf32, #tpu.memory_space<vmem>>, vector<1x16xf32>,
      %swap3A_729 = vector.shape_cast %swap3A_728 : vector<1x16xf32> to vector<16xf32>
      %swap3A_730 = vector.shape_cast %add3A_725 : vector<16xf32> to vector<1x16xf32>
      tpu.vector_store %arg10[%swap3A_726, %swap3A_727], %swap3A_730 {strides = array<i32>} : memref<64x768xf32, #tpu.memory_space<vmem>>, vector<1x16xf32>,
      %get3A_731 = arith.index_cast %scan3A_22 : i32 to index
      %get3A_732 = arith.constant 624 : index
      %get3A_733 = tpu.vector_load %arg10[%get3A_731, %get3A_732] {strides = array<i32>} : memref<64x768xf32, #tpu.memory_space<vmem>>, vector<1x16xf32>,
      %get3A_734 = vector.shape_cast %get3A_733 : vector<1x16xf32> to vector<16xf32>
      %get3A_735 = arith.index_cast %scan3A_22 : i32 to index
      %get3A_736 = arith.constant 624 : index
      %get3A_737 = tpu.vector_load %arg11[%get3A_735, %get3A_736] {strides = array<i32>} : memref<64x768xf32, #tpu.memory_space<vmem>>, vector<1x16xf32>,
      %get3A_738 = vector.shape_cast %get3A_737 : vector<1x16xf32> to vector<16xf32>
      %mul3A_739 = vector.broadcast %squeeze3A : f32 to vector<16xf32>
      %mul3A_740 = arith.mulf %mul3A_739, %get3A_734 : vector<16xf32>
      %mul3A_741 = vector.broadcast %squeeze3A_29 : f32 to vector<16xf32>
      %mul3A_742 = arith.mulf %mul3A_741, %get3A_738 : vector<16xf32>
      %add3A_743 = arith.addf %mul3A_740, %mul3A_742 : vector<16xf32>
      %swap3A_744 = arith.index_cast %scan3A_22 : i32 to index
      %swap3A_745 = arith.constant 624 : index
      %swap3A_746 = tpu.vector_load %arg10[%swap3A_744, %swap3A_745] {strides = array<i32>} : memref<64x768xf32, #tpu.memory_space<vmem>>, vector<1x16xf32>,
      %swap3A_747 = vector.shape_cast %swap3A_746 : vector<1x16xf32> to vector<16xf32>
      %swap3A_748 = vector.shape_cast %add3A_743 : vector<16xf32> to vector<1x16xf32>
      tpu.vector_store %arg10[%swap3A_744, %swap3A_745], %swap3A_748 {strides = array<i32>} : memref<64x768xf32, #tpu.memory_space<vmem>>, vector<1x16xf32>,
      %get3A_749 = arith.index_cast %scan3A_22 : i32 to index
      %get3A_750 = arith.constant 640 : index
      %get3A_751 = tpu.vector_load %arg10[%get3A_749, %get3A_750] {strides = array<i32>} : memref<64x768xf32, #tpu.memory_space<vmem>>, vector<1x16xf32>,
      %get3A_752 = vector.shape_cast %get3A_751 : vector<1x16xf32> to vector<16xf32>
      %get3A_753 = arith.index_cast %scan3A_22 : i32 to index
      %get3A_754 = arith.constant 640 : index
      %get3A_755 = tpu.vector_load %arg11[%get3A_753, %get3A_754] {strides = array<i32>} : memref<64x768xf32, #tpu.memory_space<vmem>>, vector<1x16xf32>,
      %get3A_756 = vector.shape_cast %get3A_755 : vector<1x16xf32> to vector<16xf32>
      %mul3A_757 = vector.broadcast %squeeze3A : f32 to vector<16xf32>
      %mul3A_758 = arith.mulf %mul3A_757, %get3A_752 : vector<16xf32>
      %mul3A_759 = vector.broadcast %squeeze3A_29 : f32 to vector<16xf32>
      %mul3A_760 = arith.mulf %mul3A_759, %get3A_756 : vector<16xf32>
      %add3A_761 = arith.addf %mul3A_758, %mul3A_760 : vector<16xf32>
      %swap3A_762 = arith.index_cast %scan3A_22 : i32 to index
      %swap3A_763 = arith.constant 640 : index
      %swap3A_764 = tpu.vector_load %arg10[%swap3A_762, %swap3A_763] {strides = array<i32>} : memref<64x768xf32, #tpu.memory_space<vmem>>, vector<1x16xf32>,
      %swap3A_765 = vector.shape_cast %swap3A_764 : vector<1x16xf32> to vector<16xf32>
      %swap3A_766 = vector.shape_cast %add3A_761 : vector<16xf32> to vector<1x16xf32>
      tpu.vector_store %arg10[%swap3A_762, %swap3A_763], %swap3A_766 {strides = array<i32>} : memref<64x768xf32, #tpu.memory_space<vmem>>, vector<1x16xf32>,
      %get3A_767 = arith.index_cast %scan3A_22 : i32 to index
      %get3A_768 = arith.constant 656 : index
      %get3A_769 = tpu.vector_load %arg10[%get3A_767, %get3A_768] {strides = array<i32>} : memref<64x768xf32, #tpu.memory_space<vmem>>, vector<1x16xf32>,
      %get3A_770 = vector.shape_cast %get3A_769 : vector<1x16xf32> to vector<16xf32>
      %get3A_771 = arith.index_cast %scan3A_22 : i32 to index
      %get3A_772 = arith.constant 656 : index
      %get3A_773 = tpu.vector_load %arg11[%get3A_771, %get3A_772] {strides = array<i32>} : memref<64x768xf32, #tpu.memory_space<vmem>>, vector<1x16xf32>,
      %get3A_774 = vector.shape_cast %get3A_773 : vector<1x16xf32> to vector<16xf32>
      %mul3A_775 = vector.broadcast %squeeze3A : f32 to vector<16xf32>
      %mul3A_776 = arith.mulf %mul3A_775, %get3A_770 : vector<16xf32>
      %mul3A_777 = vector.broadcast %squeeze3A_29 : f32 to vector<16xf32>
      %mul3A_778 = arith.mulf %mul3A_777, %get3A_774 : vector<16xf32>
      %add3A_779 = arith.addf %mul3A_776, %mul3A_778 : vector<16xf32>
      %swap3A_780 = arith.index_cast %scan3A_22 : i32 to index
      %swap3A_781 = arith.constant 656 : index
      %swap3A_782 = tpu.vector_load %arg10[%swap3A_780, %swap3A_781] {strides = array<i32>} : memref<64x768xf32, #tpu.memory_space<vmem>>, vector<1x16xf32>,
      %swap3A_783 = vector.shape_cast %swap3A_782 : vector<1x16xf32> to vector<16xf32>
      %swap3A_784 = vector.shape_cast %add3A_779 : vector<16xf32> to vector<1x16xf32>
      tpu.vector_store %arg10[%swap3A_780, %swap3A_781], %swap3A_784 {strides = array<i32>} : memref<64x768xf32, #tpu.memory_space<vmem>>, vector<1x16xf32>,
      %get3A_785 = arith.index_cast %scan3A_22 : i32 to index
      %get3A_786 = arith.constant 672 : index
      %get3A_787 = tpu.vector_load %arg10[%get3A_785, %get3A_786] {strides = array<i32>} : memref<64x768xf32, #tpu.memory_space<vmem>>, vector<1x16xf32>,
      %get3A_788 = vector.shape_cast %get3A_787 : vector<1x16xf32> to vector<16xf32>
      %get3A_789 = arith.index_cast %scan3A_22 : i32 to index
      %get3A_790 = arith.constant 672 : index
      %get3A_791 = tpu.vector_load %arg11[%get3A_789, %get3A_790] {strides = array<i32>} : memref<64x768xf32, #tpu.memory_space<vmem>>, vector<1x16xf32>,
      %get3A_792 = vector.shape_cast %get3A_791 : vector<1x16xf32> to vector<16xf32>
      %mul3A_793 = vector.broadcast %squeeze3A : f32 to vector<16xf32>
      %mul3A_794 = arith.mulf %mul3A_793, %get3A_788 : vector<16xf32>
      %mul3A_795 = vector.broadcast %squeeze3A_29 : f32 to vector<16xf32>
      %mul3A_796 = arith.mulf %mul3A_795, %get3A_792 : vector<16xf32>
      %add3A_797 = arith.addf %mul3A_794, %mul3A_796 : vector<16xf32>
      %swap3A_798 = arith.index_cast %scan3A_22 : i32 to index
      %swap3A_799 = arith.constant 672 : index
      %swap3A_800 = tpu.vector_load %arg10[%swap3A_798, %swap3A_799] {strides = array<i32>} : memref<64x768xf32, #tpu.memory_space<vmem>>, vector<1x16xf32>,
      %swap3A_801 = vector.shape_cast %swap3A_800 : vector<1x16xf32> to vector<16xf32>
      %swap3A_802 = vector.shape_cast %add3A_797 : vector<16xf32> to vector<1x16xf32>
      tpu.vector_store %arg10[%swap3A_798, %swap3A_799], %swap3A_802 {strides = array<i32>} : memref<64x768xf32, #tpu.memory_space<vmem>>, vector<1x16xf32>,
      %get3A_803 = arith.index_cast %scan3A_22 : i32 to index
      %get3A_804 = arith.constant 688 : index
      %get3A_805 = tpu.vector_load %arg10[%get3A_803, %get3A_804] {strides = array<i32>} : memref<64x768xf32, #tpu.memory_space<vmem>>, vector<1x16xf32>,
      %get3A_806 = vector.shape_cast %get3A_805 : vector<1x16xf32> to vector<16xf32>
      %get3A_807 = arith.index_cast %scan3A_22 : i32 to index
      %get3A_808 = arith.constant 688 : index
      %get3A_809 = tpu.vector_load %arg11[%get3A_807, %get3A_808] {strides = array<i32>} : memref<64x768xf32, #tpu.memory_space<vmem>>, vector<1x16xf32>,
      %get3A_810 = vector.shape_cast %get3A_809 : vector<1x16xf32> to vector<16xf32>
      %mul3A_811 = vector.broadcast %squeeze3A : f32 to vector<16xf32>
      %mul3A_812 = arith.mulf %mul3A_811, %get3A_806 : vector<16xf32>
      %mul3A_813 = vector.broadcast %squeeze3A_29 : f32 to vector<16xf32>
      %mul3A_814 = arith.mulf %mul3A_813, %get3A_810 : vector<16xf32>
      %add3A_815 = arith.addf %mul3A_812, %mul3A_814 : vector<16xf32>
      %swap3A_816 = arith.index_cast %scan3A_22 : i32 to index
      %swap3A_817 = arith.constant 688 : index
      %swap3A_818 = tpu.vector_load %arg10[%swap3A_816, %swap3A_817] {strides = array<i32>} : memref<64x768xf32, #tpu.memory_space<vmem>>, vector<1x16xf32>,
      %swap3A_819 = vector.shape_cast %swap3A_818 : vector<1x16xf32> to vector<16xf32>
      %swap3A_820 = vector.shape_cast %add3A_815 : vector<16xf32> to vector<1x16xf32>
      tpu.vector_store %arg10[%swap3A_816, %swap3A_817], %swap3A_820 {strides = array<i32>} : memref<64x768xf32, #tpu.memory_space<vmem>>, vector<1x16xf32>,
      %get3A_821 = arith.index_cast %scan3A_22 : i32 to index
      %get3A_822 = arith.constant 704 : index
      %get3A_823 = tpu.vector_load %arg10[%get3A_821, %get3A_822] {strides = array<i32>} : memref<64x768xf32, #tpu.memory_space<vmem>>, vector<1x16xf32>,
      %get3A_824 = vector.shape_cast %get3A_823 : vector<1x16xf32> to vector<16xf32>
      %get3A_825 = arith.index_cast %scan3A_22 : i32 to index
      %get3A_826 = arith.constant 704 : index
      %get3A_827 = tpu.vector_load %arg11[%get3A_825, %get3A_826] {strides = array<i32>} : memref<64x768xf32, #tpu.memory_space<vmem>>, vector<1x16xf32>,
      %get3A_828 = vector.shape_cast %get3A_827 : vector<1x16xf32> to vector<16xf32>
      %mul3A_829 = vector.broadcast %squeeze3A : f32 to vector<16xf32>
      %mul3A_830 = arith.mulf %mul3A_829, %get3A_824 : vector<16xf32>
      %mul3A_831 = vector.broadcast %squeeze3A_29 : f32 to vector<16xf32>
      %mul3A_832 = arith.mulf %mul3A_831, %get3A_828 : vector<16xf32>
      %add3A_833 = arith.addf %mul3A_830, %mul3A_832 : vector<16xf32>
      %swap3A_834 = arith.index_cast %scan3A_22 : i32 to index
      %swap3A_835 = arith.constant 704 : index
      %swap3A_836 = tpu.vector_load %arg10[%swap3A_834, %swap3A_835] {strides = array<i32>} : memref<64x768xf32, #tpu.memory_space<vmem>>, vector<1x16xf32>,
      %swap3A_837 = vector.shape_cast %swap3A_836 : vector<1x16xf32> to vector<16xf32>
      %swap3A_838 = vector.shape_cast %add3A_833 : vector<16xf32> to vector<1x16xf32>
      tpu.vector_store %arg10[%swap3A_834, %swap3A_835], %swap3A_838 {strides = array<i32>} : memref<64x768xf32, #tpu.memory_space<vmem>>, vector<1x16xf32>,
      %get3A_839 = arith.index_cast %scan3A_22 : i32 to index
      %get3A_840 = arith.constant 720 : index
      %get3A_841 = tpu.vector_load %arg10[%get3A_839, %get3A_840] {strides = array<i32>} : memref<64x768xf32, #tpu.memory_space<vmem>>, vector<1x16xf32>,
      %get3A_842 = vector.shape_cast %get3A_841 : vector<1x16xf32> to vector<16xf32>
      %get3A_843 = arith.index_cast %scan3A_22 : i32 to index
      %get3A_844 = arith.constant 720 : index
      %get3A_845 = tpu.vector_load %arg11[%get3A_843, %get3A_844] {strides = array<i32>} : memref<64x768xf32, #tpu.memory_space<vmem>>, vector<1x16xf32>,
      %get3A_846 = vector.shape_cast %get3A_845 : vector<1x16xf32> to vector<16xf32>
      %mul3A_847 = vector.broadcast %squeeze3A : f32 to vector<16xf32>
      %mul3A_848 = arith.mulf %mul3A_847, %get3A_842 : vector<16xf32>
      %mul3A_849 = vector.broadcast %squeeze3A_29 : f32 to vector<16xf32>
      %mul3A_850 = arith.mulf %mul3A_849, %get3A_846 : vector<16xf32>
      %add3A_851 = arith.addf %mul3A_848, %mul3A_850 : vector<16xf32>
      %swap3A_852 = arith.index_cast %scan3A_22 : i32 to index
      %swap3A_853 = arith.constant 720 : index
      %swap3A_854 = tpu.vector_load %arg10[%swap3A_852, %swap3A_853] {strides = array<i32>} : memref<64x768xf32, #tpu.memory_space<vmem>>, vector<1x16xf32>,
      %swap3A_855 = vector.shape_cast %swap3A_854 : vector<1x16xf32> to vector<16xf32>
      %swap3A_856 = vector.shape_cast %add3A_851 : vector<16xf32> to vector<1x16xf32>
      tpu.vector_store %arg10[%swap3A_852, %swap3A_853], %swap3A_856 {strides = array<i32>} : memref<64x768xf32, #tpu.memory_space<vmem>>, vector<1x16xf32>,
      %get3A_857 = arith.index_cast %scan3A_22 : i32 to index
      %get3A_858 = arith.constant 736 : index
      %get3A_859 = tpu.vector_load %arg10[%get3A_857, %get3A_858] {strides = array<i32>} : memref<64x768xf32, #tpu.memory_space<vmem>>, vector<1x16xf32>,
      %get3A_860 = vector.shape_cast %get3A_859 : vector<1x16xf32> to vector<16xf32>
      %get3A_861 = arith.index_cast %scan3A_22 : i32 to index
      %get3A_862 = arith.constant 736 : index
      %get3A_863 = tpu.vector_load %arg11[%get3A_861, %get3A_862] {strides = array<i32>} : memref<64x768xf32, #tpu.memory_space<vmem>>, vector<1x16xf32>,
      %get3A_864 = vector.shape_cast %get3A_863 : vector<1x16xf32> to vector<16xf32>
      %mul3A_865 = vector.broadcast %squeeze3A : f32 to vector<16xf32>
      %mul3A_866 = arith.mulf %mul3A_865, %get3A_860 : vector<16xf32>
      %mul3A_867 = vector.broadcast %squeeze3A_29 : f32 to vector<16xf32>
      %mul3A_868 = arith.mulf %mul3A_867, %get3A_864 : vector<16xf32>
      %add3A_869 = arith.addf %mul3A_866, %mul3A_868 : vector<16xf32>
      %swap3A_870 = arith.index_cast %scan3A_22 : i32 to index
      %swap3A_871 = arith.constant 736 : index
      %swap3A_872 = tpu.vector_load %arg10[%swap3A_870, %swap3A_871] {strides = array<i32>} : memref<64x768xf32, #tpu.memory_space<vmem>>, vector<1x16xf32>,
      %swap3A_873 = vector.shape_cast %swap3A_872 : vector<1x16xf32> to vector<16xf32>
      %swap3A_874 = vector.shape_cast %add3A_869 : vector<16xf32> to vector<1x16xf32>
      tpu.vector_store %arg10[%swap3A_870, %swap3A_871], %swap3A_874 {strides = array<i32>} : memref<64x768xf32, #tpu.memory_space<vmem>>, vector<1x16xf32>,
      %get3A_875 = arith.index_cast %scan3A_22 : i32 to index
      %get3A_876 = arith.constant 752 : index
      %get3A_877 = tpu.vector_load %arg10[%get3A_875, %get3A_876] {strides = array<i32>} : memref<64x768xf32, #tpu.memory_space<vmem>>, vector<1x16xf32>,
      %get3A_878 = vector.shape_cast %get3A_877 : vector<1x16xf32> to vector<16xf32>
      %get3A_879 = arith.index_cast %scan3A_22 : i32 to index
      %get3A_880 = arith.constant 752 : index
      %get3A_881 = tpu.vector_load %arg11[%get3A_879, %get3A_880] {strides = array<i32>} : memref<64x768xf32, #tpu.memory_space<vmem>>, vector<1x16xf32>,
      %get3A_882 = vector.shape_cast %get3A_881 : vector<1x16xf32> to vector<16xf32>
      %mul3A_883 = vector.broadcast %squeeze3A : f32 to vector<16xf32>
      %mul3A_884 = arith.mulf %mul3A_883, %get3A_878 : vector<16xf32>
      %mul3A_885 = vector.broadcast %squeeze3A_29 : f32 to vector<16xf32>
      %mul3A_886 = arith.mulf %mul3A_885, %get3A_882 : vector<16xf32>
      %add3A_887 = arith.addf %mul3A_884, %mul3A_886 : vector<16xf32>
      %swap3A_888 = arith.index_cast %scan3A_22 : i32 to index
      %swap3A_889 = arith.constant 752 : index
      %swap3A_890 = tpu.vector_load %arg10[%swap3A_888, %swap3A_889] {strides = array<i32>} : memref<64x768xf32, #tpu.memory_space<vmem>>, vector<1x16xf32>,
      %swap3A_891 = vector.shape_cast %swap3A_890 : vector<1x16xf32> to vector<16xf32>
      %swap3A_892 = vector.shape_cast %add3A_887 : vector<16xf32> to vector<1x16xf32>
      tpu.vector_store %arg10[%swap3A_888, %swap3A_889], %swap3A_892 {strides = array<i32>} : memref<64x768xf32, #tpu.memory_space<vmem>>, vector<1x16xf32>,
    }
    %scan3A_21 = arith.constant 64 : i32
    "tpu.region"() ({
      %run_scoped3A = tpu.sem_alloc : memref<!tpu.dma_semaphore, #tpu.memory_space<semaphore_mem>>
      %dma_start3A_22 = arith.constant 0 : i32
      %dma_start3A_23 = tpu.memref_slice %arg5[%mul3A_2, %dma_start3A_22] : memref<2048x768xf32, #tpu.memory_space<hbm>> -> memref<64x768xf32, #tpu.memory_space<hbm>>
      %dma_start3A_24 = arith.constant 0 : i32
      %dma_start3A_25 = tpu.memref_slice %arg5[%mul3A_2, %dma_start3A_24] : memref<2048x768xf32, #tpu.memory_space<hbm>> -> memref<64x768xf32, #tpu.memory_space<hbm>>
      tpu.enqueue_dma source(%arg10 : memref<64x768xf32, #tpu.memory_space<vmem>>) target(%dma_start3A_25 : memref<64x768xf32, #tpu.memory_space<hbm>>) target_semaphore(%run_scoped3A : memref<!tpu.dma_semaphore, #tpu.memory_space<semaphore_mem>>)
      %dma_wait3A_26 = arith.constant 0 : i32
      %dma_wait3A_27 = tpu.memref_slice %arg5[%mul3A_2, %dma_wait3A_26] : memref<2048x768xf32, #tpu.memory_space<hbm>> -> memref<64x768xf32, #tpu.memory_space<hbm>>
      %dma_wait3A_28 = arith.constant 0 : i32
      %dma_wait3A_29 = tpu.memref_slice %arg5[%mul3A_2, %dma_wait3A_28] : memref<2048x768xf32, #tpu.memory_space<hbm>> -> memref<64x768xf32, #tpu.memory_space<hbm>>
      tpu.wait_dma2 semaphore(%run_scoped3A : memref<!tpu.dma_semaphore, #tpu.memory_space<semaphore_mem>>) src(%arg10 : memref<64x768xf32, #tpu.memory_space<vmem>>) dst(%dma_wait3A_29 : memref<64x768xf32, #tpu.memory_space<hbm>>)
      tpu.yield
    }) : () -> ()
    return
  }
}

#map = affine_map<(d0, d1) -> (0, 0)>
#map1 = affine_map<(d0, d1) -> (0)>
module attributes {stable_mosaic.version = 14 : i64} {
  func.func @_scatter_body(%arg0: i32, %arg1: i32, %arg2: memref<2048x768xf32, #tpu.memory_space<hbm>>, %arg3: memref<4096xi32, #tpu.memory_space<hbm>>, %arg4: memref<8192x768xf32, #tpu.memory_space<hbm>>, %arg5: memref<64xi32, #tpu.memory_space<vmem>>, %arg6: memref<64xi32, #tpu.memory_space<vmem>>, %arg7: memref<64x768xf32, #tpu.memory_space<vmem>>, %arg8: memref<!tpu.dma_semaphore, #tpu.memory_space<semaphore_mem>>, %arg9: memref<!tpu.dma_semaphore, #tpu.memory_space<semaphore_mem>>) attributes {dimension_semantics = [#tpu.dimension_semantics<core_parallel>, #tpu.dimension_semantics<subcore_parallel>], iteration_bounds = array<i64: 2, 16>, scalar_prefetch = 0 : i64, scratch_operands = 5 : i64, tpu.core_type = #tpu.core_type<sc_vector_subcore>, window_params = [{transform_indices = #map}, {transform_indices = #map1}, {transform_indices = #map}]} {
    %mul3A = arith.constant 16 : i32
    %mul3A_0 = arith.muli %arg0, %mul3A : i32
    %add3A = arith.addi %mul3A_0, %arg1 : i32
    %mul3A_1 = arith.constant 64 : i32
    %mul3A_2 = arith.muli %add3A, %mul3A_1 : i32
    "tpu.region"() ({
      %run_scoped3A = tpu.sem_alloc : memref<!tpu.dma_semaphore, #tpu.memory_space<semaphore_mem>>
      %dma_start3A_15 = tpu.memref_slice %arg3[%mul3A_2] : memref<4096xi32, #tpu.memory_space<hbm>> -> memref<64xi32, #tpu.memory_space<hbm>>
      %dma_start3A_16 = tpu.memref_slice %arg3[%mul3A_2] : memref<4096xi32, #tpu.memory_space<hbm>> -> memref<64xi32, #tpu.memory_space<hbm>>
      tpu.enqueue_dma source(%dma_start3A_16 : memref<64xi32, #tpu.memory_space<hbm>>) target(%arg5 : memref<64xi32, #tpu.memory_space<vmem>>) target_semaphore(%run_scoped3A : memref<!tpu.dma_semaphore, #tpu.memory_space<semaphore_mem>>)
      %dma_wait3A_17 = tpu.memref_slice %arg3[%mul3A_2] : memref<4096xi32, #tpu.memory_space<hbm>> -> memref<64xi32, #tpu.memory_space<hbm>>
      %dma_wait3A_18 = tpu.memref_slice %arg3[%mul3A_2] : memref<4096xi32, #tpu.memory_space<hbm>> -> memref<64xi32, #tpu.memory_space<hbm>>
      tpu.wait_dma2 semaphore(%run_scoped3A : memref<!tpu.dma_semaphore, #tpu.memory_space<semaphore_mem>>) src(%dma_wait3A_18 : memref<64xi32, #tpu.memory_space<hbm>>) dst(%arg5 : memref<64xi32, #tpu.memory_space<vmem>>)
      tpu.yield
    }) : () -> ()
    %add3A_3 = arith.constant 2048 : i32
    %add3A_4 = arith.addi %add3A_3, %mul3A_2 : i32
    "tpu.region"() ({
      %run_scoped3A = tpu.sem_alloc : memref<!tpu.dma_semaphore, #tpu.memory_space<semaphore_mem>>
      %dma_start3A_15 = tpu.memref_slice %arg3[%add3A_4] : memref<4096xi32, #tpu.memory_space<hbm>> -> memref<64xi32, #tpu.memory_space<hbm>>
      %dma_start3A_16 = tpu.memref_slice %arg3[%add3A_4] : memref<4096xi32, #tpu.memory_space<hbm>> -> memref<64xi32, #tpu.memory_space<hbm>>
      tpu.enqueue_dma source(%dma_start3A_16 : memref<64xi32, #tpu.memory_space<hbm>>) target(%arg6 : memref<64xi32, #tpu.memory_space<vmem>>) target_semaphore(%run_scoped3A : memref<!tpu.dma_semaphore, #tpu.memory_space<semaphore_mem>>)
      %dma_wait3A_17 = tpu.memref_slice %arg3[%add3A_4] : memref<4096xi32, #tpu.memory_space<hbm>> -> memref<64xi32, #tpu.memory_space<hbm>>
      %dma_wait3A_18 = tpu.memref_slice %arg3[%add3A_4] : memref<4096xi32, #tpu.memory_space<hbm>> -> memref<64xi32, #tpu.memory_space<hbm>>
      tpu.wait_dma2 semaphore(%run_scoped3A : memref<!tpu.dma_semaphore, #tpu.memory_space<semaphore_mem>>) src(%dma_wait3A_18 : memref<64xi32, #tpu.memory_space<hbm>>) dst(%arg6 : memref<64xi32, #tpu.memory_space<vmem>>)
      tpu.yield
    }) : () -> ()
    "tpu.region"() ({
      %run_scoped3A = tpu.sem_alloc : memref<!tpu.dma_semaphore, #tpu.memory_space<semaphore_mem>>
      %dma_start3A_15 = arith.constant 0 : i32
      %dma_start3A_16 = tpu.memref_slice %arg2[%mul3A_2, %dma_start3A_15] : memref<2048x768xf32, #tpu.memory_space<hbm>> -> memref<64x768xf32, #tpu.memory_space<hbm>>
      %dma_start3A_17 = arith.constant 0 : i32
      %dma_start3A_18 = tpu.memref_slice %arg2[%mul3A_2, %dma_start3A_17] : memref<2048x768xf32, #tpu.memory_space<hbm>> -> memref<64x768xf32, #tpu.memory_space<hbm>>
      tpu.enqueue_dma source(%dma_start3A_18 : memref<64x768xf32, #tpu.memory_space<hbm>>) target(%arg7 : memref<64x768xf32, #tpu.memory_space<vmem>>) target_semaphore(%run_scoped3A : memref<!tpu.dma_semaphore, #tpu.memory_space<semaphore_mem>>)
      %dma_wait3A_19 = arith.constant 0 : i32
      %dma_wait3A_20 = tpu.memref_slice %arg2[%mul3A_2, %dma_wait3A_19] : memref<2048x768xf32, #tpu.memory_space<hbm>> -> memref<64x768xf32, #tpu.memory_space<hbm>>
      %dma_wait3A_21 = arith.constant 0 : i32
      %dma_wait3A_22 = tpu.memref_slice %arg2[%mul3A_2, %dma_wait3A_21] : memref<2048x768xf32, #tpu.memory_space<hbm>> -> memref<64x768xf32, #tpu.memory_space<hbm>>
      tpu.wait_dma2 semaphore(%run_scoped3A : memref<!tpu.dma_semaphore, #tpu.memory_space<semaphore_mem>>) src(%dma_wait3A_22 : memref<64x768xf32, #tpu.memory_space<hbm>>) dst(%arg7 : memref<64x768xf32, #tpu.memory_space<vmem>>)
      tpu.yield
    }) : () -> ()
    %dma_start3A = arith.constant 0 : i32
    %dma_start3A_5 = arith.constant 0 : i32
    %dma_start3A_6 = tpu.memref_slice %arg4[%dma_start3A, %dma_start3A_5] : memref<8192x768xf32, #tpu.memory_space<hbm>> -> memref<8192x768xf32, #tpu.memory_space<hbm>>
    tpu.enqueue_indirect_dma source(%arg7 : memref<64x768xf32, #tpu.memory_space<vmem>>) target(%dma_start3A_6 : memref<8192x768xf32, #tpu.memory_space<hbm>>) offsets(%arg5 : memref<64xi32, #tpu.memory_space<vmem>>) semaphore(%arg8 : memref<!tpu.dma_semaphore, #tpu.memory_space<semaphore_mem>>)
    %dma_start3A_7 = arith.constant 0 : i32
    %dma_start3A_8 = arith.constant 0 : i32
    %dma_start3A_9 = tpu.memref_slice %arg4[%dma_start3A_7, %dma_start3A_8] : memref<8192x768xf32, #tpu.memory_space<hbm>> -> memref<8192x768xf32, #tpu.memory_space<hbm>>
    tpu.enqueue_indirect_dma source(%arg7 : memref<64x768xf32, #tpu.memory_space<vmem>>) target(%dma_start3A_9 : memref<8192x768xf32, #tpu.memory_space<hbm>>) offsets(%arg6 : memref<64xi32, #tpu.memory_space<vmem>>) semaphore(%arg9 : memref<!tpu.dma_semaphore, #tpu.memory_space<semaphore_mem>>)
    %dma_wait3A = arith.constant 0 : i32
    %dma_wait3A_10 = arith.constant 0 : i32
    %dma_wait3A_11 = tpu.memref_slice %arg4[%dma_wait3A, %dma_wait3A_10] : memref<8192x768xf32, #tpu.memory_space<hbm>> -> memref<8192x768xf32, #tpu.memory_space<hbm>>
    tpu.wait_indirect_dma semaphore(%arg8 : memref<!tpu.dma_semaphore, #tpu.memory_space<semaphore_mem>>) src(%arg7 : memref<64x768xf32, #tpu.memory_space<vmem>>) dst(%dma_wait3A_11 : memref<8192x768xf32, #tpu.memory_space<hbm>>)
    %dma_wait3A_12 = arith.constant 0 : i32
    %dma_wait3A_13 = arith.constant 0 : i32
    %dma_wait3A_14 = tpu.memref_slice %arg4[%dma_wait3A_12, %dma_wait3A_13] : memref<8192x768xf32, #tpu.memory_space<hbm>> -> memref<8192x768xf32, #tpu.memory_space<hbm>>
    tpu.wait_indirect_dma semaphore(%arg9 : memref<!tpu.dma_semaphore, #tpu.memory_space<semaphore_mem>>) src(%arg7 : memref<64x768xf32, #tpu.memory_space<vmem>>) dst(%dma_wait3A_14 : memref<8192x768xf32, #tpu.memory_space<hbm>>)
    return
  }
}

module attributes {stable_mosaic.version = 14 : i64} {
  func.func @_mlp_body(%arg0: i32, %arg1: memref<32xi32, #tpu.memory_space<smem>>, %arg2: memref<512x768xf32, #tpu.memory_space<vmem>>, %arg3: memref<1x768x768xf32, #tpu.memory_space<vmem>>, %arg4: memref<1x768x768xf32, #tpu.memory_space<vmem>>, %arg5: memref<512x768xf32, #tpu.memory_space<vmem>>, %arg6: memref<768x768xbf16, #tpu.memory_space<vmem>>, %arg7: memref<768x768xbf16, #tpu.memory_space<vmem>>) attributes {dimension_semantics = [#tpu.dimension_semantics<arbitrary>], iteration_bounds = array<i64: 16>, scalar_prefetch = 1 : i64, scratch_operands = 2 : i64, tpu.core_type = #tpu.core_type<tc>, window_params = [{transform_indices = @transform_0, window_bounds = array<i64: 512, 768>}, {transform_indices = @transform_1, window_bounds = array<i64: 1, 768, 768>}, {transform_indices = @transform_2, window_bounds = array<i64: 1, 768, 768>}, {transform_indices = @transform_3, window_bounds = array<i64: 512, 768>}]} {
    %eq3A = arith.constant 0 : i32
    %eq3A_0 = arith.cmpi eq, %arg0, %eq3A : i32
    %get3A = arith.index_cast %arg0 : i32 to index
    %get3A_1 = memref.load %arg1[%get3A] : memref<32xi32, #tpu.memory_space<smem>>
    %sub3A = arith.constant 1 : i32
    %sub3A_2 = arith.subi %arg0, %sub3A : i32
    %max3A = arith.constant 0 : i32
    %max3A_3 = arith.maxsi %sub3A_2, %max3A : i32
    %get3A_4 = arith.index_cast %max3A_3 : i32 to index
    %get3A_5 = memref.load %arg1[%get3A_4] : memref<32xi32, #tpu.memory_space<smem>>
    %ne3A = arith.cmpi ne, %get3A_1, %get3A_5 : i32
    %or3A = arith.ori %eq3A_0, %ne3A : i1
    %get3A_6 = arith.constant 31 : index
    %get3A_7 = memref.load %arg1[%get3A_6] : memref<32xi32, #tpu.memory_space<smem>>
    %lt3A = arith.cmpi slt, %arg0, %get3A_7 : i32
    %and3A = arith.andi %lt3A, %or3A : i1
    %convert_element_type3A = arith.extui %and3A : i1 to i32
    %cond3A = arith.constant 0 : i32
    %cond3A_8 = arith.cmpi ne, %convert_element_type3A, %cond3A : i32
    scf.if %cond3A_8 {
      %get3A_15 = arith.constant 0 : index
      %get3A_16 = arith.constant 0 : index
      %get3A_17 = arith.constant 0 : index
      %get3A_18 = vector.load %arg3[%get3A_15, %get3A_16, %get3A_17] : memref<1x768x768xf32, #tpu.memory_space<vmem>>, vector<1x768x768xf32>
      %get3A_19 = vector.shape_cast %get3A_18 : vector<1x768x768xf32> to vector<768x768xf32>
      %convert_element_type3A_20 = arith.truncf %get3A_19 : vector<768x768xf32> to vector<768x768xbf16>
      %swap3A = arith.constant 0 : index
      %swap3A_21 = arith.constant 0 : index
      %swap3A_22 = vector.load %arg6[%swap3A, %swap3A_21] : memref<768x768xbf16, #tpu.memory_space<vmem>>, vector<768x768xbf16>
      tpu.vector_store %arg6[%swap3A, %swap3A_21], %convert_element_type3A_20 {strides = array<i32>} : memref<768x768xbf16, #tpu.memory_space<vmem>>, vector<768x768xbf16>,
      %get3A_23 = arith.constant 0 : index
      %get3A_24 = arith.constant 0 : index
      %get3A_25 = arith.constant 0 : index
      %get3A_26 = vector.load %arg4[%get3A_23, %get3A_24, %get3A_25] : memref<1x768x768xf32, #tpu.memory_space<vmem>>, vector<1x768x768xf32>
      %get3A_27 = vector.shape_cast %get3A_26 : vector<1x768x768xf32> to vector<768x768xf32>
      %convert_element_type3A_28 = arith.truncf %get3A_27 : vector<768x768xf32> to vector<768x768xbf16>
      %swap3A_29 = arith.constant 0 : index
      %swap3A_30 = arith.constant 0 : index
      %swap3A_31 = vector.load %arg7[%swap3A_29, %swap3A_30] : memref<768x768xbf16, #tpu.memory_space<vmem>>, vector<768x768xbf16>
      tpu.vector_store %arg7[%swap3A_29, %swap3A_30], %convert_element_type3A_28 {strides = array<i32>} : memref<768x768xbf16, #tpu.memory_space<vmem>>, vector<768x768xbf16>,
    } else {
    }
    %get3A_9 = arith.constant 31 : index
    %get3A_10 = memref.load %arg1[%get3A_9] : memref<32xi32, #tpu.memory_space<smem>>
    %lt3A_11 = arith.cmpi slt, %arg0, %get3A_10 : i32
    %convert_element_type3A_12 = arith.extui %lt3A_11 : i1 to i32
    %cond3A_13 = arith.constant 0 : i32
    %cond3A_14 = arith.cmpi ne, %convert_element_type3A_12, %cond3A_13 : i32
    scf.if %cond3A_14 {
      %get3A_15 = arith.constant 0 : index
      %get3A_16 = arith.constant 0 : index
      %get3A_17 = vector.load %arg2[%get3A_15, %get3A_16] : memref<512x768xf32, #tpu.memory_space<vmem>>, vector<512x768xf32>
      %convert_element_type3A_18 = arith.truncf %get3A_17 : vector<512x768xf32> to vector<512x768xbf16>
      %get3A_19 = arith.constant 0 : index
      %get3A_20 = arith.constant 0 : index
      %get3A_21 = vector.load %arg6[%get3A_19, %get3A_20] : memref<768x768xbf16, #tpu.memory_space<vmem>>, vector<768x768xbf16>
      %dot_general3A = arith.constant dense<0.000000e+00> : vector<512x768xf32>
      %dot_general3A_22 = tpu.matmul %convert_element_type3A_18, %get3A_21, %dot_general3A {dimension_numbers = #tpu.dot_dimension_numbers<[1], [1], [0], [0], [0, 0, 1, 0], [], []>, transpose_lhs_hint = false} : vector<512x768xbf16>, vector<768x768xbf16>, vector<512x768xf32> -> vector<512x768xf32>
      %reduce_sum3A = arith.constant dense<0.000000e+00> : vector<512xf32>
      %reduce_sum3A_23 = vector.multi_reduction <add>, %dot_general3A_22, %reduce_sum3A [1] : vector<512x768xf32> to vector<512xf32>
      %broadcast_in_dim3A = vector.shape_cast %reduce_sum3A_23 : vector<512xf32> to vector<512x1xf32>
      %div3A = arith.constant 7.680000e+02 : f32
      %div3A_24 = vector.broadcast %div3A : f32 to vector<512x1xf32>
      %div3A_25 = arith.divf %broadcast_in_dim3A, %div3A_24 : vector<512x1xf32>
      %mul3A = arith.mulf %dot_general3A_22, %dot_general3A_22 : vector<512x768xf32>
      %reduce_sum3A_26 = arith.constant dense<0.000000e+00> : vector<512xf32>
      %reduce_sum3A_27 = vector.multi_reduction <add>, %mul3A, %reduce_sum3A_26 [1] : vector<512x768xf32> to vector<512xf32>
      %broadcast_in_dim3A_28 = vector.shape_cast %reduce_sum3A_27 : vector<512xf32> to vector<512x1xf32>
      %div3A_29 = arith.constant 7.680000e+02 : f32
      %div3A_30 = vector.broadcast %div3A_29 : f32 to vector<512x1xf32>
      %div3A_31 = arith.divf %broadcast_in_dim3A_28, %div3A_30 : vector<512x1xf32>
      %mul3A_32 = arith.mulf %div3A_25, %div3A_25 : vector<512x1xf32>
      %sub3A_33 = arith.subf %div3A_31, %mul3A_32 : vector<512x1xf32>
      %add3A = arith.constant 9.99999974E-6 : f32
      %add3A_34 = vector.broadcast %add3A : f32 to vector<512x1xf32>
      %add3A_35 = arith.addf %sub3A_33, %add3A_34 : vector<512x1xf32>
      %rsqrt3A = math.rsqrt %add3A_35 : vector<512x1xf32>
      %sub3A_36 = vector.broadcast %div3A_25 : vector<512x1xf32> to vector<512x768xf32>
      %sub3A_37 = arith.subf %dot_general3A_22, %sub3A_36 : vector<512x768xf32>
      %mul3A_38 = vector.broadcast %rsqrt3A : vector<512x1xf32> to vector<512x768xf32>
      %mul3A_39 = arith.mulf %sub3A_37, %mul3A_38 : vector<512x768xf32>
      %max3A_40 = arith.constant 0.000000e+00 : f32
      %max3A_41 = vector.broadcast %max3A_40 : f32 to vector<512x768xf32>
      %max3A_42 = arith.maximumf %mul3A_39, %max3A_41 : vector<512x768xf32>
      %convert_element_type3A_43 = arith.truncf %max3A_42 : vector<512x768xf32> to vector<512x768xbf16>
      %get3A_44 = arith.constant 0 : index
      %get3A_45 = arith.constant 0 : index
      %get3A_46 = vector.load %arg7[%get3A_44, %get3A_45] : memref<768x768xbf16, #tpu.memory_space<vmem>>, vector<768x768xbf16>
      %dot_general3A_47 = arith.constant dense<0.000000e+00> : vector<512x768xf32>
      %dot_general3A_48 = tpu.matmul %convert_element_type3A_43, %get3A_46, %dot_general3A_47 {dimension_numbers = #tpu.dot_dimension_numbers<[1], [1], [0], [0], [0, 0, 1, 0], [], []>, transpose_lhs_hint = false} : vector<512x768xbf16>, vector<768x768xbf16>, vector<512x768xf32> -> vector<512x768xf32>
      %reduce_sum3A_49 = arith.constant dense<0.000000e+00> : vector<512xf32>
      %reduce_sum3A_50 = vector.multi_reduction <add>, %dot_general3A_48, %reduce_sum3A_49 [1] : vector<512x768xf32> to vector<512xf32>
      %broadcast_in_dim3A_51 = vector.shape_cast %reduce_sum3A_50 : vector<512xf32> to vector<512x1xf32>
      %div3A_52 = arith.constant 7.680000e+02 : f32
      %div3A_53 = vector.broadcast %div3A_52 : f32 to vector<512x1xf32>
      %div3A_54 = arith.divf %broadcast_in_dim3A_51, %div3A_53 : vector<512x1xf32>
      %mul3A_55 = arith.mulf %dot_general3A_48, %dot_general3A_48 : vector<512x768xf32>
      %reduce_sum3A_56 = arith.constant dense<0.000000e+00> : vector<512xf32>
      %reduce_sum3A_57 = vector.multi_reduction <add>, %mul3A_55, %reduce_sum3A_56 [1] : vector<512x768xf32> to vector<512xf32>
      %broadcast_in_dim3A_58 = vector.shape_cast %reduce_sum3A_57 : vector<512xf32> to vector<512x1xf32>
      %div3A_59 = arith.constant 7.680000e+02 : f32
      %div3A_60 = vector.broadcast %div3A_59 : f32 to vector<512x1xf32>
      %div3A_61 = arith.divf %broadcast_in_dim3A_58, %div3A_60 : vector<512x1xf32>
      %mul3A_62 = arith.mulf %div3A_54, %div3A_54 : vector<512x1xf32>
      %sub3A_63 = arith.subf %div3A_61, %mul3A_62 : vector<512x1xf32>
      %add3A_64 = arith.constant 9.99999974E-6 : f32
      %add3A_65 = vector.broadcast %add3A_64 : f32 to vector<512x1xf32>
      %add3A_66 = arith.addf %sub3A_63, %add3A_65 : vector<512x1xf32>
      %rsqrt3A_67 = math.rsqrt %add3A_66 : vector<512x1xf32>
      %sub3A_68 = vector.broadcast %div3A_54 : vector<512x1xf32> to vector<512x768xf32>
      %sub3A_69 = arith.subf %dot_general3A_48, %sub3A_68 : vector<512x768xf32>
      %mul3A_70 = vector.broadcast %rsqrt3A_67 : vector<512x1xf32> to vector<512x768xf32>
      %mul3A_71 = arith.mulf %sub3A_69, %mul3A_70 : vector<512x768xf32>
      %add3A_72 = arith.addf %get3A_17, %mul3A_71 : vector<512x768xf32>
      %max3A_73 = arith.constant 0.000000e+00 : f32
      %max3A_74 = vector.broadcast %max3A_73 : f32 to vector<512x768xf32>
      %max3A_75 = arith.maximumf %add3A_72, %max3A_74 : vector<512x768xf32>
      %swap3A = arith.constant 0 : index
      %swap3A_76 = arith.constant 0 : index
      %swap3A_77 = vector.load %arg5[%swap3A, %swap3A_76] : memref<512x768xf32, #tpu.memory_space<vmem>>, vector<512x768xf32>
      tpu.vector_store %arg5[%swap3A, %swap3A_76], %max3A_75 {strides = array<i32>} : memref<512x768xf32, #tpu.memory_space<vmem>>, vector<512x768xf32>,
    } else {
    }
    return
  }
  func.func @transform_0(%arg0: i32, %arg1: memref<32xi32, #tpu.memory_space<smem>>) -> (i32, i32) {
    %c0_i32 = arith.constant 0 : i32
    %c0_i32_0 = arith.constant 0 : i32
    return %arg0, %c0_i32 : i32, i32
  }
  func.func @transform_1(%arg0: i32, %arg1: memref<32xi32, #tpu.memory_space<smem>>) -> (i32, i32, i32) {
    %get3A = arith.index_cast %arg0 : i32 to index
    %get3A_0 = memref.load %arg1[%get3A] : memref<32xi32, #tpu.memory_space<smem>>
    %c0_i32 = arith.constant 0 : i32
    %c0_i32_1 = arith.constant 0 : i32
    %c0_i32_2 = arith.constant 0 : i32
    return %get3A_0, %c0_i32, %c0_i32_1 : i32, i32, i32
  }
  func.func @transform_2(%arg0: i32, %arg1: memref<32xi32, #tpu.memory_space<smem>>) -> (i32, i32, i32) {
    %get3A = arith.index_cast %arg0 : i32 to index
    %get3A_0 = memref.load %arg1[%get3A] : memref<32xi32, #tpu.memory_space<smem>>
    %c0_i32 = arith.constant 0 : i32
    %c0_i32_1 = arith.constant 0 : i32
    %c0_i32_2 = arith.constant 0 : i32
    return %get3A_0, %c0_i32, %c0_i32_1 : i32, i32, i32
  }
  func.func @transform_3(%arg0: i32, %arg1: memref<32xi32, #tpu.memory_space<smem>>) -> (i32, i32) {
    %c0_i32 = arith.constant 0 : i32
    %c0_i32_0 = arith.constant 0 : i32
    return %arg0, %c0_i32 : i32, i32
  }
}

module attributes {stable_mosaic.version = 14 : i64} {
  func.func @_gateplan_body(%arg0: memref<2048x768xf32, #tpu.memory_space<vmem>>, %arg1: memref<8x768xf32, #tpu.memory_space<vmem>>, %arg2: memref<1x8xf32, #tpu.memory_space<vmem>>, %arg3: memref<2048x8xf32, #tpu.memory_space<vmem>>, %arg4: memref<4096x1xf32, #tpu.memory_space<vmem>>, %arg5: memref<4096x1xi32, #tpu.memory_space<vmem>>, %arg6: memref<1x32xi32, #tpu.memory_space<vmem>>) attributes {dimension_semantics = [], scalar_prefetch = 0 : i64, scratch_operands = 0 : i64, tpu.core_type = #tpu.core_type<tc>} {
    %get3A = arith.constant 0 : index
    %get3A_0 = arith.constant 0 : index
    %get3A_1 = vector.load %arg0[%get3A, %get3A_0] : memref<2048x768xf32, #tpu.memory_space<vmem>>, vector<2048x768xf32>
    %get3A_2 = arith.constant 0 : index
    %get3A_3 = arith.constant 0 : index
    %get3A_4 = vector.load %arg1[%get3A_2, %get3A_3] : memref<8x768xf32, #tpu.memory_space<vmem>>, vector<8x768xf32>
    %dot_general3A = arith.constant dense<0.000000e+00> : vector<2048x8xf32>
    %dot_general3A_5 = tpu.matmul %get3A_1, %get3A_4, %dot_general3A {dimension_numbers = #tpu.dot_dimension_numbers<[1], [1], [0], [0], [0, 0, 1, 0], [], []>, transpose_lhs_hint = false} : vector<2048x768xf32>, vector<8x768xf32>, vector<2048x8xf32> -> vector<2048x8xf32>
    %get3A_6 = arith.constant 0 : index
    %get3A_7 = arith.constant 0 : index
    %get3A_8 = vector.load %arg2[%get3A_6, %get3A_7] : memref<1x8xf32, #tpu.memory_space<vmem>>, vector<1x8xf32>
    %add3A = vector.broadcast %get3A_8 : vector<1x8xf32> to vector<2048x8xf32>
    %add3A_9 = arith.addf %dot_general3A_5, %add3A : vector<2048x8xf32>
    %reduce_max3A = arith.constant dense<0xFF800000> : vector<2048xf32>
    %reduce_max3A_10 = vector.multi_reduction <maximumf>, %add3A_9, %reduce_max3A [1] : vector<2048x8xf32> to vector<2048xf32>
    %broadcast_in_dim3A = vector.shape_cast %reduce_max3A_10 : vector<2048xf32> to vector<2048x1xf32>
    %sub3A = vector.broadcast %broadcast_in_dim3A : vector<2048x1xf32> to vector<2048x8xf32>
    %sub3A_11 = arith.subf %add3A_9, %sub3A : vector<2048x8xf32>
    %exp3A = math.exp %sub3A_11 : vector<2048x8xf32>
    %reduce_sum3A = arith.constant dense<0.000000e+00> : vector<2048xf32>
    %reduce_sum3A_12 = vector.multi_reduction <add>, %exp3A, %reduce_sum3A [1] : vector<2048x8xf32> to vector<2048xf32>
    %broadcast_in_dim3A_13 = vector.shape_cast %reduce_sum3A_12 : vector<2048xf32> to vector<2048x1xf32>
    %div3A = vector.broadcast %broadcast_in_dim3A_13 : vector<2048x1xf32> to vector<2048x8xf32>
    %div3A_14 = arith.divf %exp3A, %div3A : vector<2048x8xf32>
    %swap3A = arith.constant 0 : index
    %swap3A_15 = arith.constant 0 : index
    %swap3A_16 = vector.load %arg3[%swap3A, %swap3A_15] : memref<2048x8xf32, #tpu.memory_space<vmem>>, vector<2048x8xf32>
    tpu.vector_store %arg3[%swap3A, %swap3A_15], %div3A_14 {strides = array<i32>} : memref<2048x8xf32, #tpu.memory_space<vmem>>, vector<2048x8xf32>,
    %iota3A = tpu.iota {dimensions = array<i32: 1>} : vector<2048x8xi32>
    %reduce_max3A_17 = arith.constant dense<0xFF800000> : vector<2048xf32>
    %reduce_max3A_18 = vector.multi_reduction <maximumf>, %div3A_14, %reduce_max3A_17 [1] : vector<2048x8xf32> to vector<2048xf32>
    %broadcast_in_dim3A_19 = vector.shape_cast %reduce_max3A_18 : vector<2048xf32> to vector<2048x1xf32>
    %eq3A = vector.broadcast %broadcast_in_dim3A_19 : vector<2048x1xf32> to vector<2048x8xf32>
    %eq3A_20 = arith.cmpf oeq, %div3A_14, %eq3A : vector<2048x8xf32>
    %jit3A = arith.constant 8 : i32
    %broadcast_in_dim3A_21 = vector.broadcast %jit3A : i32 to vector<2048x8xi32>
    %select_n3A = arith.select %eq3A_20, %iota3A, %broadcast_in_dim3A_21 : vector<2048x8xi1>, vector<2048x8xi32>
    %reduce_min3A = arith.constant dense<2147483647> : vector<2048xi32>
    %reduce_min3A_22 = vector.multi_reduction <minsi>, %select_n3A, %reduce_min3A [1] : vector<2048x8xi32> to vector<2048xi32>
    %broadcast_in_dim3A_23 = vector.shape_cast %reduce_min3A_22 : vector<2048xi32> to vector<2048x1xi32>
    %eq3A_24 = vector.broadcast %broadcast_in_dim3A_23 : vector<2048x1xi32> to vector<2048x8xi32>
    %eq3A_25 = arith.cmpi eq, %iota3A, %eq3A_24 : vector<2048x8xi32>
    %jit3A_26 = arith.constant -1.000000e+00 : f32
    %broadcast_in_dim3A_27 = vector.broadcast %jit3A_26 : f32 to vector<2048x8xf32>
    %select_n3A_28 = arith.select %eq3A_25, %broadcast_in_dim3A_27, %div3A_14 : vector<2048x8xi1>, vector<2048x8xf32>
    %reduce_max3A_29 = arith.constant dense<0xFF800000> : vector<2048xf32>
    %reduce_max3A_30 = vector.multi_reduction <maximumf>, %select_n3A_28, %reduce_max3A_29 [1] : vector<2048x8xf32> to vector<2048xf32>
    %broadcast_in_dim3A_31 = vector.shape_cast %reduce_max3A_30 : vector<2048xf32> to vector<2048x1xf32>
    %eq3A_32 = vector.broadcast %broadcast_in_dim3A_31 : vector<2048x1xf32> to vector<2048x8xf32>
    %eq3A_33 = arith.cmpf oeq, %select_n3A_28, %eq3A_32 : vector<2048x8xf32>
    %jit3A_34 = arith.constant 8 : i32
    %broadcast_in_dim3A_35 = vector.broadcast %jit3A_34 : i32 to vector<2048x8xi32>
    %select_n3A_36 = arith.select %eq3A_33, %iota3A, %broadcast_in_dim3A_35 : vector<2048x8xi1>, vector<2048x8xi32>
    %reduce_min3A_37 = arith.constant dense<2147483647> : vector<2048xi32>
    %reduce_min3A_38 = vector.multi_reduction <minsi>, %select_n3A_36, %reduce_min3A_37 [1] : vector<2048x8xi32> to vector<2048xi32>
    %broadcast_in_dim3A_39 = vector.shape_cast %reduce_min3A_38 : vector<2048xi32> to vector<2048x1xi32>
    %eq3A_40 = vector.broadcast %broadcast_in_dim3A_39 : vector<2048x1xi32> to vector<2048x8xi32>
    %eq3A_41 = arith.cmpi eq, %iota3A, %eq3A_40 : vector<2048x8xi32>
    %add3A_42 = arith.addf %broadcast_in_dim3A_19, %broadcast_in_dim3A_31 : vector<2048x1xf32>
    %add3A_43 = arith.constant 9.99999971E-10 : f32
    %add3A_44 = vector.broadcast %add3A_43 : f32 to vector<2048x1xf32>
    %add3A_45 = arith.addf %add3A_42, %add3A_44 : vector<2048x1xf32>
    %div3A_46 = arith.divf %broadcast_in_dim3A_19, %add3A_45 : vector<2048x1xf32>
    %div3A_47 = arith.divf %broadcast_in_dim3A_31, %add3A_45 : vector<2048x1xf32>
    %concatenate3A = tpu.concatenate %div3A_46, %div3A_47 in 0 : vector<2048x1xf32>, vector<2048x1xf32> -> vector<4096x1xf32>
    %swap3A_48 = arith.constant 0 : index
    %swap3A_49 = arith.constant 0 : index
    %swap3A_50 = vector.load %arg4[%swap3A_48, %swap3A_49] : memref<4096x1xf32, #tpu.memory_space<vmem>>, vector<4096x1xf32>
    tpu.vector_store %arg4[%swap3A_48, %swap3A_49], %concatenate3A {strides = array<i32>} : memref<4096x1xf32, #tpu.memory_space<vmem>>, vector<4096x1xf32>,
    %convert_element_type3A = arith.extui %eq3A_25 : vector<2048x8xi1> to vector<2048x8xi32>
    %convert_element_type3A_51 = arith.sitofp %convert_element_type3A : vector<2048x8xi32> to vector<2048x8xf32>
    %convert_element_type3A_52 = arith.extui %eq3A_41 : vector<2048x8xi1> to vector<2048x8xi32>
    %convert_element_type3A_53 = arith.sitofp %convert_element_type3A_52 : vector<2048x8xi32> to vector<2048x8xf32>
    %concatenate3A_54 = tpu.concatenate %convert_element_type3A_51, %convert_element_type3A_53 in 0 : vector<2048x8xf32>, vector<2048x8xf32> -> vector<4096x8xf32>
    %broadcast_in_dim3A_55 = arith.constant 0.000000e+00 : f32
    %broadcast_in_dim3A_56 = vector.broadcast %broadcast_in_dim3A_55 : f32 to vector<1x8xf32>
    %slice3A = vector.extract_strided_slice %concatenate3A_54 {offsets = [0, 0], sizes = [4095, 8], strides = [1, 1]} : vector<4096x8xf32> to vector<4095x8xf32>
    %concatenate3A_57 = tpu.concatenate %broadcast_in_dim3A_56, %slice3A in 0 : vector<1x8xf32>, vector<4095x8xf32> -> vector<4096x8xf32>
    %add3A_58 = arith.addf %concatenate3A_54, %concatenate3A_57 : vector<4096x8xf32>
    %broadcast_in_dim3A_59 = arith.constant 0.000000e+00 : f32
    %broadcast_in_dim3A_60 = vector.broadcast %broadcast_in_dim3A_59 : f32 to vector<2x8xf32>
    %slice3A_61 = vector.extract_strided_slice %add3A_58 {offsets = [0, 0], sizes = [4094, 8], strides = [1, 1]} : vector<4096x8xf32> to vector<4094x8xf32>
    %concatenate3A_62 = tpu.concatenate %broadcast_in_dim3A_60, %slice3A_61 in 0 : vector<2x8xf32>, vector<4094x8xf32> -> vector<4096x8xf32>
    %add3A_63 = arith.addf %add3A_58, %concatenate3A_62 : vector<4096x8xf32>
    %broadcast_in_dim3A_64 = arith.constant 0.000000e+00 : f32
    %broadcast_in_dim3A_65 = vector.broadcast %broadcast_in_dim3A_64 : f32 to vector<4x8xf32>
    %slice3A_66 = vector.extract_strided_slice %add3A_63 {offsets = [0, 0], sizes = [4092, 8], strides = [1, 1]} : vector<4096x8xf32> to vector<4092x8xf32>
    %concatenate3A_67 = tpu.concatenate %broadcast_in_dim3A_65, %slice3A_66 in 0 : vector<4x8xf32>, vector<4092x8xf32> -> vector<4096x8xf32>
    %add3A_68 = arith.addf %add3A_63, %concatenate3A_67 : vector<4096x8xf32>
    %broadcast_in_dim3A_69 = arith.constant 0.000000e+00 : f32
    %broadcast_in_dim3A_70 = vector.broadcast %broadcast_in_dim3A_69 : f32 to vector<8x8xf32>
    %slice3A_71 = vector.extract_strided_slice %add3A_68 {offsets = [0, 0], sizes = [4088, 8], strides = [1, 1]} : vector<4096x8xf32> to vector<4088x8xf32>
    %concatenate3A_72 = tpu.concatenate %broadcast_in_dim3A_70, %slice3A_71 in 0 : vector<8x8xf32>, vector<4088x8xf32> -> vector<4096x8xf32>
    %add3A_73 = arith.addf %add3A_68, %concatenate3A_72 : vector<4096x8xf32>
    %broadcast_in_dim3A_74 = arith.constant 0.000000e+00 : f32
    %broadcast_in_dim3A_75 = vector.broadcast %broadcast_in_dim3A_74 : f32 to vector<16x8xf32>
    %slice3A_76 = vector.extract_strided_slice %add3A_73 {offsets = [0, 0], sizes = [4080, 8], strides = [1, 1]} : vector<4096x8xf32> to vector<4080x8xf32>
    %concatenate3A_77 = tpu.concatenate %broadcast_in_dim3A_75, %slice3A_76 in 0 : vector<16x8xf32>, vector<4080x8xf32> -> vector<4096x8xf32>
    %add3A_78 = arith.addf %add3A_73, %concatenate3A_77 : vector<4096x8xf32>
    %broadcast_in_dim3A_79 = arith.constant 0.000000e+00 : f32
    %broadcast_in_dim3A_80 = vector.broadcast %broadcast_in_dim3A_79 : f32 to vector<32x8xf32>
    %slice3A_81 = vector.extract_strided_slice %add3A_78 {offsets = [0, 0], sizes = [4064, 8], strides = [1, 1]} : vector<4096x8xf32> to vector<4064x8xf32>
    %concatenate3A_82 = tpu.concatenate %broadcast_in_dim3A_80, %slice3A_81 in 0 : vector<32x8xf32>, vector<4064x8xf32> -> vector<4096x8xf32>
    %add3A_83 = arith.addf %add3A_78, %concatenate3A_82 : vector<4096x8xf32>
    %broadcast_in_dim3A_84 = arith.constant 0.000000e+00 : f32
    %broadcast_in_dim3A_85 = vector.broadcast %broadcast_in_dim3A_84 : f32 to vector<64x8xf32>
    %slice3A_86 = vector.extract_strided_slice %add3A_83 {offsets = [0, 0], sizes = [4032, 8], strides = [1, 1]} : vector<4096x8xf32> to vector<4032x8xf32>
    %concatenate3A_87 = tpu.concatenate %broadcast_in_dim3A_85, %slice3A_86 in 0 : vector<64x8xf32>, vector<4032x8xf32> -> vector<4096x8xf32>
    %add3A_88 = arith.addf %add3A_83, %concatenate3A_87 : vector<4096x8xf32>
    %broadcast_in_dim3A_89 = arith.constant 0.000000e+00 : f32
    %broadcast_in_dim3A_90 = vector.broadcast %broadcast_in_dim3A_89 : f32 to vector<128x8xf32>
    %slice3A_91 = vector.extract_strided_slice %add3A_88 {offsets = [0, 0], sizes = [3968, 8], strides = [1, 1]} : vector<4096x8xf32> to vector<3968x8xf32>
    %concatenate3A_92 = tpu.concatenate %broadcast_in_dim3A_90, %slice3A_91 in 0 : vector<128x8xf32>, vector<3968x8xf32> -> vector<4096x8xf32>
    %add3A_93 = arith.addf %add3A_88, %concatenate3A_92 : vector<4096x8xf32>
    %broadcast_in_dim3A_94 = arith.constant 0.000000e+00 : f32
    %broadcast_in_dim3A_95 = vector.broadcast %broadcast_in_dim3A_94 : f32 to vector<256x8xf32>
    %slice3A_96 = vector.extract_strided_slice %add3A_93 {offsets = [0, 0], sizes = [3840, 8], strides = [1, 1]} : vector<4096x8xf32> to vector<3840x8xf32>
    %concatenate3A_97 = tpu.concatenate %broadcast_in_dim3A_95, %slice3A_96 in 0 : vector<256x8xf32>, vector<3840x8xf32> -> vector<4096x8xf32>
    %add3A_98 = arith.addf %add3A_93, %concatenate3A_97 : vector<4096x8xf32>
    %broadcast_in_dim3A_99 = arith.constant 0.000000e+00 : f32
    %broadcast_in_dim3A_100 = vector.broadcast %broadcast_in_dim3A_99 : f32 to vector<512x8xf32>
    %slice3A_101 = vector.extract_strided_slice %add3A_98 {offsets = [0, 0], sizes = [3584, 8], strides = [1, 1]} : vector<4096x8xf32> to vector<3584x8xf32>
    %concatenate3A_102 = tpu.concatenate %broadcast_in_dim3A_100, %slice3A_101 in 0 : vector<512x8xf32>, vector<3584x8xf32> -> vector<4096x8xf32>
    %add3A_103 = arith.addf %add3A_98, %concatenate3A_102 : vector<4096x8xf32>
    %broadcast_in_dim3A_104 = arith.constant 0.000000e+00 : f32
    %broadcast_in_dim3A_105 = vector.broadcast %broadcast_in_dim3A_104 : f32 to vector<1024x8xf32>
    %slice3A_106 = vector.extract_strided_slice %add3A_103 {offsets = [0, 0], sizes = [3072, 8], strides = [1, 1]} : vector<4096x8xf32> to vector<3072x8xf32>
    %concatenate3A_107 = tpu.concatenate %broadcast_in_dim3A_105, %slice3A_106 in 0 : vector<1024x8xf32>, vector<3072x8xf32> -> vector<4096x8xf32>
    %add3A_108 = arith.addf %add3A_103, %concatenate3A_107 : vector<4096x8xf32>
    %broadcast_in_dim3A_109 = arith.constant 0.000000e+00 : f32
    %broadcast_in_dim3A_110 = vector.broadcast %broadcast_in_dim3A_109 : f32 to vector<2048x8xf32>
    %slice3A_111 = vector.extract_strided_slice %add3A_108 {offsets = [0, 0], sizes = [2048, 8], strides = [1, 1]} : vector<4096x8xf32> to vector<2048x8xf32>
    %concatenate3A_112 = tpu.concatenate %broadcast_in_dim3A_110, %slice3A_111 in 0 : vector<2048x8xf32>, vector<2048x8xf32> -> vector<4096x8xf32>
    %add3A_113 = arith.addf %add3A_108, %concatenate3A_112 : vector<4096x8xf32>
    %sub3A_114 = arith.subf %add3A_113, %concatenate3A_54 : vector<4096x8xf32>
    %slice3A_115 = vector.extract_strided_slice %add3A_113 {offsets = [4095, 0], sizes = [1, 8], strides = [1, 1]} : vector<4096x8xf32> to vector<1x8xf32>
    %add3A_116 = arith.constant 5.110000e+02 : f32
    %add3A_117 = vector.broadcast %add3A_116 : f32 to vector<1x8xf32>
    %add3A_118 = arith.addf %slice3A_115, %add3A_117 : vector<1x8xf32>
    %mul3A = arith.constant 0.001953125 : f32
    %mul3A_119 = vector.broadcast %mul3A : f32 to vector<1x8xf32>
    %mul3A_120 = arith.mulf %add3A_118, %mul3A_119 : vector<1x8xf32>
    %floor3A = math.floor %mul3A_120 : vector<1x8xf32>
    %mul3A_121 = arith.constant 5.120000e+02 : f32
    %mul3A_122 = vector.broadcast %mul3A_121 : f32 to vector<1x8xf32>
    %mul3A_123 = arith.mulf %floor3A, %mul3A_122 : vector<1x8xf32>
    %iota3A_124 = tpu.iota {dimensions = array<i32: 0>} : vector<8x8xi32>
    %iota3A_125 = tpu.iota {dimensions = array<i32: 1>} : vector<8x8xi32>
    %le3A = arith.cmpi sle, %iota3A_124, %iota3A_125 : vector<8x8xi32>
    %convert_element_type3A_126 = arith.extui %le3A : vector<8x8xi1> to vector<8x8xi32>
    %convert_element_type3A_127 = arith.sitofp %convert_element_type3A_126 : vector<8x8xi32> to vector<8x8xf32>
    %dot_general3A_128 = arith.constant dense<0.000000e+00> : vector<1x8xf32>
    %dot_general3A_129 = tpu.matmul %mul3A_123, %convert_element_type3A_127, %dot_general3A_128 {dimension_numbers = #tpu.dot_dimension_numbers<[1], [0], [0], [1], [0, 0, 1, 1], [], []>, transpose_lhs_hint = false} : vector<1x8xf32>, vector<8x8xf32>, vector<1x8xf32> -> vector<1x8xf32>
    %sub3A_130 = arith.subf %dot_general3A_129, %mul3A_123 : vector<1x8xf32>
    %add3A_131 = vector.broadcast %sub3A_130 : vector<1x8xf32> to vector<4096x8xf32>
    %add3A_132 = arith.addf %add3A_131, %sub3A_114 : vector<4096x8xf32>
    %mul3A_133 = arith.mulf %concatenate3A_54, %add3A_132 : vector<4096x8xf32>
    %reduce_sum3A_134 = arith.constant dense<0.000000e+00> : vector<4096xf32>
    %reduce_sum3A_135 = vector.multi_reduction <add>, %mul3A_133, %reduce_sum3A_134 [1] : vector<4096x8xf32> to vector<4096xf32>
    %broadcast_in_dim3A_136 = vector.shape_cast %reduce_sum3A_135 : vector<4096xf32> to vector<4096x1xf32>
    %convert_element_type3A_137 = arith.fptosi %broadcast_in_dim3A_136 : vector<4096x1xf32> to vector<4096x1xi32>
    %swap3A_138 = arith.constant 0 : index
    %swap3A_139 = arith.constant 0 : index
    %swap3A_140 = vector.load %arg5[%swap3A_138, %swap3A_139] : memref<4096x1xi32, #tpu.memory_space<vmem>>, vector<4096x1xi32>
    tpu.vector_store %arg5[%swap3A_138, %swap3A_139], %convert_element_type3A_137 {strides = array<i32>} : memref<4096x1xi32, #tpu.memory_space<vmem>>, vector<4096x1xi32>,
    %mul3A_141 = arith.constant 0.001953125 : f32
    %mul3A_142 = vector.broadcast %mul3A_141 : f32 to vector<1x8xf32>
    %mul3A_143 = arith.mulf %mul3A_123, %mul3A_142 : vector<1x8xf32>
    %dot_general3A_144 = arith.constant dense<0.000000e+00> : vector<1x8xf32>
    %dot_general3A_145 = tpu.matmul %mul3A_143, %convert_element_type3A_127, %dot_general3A_144 {dimension_numbers = #tpu.dot_dimension_numbers<[1], [0], [0], [1], [0, 0, 1, 1], [], []>, transpose_lhs_hint = false} : vector<1x8xf32>, vector<8x8xf32>, vector<1x8xf32> -> vector<1x8xf32>
    %iota3A_146 = tpu.iota {dimensions = array<i32: 1>} : vector<1x32xi32>
    %convert_element_type3A_147 = arith.sitofp %iota3A_146 : vector<1x32xi32> to vector<1x32xf32>
    %broadcast_in_dim3A_148 = arith.constant 0.000000e+00 : f32
    %broadcast_in_dim3A_149 = vector.broadcast %broadcast_in_dim3A_148 : f32 to vector<1x32xf32>
    %slice3A_150 = vector.extract_strided_slice %dot_general3A_145 {offsets = [0, 0], sizes = [1, 1], strides = [1, 1]} : vector<1x8xf32> to vector<1x1xf32>
    %ge3A = vector.broadcast %slice3A_150 : vector<1x1xf32> to vector<1x32xf32>
    %ge3A_151 = arith.cmpf oge, %convert_element_type3A_147, %ge3A : vector<1x32xf32>
    %convert_element_type3A_152 = arith.extui %ge3A_151 : vector<1x32xi1> to vector<1x32xi32>
    %convert_element_type3A_153 = arith.sitofp %convert_element_type3A_152 : vector<1x32xi32> to vector<1x32xf32>
    %add3A_154 = arith.addf %broadcast_in_dim3A_149, %convert_element_type3A_153 : vector<1x32xf32>
    %slice3A_155 = vector.extract_strided_slice %dot_general3A_145 {offsets = [0, 1], sizes = [1, 1], strides = [1, 1]} : vector<1x8xf32> to vector<1x1xf32>
    %ge3A_156 = vector.broadcast %slice3A_155 : vector<1x1xf32> to vector<1x32xf32>
    %ge3A_157 = arith.cmpf oge, %convert_element_type3A_147, %ge3A_156 : vector<1x32xf32>
    %convert_element_type3A_158 = arith.extui %ge3A_157 : vector<1x32xi1> to vector<1x32xi32>
    %convert_element_type3A_159 = arith.sitofp %convert_element_type3A_158 : vector<1x32xi32> to vector<1x32xf32>
    %add3A_160 = arith.addf %add3A_154, %convert_element_type3A_159 : vector<1x32xf32>
    %slice3A_161 = vector.extract_strided_slice %dot_general3A_145 {offsets = [0, 2], sizes = [1, 1], strides = [1, 1]} : vector<1x8xf32> to vector<1x1xf32>
    %ge3A_162 = vector.broadcast %slice3A_161 : vector<1x1xf32> to vector<1x32xf32>
    %ge3A_163 = arith.cmpf oge, %convert_element_type3A_147, %ge3A_162 : vector<1x32xf32>
    %convert_element_type3A_164 = arith.extui %ge3A_163 : vector<1x32xi1> to vector<1x32xi32>
    %convert_element_type3A_165 = arith.sitofp %convert_element_type3A_164 : vector<1x32xi32> to vector<1x32xf32>
    %add3A_166 = arith.addf %add3A_160, %convert_element_type3A_165 : vector<1x32xf32>
    %slice3A_167 = vector.extract_strided_slice %dot_general3A_145 {offsets = [0, 3], sizes = [1, 1], strides = [1, 1]} : vector<1x8xf32> to vector<1x1xf32>
    %ge3A_168 = vector.broadcast %slice3A_167 : vector<1x1xf32> to vector<1x32xf32>
    %ge3A_169 = arith.cmpf oge, %convert_element_type3A_147, %ge3A_168 : vector<1x32xf32>
    %convert_element_type3A_170 = arith.extui %ge3A_169 : vector<1x32xi1> to vector<1x32xi32>
    %convert_element_type3A_171 = arith.sitofp %convert_element_type3A_170 : vector<1x32xi32> to vector<1x32xf32>
    %add3A_172 = arith.addf %add3A_166, %convert_element_type3A_171 : vector<1x32xf32>
    %slice3A_173 = vector.extract_strided_slice %dot_general3A_145 {offsets = [0, 4], sizes = [1, 1], strides = [1, 1]} : vector<1x8xf32> to vector<1x1xf32>
    %ge3A_174 = vector.broadcast %slice3A_173 : vector<1x1xf32> to vector<1x32xf32>
    %ge3A_175 = arith.cmpf oge, %convert_element_type3A_147, %ge3A_174 : vector<1x32xf32>
    %convert_element_type3A_176 = arith.extui %ge3A_175 : vector<1x32xi1> to vector<1x32xi32>
    %convert_element_type3A_177 = arith.sitofp %convert_element_type3A_176 : vector<1x32xi32> to vector<1x32xf32>
    %add3A_178 = arith.addf %add3A_172, %convert_element_type3A_177 : vector<1x32xf32>
    %slice3A_179 = vector.extract_strided_slice %dot_general3A_145 {offsets = [0, 5], sizes = [1, 1], strides = [1, 1]} : vector<1x8xf32> to vector<1x1xf32>
    %ge3A_180 = vector.broadcast %slice3A_179 : vector<1x1xf32> to vector<1x32xf32>
    %ge3A_181 = arith.cmpf oge, %convert_element_type3A_147, %ge3A_180 : vector<1x32xf32>
    %convert_element_type3A_182 = arith.extui %ge3A_181 : vector<1x32xi1> to vector<1x32xi32>
    %convert_element_type3A_183 = arith.sitofp %convert_element_type3A_182 : vector<1x32xi32> to vector<1x32xf32>
    %add3A_184 = arith.addf %add3A_178, %convert_element_type3A_183 : vector<1x32xf32>
    %slice3A_185 = vector.extract_strided_slice %dot_general3A_145 {offsets = [0, 6], sizes = [1, 1], strides = [1, 1]} : vector<1x8xf32> to vector<1x1xf32>
    %ge3A_186 = vector.broadcast %slice3A_185 : vector<1x1xf32> to vector<1x32xf32>
    %ge3A_187 = arith.cmpf oge, %convert_element_type3A_147, %ge3A_186 : vector<1x32xf32>
    %convert_element_type3A_188 = arith.extui %ge3A_187 : vector<1x32xi1> to vector<1x32xi32>
    %convert_element_type3A_189 = arith.sitofp %convert_element_type3A_188 : vector<1x32xi32> to vector<1x32xf32>
    %add3A_190 = arith.addf %add3A_184, %convert_element_type3A_189 : vector<1x32xf32>
    %slice3A_191 = vector.extract_strided_slice %dot_general3A_145 {offsets = [0, 7], sizes = [1, 1], strides = [1, 1]} : vector<1x8xf32> to vector<1x1xf32>
    %ge3A_192 = vector.broadcast %slice3A_191 : vector<1x1xf32> to vector<1x32xf32>
    %ge3A_193 = arith.cmpf oge, %convert_element_type3A_147, %ge3A_192 : vector<1x32xf32>
    %convert_element_type3A_194 = arith.extui %ge3A_193 : vector<1x32xi1> to vector<1x32xi32>
    %convert_element_type3A_195 = arith.sitofp %convert_element_type3A_194 : vector<1x32xi32> to vector<1x32xf32>
    %add3A_196 = arith.addf %add3A_190, %convert_element_type3A_195 : vector<1x32xf32>
    %min3A = arith.constant 7.000000e+00 : f32
    %min3A_197 = vector.broadcast %min3A : f32 to vector<1x32xf32>
    %min3A_198 = arith.minimumf %add3A_196, %min3A_197 : vector<1x32xf32>
    %iota3A_199 = tpu.iota {dimensions = array<i32: 1>} : vector<1x32xi32>
    %eq3A_200 = arith.constant 31 : i32
    %eq3A_201 = vector.broadcast %eq3A_200 : i32 to vector<1x32xi32>
    %eq3A_202 = arith.cmpi eq, %iota3A_199, %eq3A_201 : vector<1x32xi32>
    %slice3A_203 = vector.extract_strided_slice %dot_general3A_145 {offsets = [0, 7], sizes = [1, 1], strides = [1, 1]} : vector<1x8xf32> to vector<1x1xf32>
    %broadcast_in_dim3A_204 = vector.shape_cast %slice3A_203 : vector<1x1xf32> to vector<1x1xf32>
    %broadcast_in_dim3A_205 = vector.broadcast %broadcast_in_dim3A_204 : vector<1x1xf32> to vector<1x32xf32>
    %select_n3A_206 = arith.select %eq3A_202, %broadcast_in_dim3A_205, %min3A_198 : vector<1x32xi1>, vector<1x32xf32>
    %convert_element_type3A_207 = arith.fptosi %select_n3A_206 : vector<1x32xf32> to vector<1x32xi32>
    %swap3A_208 = arith.constant 0 : index
    %swap3A_209 = arith.constant 0 : index
    %swap3A_210 = vector.load %arg6[%swap3A_208, %swap3A_209] : memref<1x32xi32, #tpu.memory_space<vmem>>, vector<1x32xi32>
    tpu.vector_store %arg6[%swap3A_208, %swap3A_209], %convert_element_type3A_207 {strides = array<i32>} : memref<1x32xi32, #tpu.memory_space<vmem>>, vector<1x32xi32>,
    return
  }
}

</mosaic_0001>

<sc_bundles>
// kernel: kernel.6.cloned.1.call-start
scs
__scs_entry_jumppad:
0x0: {  	(pc) =	sbr.rel $0x88, $3  }
0x1: {  	(tag) =	ssettag $0x0;
	lr =	simm.s32 $0x1  }
0x2: {  	[smem:$0x3F9C] =	sst lr;
	_ =	strace $0xD0000000  }
0x3: {  	_ = 	snop  }
0x4: {  	_ = 	snop  }
0x5: {  	_ = 	snop  }
0x6: {  	_ = 	snop  }
0x7: {  	_ = 	snop  }
__scs_overlays_trampoline_lowered:
0x8: {  	[smem:$0x3FAB] =	sst s0  }
0x9: {  	[smem:$0x3FAC] =	sst s1  }
0xa: {  	[smem:$0x3FAD] =	sst s2  }
0xb: {  	[smem:$0x3FAE] =	sst s3  }
0xc: {  	[smem:$0x3FAF] =	sst s4  }
0xd: {  	[smem:$0x3FB0] =	sst s5  }
0xe: {  	[smem:$0x3FB1] =	sst s6  }
0xf: {  	[smem:$0x3FB2] =	sst s7  }
0x10: {  	[smem:$0x3FB3] =	sst s8  }
0x11: {  	[smem:$0x3FB4] =	sst s9;
	s0 =	simm.s32 @!p0 $0x0  }
0x12: {  	s1 =	sld [smem:$0x3F9A];
	s0 =	simm.s32 @p0 $0x1  }
0x13: {  	[smem:$0x3FB5] =	sst s0;
	s0 =	simm.s32 @!p1 $0x0  }
0x14: {  	s2 =	sld [smem:$0x3F99];
	s0 =	simm.s32 @p1 $0x1  }
0x15: {  	[smem:$0x3FB6] =	sst s0;
	s0 =	simm.s32 @!p2 $0x0  }
0x16: {  	s3 =	sld [smem:$0x3FDB];
	s0 =	simm.s32 @p2 $0x1  }
0x17: {  	s4 =	simm.s32 $0x1BF5;
	[smem:$0x3FB8] =	sst s0  }
0x18: {  	s0 =	sld [smem:$0x3F9B];
	_ =	swait.ge [sflag:s4], $0x0  }
0x19: {  	s7 =	sld [smem:$0x3F9C]  }
0x1a: {  	s8 =	sadd.s32 $0xFFFFE003, lr  }
0x1b: {  	s9 =	sadd.s32 $0xFFFFFEF7, lr;
	s5 =	simm.s32 $0xFFFFFFFF;
	p2 =	slt.u32 s8, $0xFFFFF086  }
0x1c: {  	p1 =	slt.u32 s9, $0xF7A;
	s5 =	simm.s32 @!p2 $0x0  }
0x1d: {  	s5 =	simm.s32 @p1 $0x1;
	p0 =	seq.s32 s7, s2  }
0x1e: {  	s7 =	smul.u32 @!p0 $0xF7A, s2;
	p2 =	seq.s32 @!p0 s5, $0x0  }
0x1f: {  	s9 =	smul.u32 $0xF7A, s1;
	s8 =	simm.s32 @!p0 $0x1BF5;
	p2 =	por !p2, p0  }
0x20: {  	[sflag:s8] =	ssyncset.s32 @!p0 $0xFFFFF086;
	s6 =	sadd.s32 @!p0 s3, s7;
	s7 =	simm.s32 @!p0 $0x108  }
0x21: {  	s3 =	sadd.s32 s3, s9;
	s6 =	sadd.s32 @!p0 $0x88, s6;
	s7 =	simm.s32 @p2 $0x1082  }
0x22: {  	[simem:s7], [sflag:s8] =	dma.local @!p0 [hbm:s6], $0xF7A  }
0x23: {  	s9 =	sor.u32 $0xD0000000, s2;
	s6 =	simm.s32 $0x108;
	_ =	swait.ge @!p0 [sflag:s8], $0x0  }
0x24: {  	s3 =	sadd.s32 $0x88, s3;
	s6 =	simm.s32 @!p1 $0x1082;
	[sflag:s4] =	ssyncset.s32 $0xFFFFF086  }
0x25: {  	[simem:s6], [sflag:s4] =	dma.local [hbm:s3], $0xF7A  }
0x26: {  	[smem:$0x3F9C] =	sst s1;
	(tag) =	ssettag s2;
	_ =	strace s9  }
0x27: {  	s1 =	sld [smem:$0x3FAC]  }
0x28: {  	s2 =	sld [smem:$0x3FAD]  }
0x29: {  	s4 =	sld [smem:$0x3FAF]  }
0x2a: {  	p0 =	seq.s32 s5, $0x0;
	s5 =	sld [smem:$0x3FB0]  }
0x2b: {  	s6 =	sld [smem:$0x3FB1]  }
0x2c: {  	s7 =	sld [smem:$0x3FB2]  }
0x2d: {  	s3 =	simm.s32 $0x108;
	s8 =	sld [smem:$0x3FB3]  }
0x2e: {  	s3 =	simm.s32 @!p0 $0x1082;
	s9 =	sld [smem:$0x3FB4]  }
0x2f: {  	lr =	sadd.s32 s0, s3;
	s0 =	sld [smem:$0x3FAB]  }
0x30: {  	s3 =	sld [smem:$0x3FAE]  }
0x31: {  	[smem:$0x3FB7] =	sst s10  }
0x32: {  	s10 =	sld [smem:$0x3FB5];
	_ =	sdelay $0x3  }
0x33: {  	p0 =	seq.s32 s10, $0x1;
	s10 =	sld [smem:$0x3FB7];
	_ =	sdelay $0x3  }
0x34: {  	[smem:$0x3FB7] =	sst s10  }
0x35: {  	s10 =	sld [smem:$0x3FB6];
	_ =	sdelay $0x3  }
0x36: {  	p1 =	seq.s32 s10, $0x1;
	s10 =	sld [smem:$0x3FB7];
	_ =	sdelay $0x3  }
0x37: {  	[smem:$0x3FB7] =	sst s10  }
0x38: {  	s10 =	sld [smem:$0x3FB8]  }
0x39: {  	_ = 	snop;
	(pc) =	sbr.ind lr, $3  }
0x3a: {  	_ = 	snop  }
0x3b: {  	_ = 	snop  }
0x3c: {  	p2 =	seq.s32 s10, $0x1;
	s10 =	sld [smem:$0x3FB7]  }
0x3d: {  	_ =	shalt  }
0x3e: {  	_ =	shalt  }
0x3f: {  	_ =	shalt  }
0x40: {  	_ =	shalt  }
0x41: {  	_ =	shalt  }
0x42: {  	_ =	shalt  }
0x43: {  	_ =	shalt  }
0x44: {  	_ =	shalt  }
0x45: {  	_ =	shalt  }
0x46: {  	_ =	shalt  }
0x47: {  	_ =	shalt  }
0x48: {  	_ =	shalt  }
0x49: {  	_ =	shalt  }
0x4a: {  	_ =	shalt  }
0x4b: {  	_ =	shalt  }
0x4c: {  	_ =	shalt  }
0x4d: {  	_ =	shalt  }
0x4e: {  	_ =	shalt  }
0x4f: {  	_ =	shalt  }
0x50: {  	_ =	shalt  }
0x51: {  	_ =	shalt  }
0x52: {  	_ =	shalt  }
0x53: {  	_ =	shalt  }
0x54: {  	_ =	shalt  }
0x55: {  	_ =	shalt  }
0x56: {  	_ =	shalt  }
0x57: {  	_ =	shalt  }
0x58: {  	_ =	shalt  }
0x59: {  	_ =	shalt  }
0x5a: {  	_ =	shalt  }
0x5b: {  	_ =	shalt  }
0x5c: {  	_ =	shalt  }
0x5d: {  	_ =	shalt  }
0x5e: {  	_ =	shalt  }
0x5f: {  	_ =	shalt  }
0x60: {  	_ =	shalt  }
0x61: {  	_ =	shalt  }
0x62: {  	_ =	shalt  }
0x63: {  	_ =	shalt  }
0x64: {  	_ =	shalt  }
0x65: {  	_ =	shalt  }
0x66: {  	_ =	shalt  }
0x67: {  	_ =	shalt  }
0x68: {  	_ =	shalt  }
0x69: {  	_ =	shalt  }
0x6a: {  	_ =	shalt  }
0x6b: {  	_ =	shalt  }
0x6c: {  	_ =	shalt  }
0x6d: {  	_ =	shalt  }
0x6e: {  	_ =	shalt  }
0x6f: {  	_ =	shalt  }
0x70: {  	_ =	shalt  }
0x71: {  	_ =	shalt  }
0x72: {  	_ =	shalt  }
0x73: {  	_ =	shalt  }
0x74: {  	_ =	shalt  }
0x75: {  	_ =	shalt  }
0x76: {  	_ =	shalt  }
0x77: {  	_ =	shalt  }
0x78: {  	_ =	shalt  }
0x79: {  	_ =	shalt  }
0x7a: {  	_ =	shalt  }
0x7b: {  	_ =	shalt  }
0x7c: {  	_ =	shalt  }
0x7d: {  	_ =	shalt  }
0x7e: {  	_ =	shalt  }
0x7f: {  	_ =	shalt  }
0x80: {  	_ =	shalt  }
0x81: {  	_ =	shalt  }
0x82: {  	_ =	shalt  }
0x83: {  	_ =	shalt  }
0x84: {  	_ =	shalt  }
0x85: {  	_ =	shalt  }
0x86: {  	_ =	shalt  }
0x87: {  	_ =	shalt  }
.Lfunc_end0:
.L_simem_size_0:
called_computation_lowered:
.L_overlay_start_0:
0x88: {  	s2 =	sld [smem:$0x3FD9]  }
0x89: {  	s3 =	sld [smem:$0x3FFE];
	_ =	sdelay $0x1  }
0x8a: {  	s1 =	srdreg.scid  }
0x8b: {  	s0 =	sand.u32 $0x1, s1  }
0x8c: {  	s17 =	sshll.u32 s0, $0xA;
	s2 =	sadd.s32 s3, s2  }
0x8d: {  	s2 =	sadd.s32 s2, s17  }
0x8e: {  	[smem:$0x3FC3] =	sst s2  }
0x8f: {  	_ = 	snop  }
0x90: {  	s2 =	sld [smem:$0x3FC9];
	(tm) =	ssettm $0x1  }
0x91: {  	s18 =	sld [smem:$0x3FFB];
	_ =	sdelay $0x3  }
0x92: {  	_ =	strace s18  }
0x93: {  	s3 =	sld [smem:$0x3FFC];
	_ =	sdelay $0x3  }
0x94: {  	_ =	strace s3  }
0x95: {  	s3 =	sld [smem:$0x3FFD];
	_ =	sdelay $0x3  }
0x96: {  	_ =	strace s3  }
0x97: {  	_ =	strace $0x8FFFFFFF  }
0x98: {  	s19 =	sld [smem:$0x3FDB];
	_ =	sdelay $0x1  }
0x99: {  	s4 =	simm.s32 $_scs_section_size  }
0x9a: {  	s5 =	simm.s32 $_size__tile_overlayer_lowered;
	s6 =	simm.s32 $_tile_overlayer_lowered  }
0x9b: {  	s22 =	simm.s32 $0x1BFF;
	s21 =	sshll.u32 s6, $0x1;
	s3 =	sadd.s32 s4, s19  }
0x9c: {  	s7 =	simm.s32 $0x0;
	s20 =	sshll.u32 s5, $0x1;
	s5 =	sadd.s32 s21, s3  }
0x9d: {  	[timem:s7], [sflag:s22] =	dma.local [hbm:s5], s20  }
0x9e: {  	_ =	swait.ge [sflag:s22], s20  }
0x9f: {  	s4 =	ssub.s32 $0x0, s20;
	[sflag:s22] =	ssyncset.done $0x0  }
0xa0: {  	[sflag:s22] =	ssyncadd.s32 s4;
	_ =	sdelay $0x1  }
0xa1: {  	s23 =	simm.s32 $0x1B8B  }
0xa2: {  	_ =	swait.ge [sflag:s23], $0x1  }
0xa3: {  	[sflag:s23] =	ssyncset.done $0x0  }
0xa4: {  	s25 =	simm.s32 $0x1B8E;
	s24 =	sld [smem:$0x3FFE];
	[sflag:s23] =	ssyncadd.s32 $0xFFFFFFFF  }
0xa5: {  	s26 =	simm.s32 $execute0_lowered;
	[smem:$0x3FD2] =	sst s25  }
0xa6: {  	s5 =	sshll.u32 s26, $0x1;
	_ =	strace $0x80000046;
	[dreg:$0x1] =	wrdreg $0xFFFFFFFF  }
0xa7: {  	s28 =	simm.s32 $_size_execute0_lowered;
	s3 =	sadd.s32 s3, s5;
	[dreg:$0x0] =	wrdreg $0x0  }
0xa8: {  	s5 =	sshll.u32 s28, $0x1;
	[dreg:$0x2] =	wrdreg s3  }
0xa9: {  	[dreg:$0x3] =	wrdreg s5  }
0xaa: {  	[dreg:$0x4] =	wrdreg $0xC0  }
0xab: {  	_ =	task [dreg:s7], $0x5FFFF  }
0xac: {  	[dreg:$0x1] =	wrdreg $0xFFFFFFFF  }
0xad: {  	[dreg:$0x0] =	wrdreg $0x60  }
0xae: {  	[dreg:$0x2] =	wrdreg s2  }
0xaf: {  	[dreg:$0x3] =	wrdreg s24  }
0xb0: {  	[dreg:$0x4] =	wrdreg $0x9  }
0xb1: {  	_ =	task.clear_ibuf [dreg:s7], $0x5FFFF;
	_ =	strace $0x90000046  }
0xb2: {  	s29 =	simm.s32 $0x9;
	_ =	strace $0x80000048  }
0xb3: {  	_ =	swait.ge [sflag:s29], $0x1  }
0xb4: {  	[sflag:s29] =	ssyncadd.s32 $0xFFFFFFFF  }
0xb5: {  	_ =	strace $0x90000048  }
0xb6: {  	_ =	sfence  }
0xb7: {  	s30 =	sld [smem:$0x0];
	_ =	sdelay $0x2  }
0xb8: {  	s31 =	sshll.u32 s1, $0xD;
	s1 =	sshrl.u32 s1, $0x2  }
0xb9: {  	s3 =	sand.u32 $0x4000, s31;
	s1 =	sadd.s32 s1, s30  }
0xba: {  	s0 =	sor.u32 s3, s0;
	s1 =	sshll.u32 s1, $0x11  }
0xbb: {  	s0 =	sor.u32 s1, s0  }
0xbc: {  	s0 =	sadd.s32 $0x8F2B, s0  }
0xbd: {  	[sflag:s0] =	ssyncadd.remote.s32 $0x1  }
0xbe: {  	_ =	sfence.sel $0xFFFF  }
0xbf: {  	[dreg:$0x0] =	wrdreg $0xFFFFFFFF;
	(pc) =	sbr.abs _section_cstart, $3  }
0xc0: {  	[dreg:$0x1] =	wrdreg $0xFFFFFFFF  }
0xc1: {  	_ =	task.clear_ibuf [dreg:s7], $0x2FFFF;
	_ =	strace $0x9FFFFFFF  }
0xc2: {  	(tm) =	ssettm $0x7FFFFFFF  }
0xc3: {  	_ =	shalt  }
tec
execute0_lowered:
.L_overlay_start_1:
0x0: {  	(tag) =	ssettag $0x1  }
0x1: {  	s0 =	rddreg [dreg:$0x0]  }
0x2: {  	s1 =	rddreg [dreg:$0x1];
	s2 =	srdreg.scid  }
0x3: {  	s5 =	stileid.u32;
	s26 =	simm.s32 $0x80;
	s9 =	simm.s32 $0x2  }
0x4: {  	s12 =	simm.s32 $0x1900;
	s13 =	simm.s32 $0x2100;
	s14 =	simm.s32 $0x2900  }
0x5: {  	s15 =	simm.s32 $0x3100;
	s16 =	simm.s32 $0x3900;
	s17 =	simm.s32 $0x4100  }
0x6: {  	s18 =	simm.s32 $0x4900;
	s19 =	simm.s32 $0x5100;
	s20 =	simm.s32 $0x5900  }
0x7: {  	s21 =	simm.s32 $0x6100;
	s22 =	simm.s32 $0x6900;
	s23 =	simm.s32 $0x7100  }
0x8: {  	s24 =	simm.s32 $0x7900;
	s28 =	simm.s32 $0x9100;
	s29 =	simm.s32 $0x9900  }
0x9: {  	s30 =	simm.s32 $0xA100;
	s31 =	simm.s32 $0xA900;
	s4 =	sand.u32 $0x1, s2  }
0xa: {  	s2 =	simm.s32 $0x0;
	s5 =	sshll.u32 s5, $0x3;
	s3 =	sshll.u32 s4, $0x7  }
0xb: {  	[smem:$0x7FF] =	sst s2;
	s4 =	ssub.s32 $0x2, s4;
	s5 =	sor.u32 s5, s3  }
0xc: {  	_ =	strace $0x80000047;
	s3 =	sadd.s32 $0x1C00, s1;
	s8 =	sshrl.u32 s4, $0x1  }
0xd: {  	[dreg:$0x6] =	wrdreg s26;
	s26 =	simm.s32 $0x8900;
	s6 =	sadd.s32 s5, s1  }
0xe: {  	s5 =	smul.u32 $0x300, s5;
	s25 =	ssub.s32 s4, s8;
	s7 =	sadd.s32 $0x1A00, s6  }
0xf: {  	s4 =	sadd.s32 $0x1D00, s1;
	s6 =	sadd.s32 $0x1B00, s6;
	[dreg:$0x3] =	wrdreg s7  }
0x10: {  	v2 =	vlaneseq.u32;
	s8 =	simm.s32 $0xB900;
	[dreg:$0x4] =	wrdreg s6;
	s0 =	sadd.s32 s0, s5  }
0x11: {  	vm0 =	vmmov $0xffff;
	v1 =	vshrl.u32 v2, $0x3;
	s5 =	sadd.s32 $0x1E00, s1;
	s6 =	smax.u32 s25, $0x1;
	s7 =	simm.s32 $0x3  }
0x12: {  	v0 =	vand.u32 $0x7, v2;
	v2 =	vor.u32 $0x8, v2;
	v1 =	vmul.u32 $0x8, v1;
	s1 =	simm.s32 $0x100;
	s25 =	simm.s32 $0x8100;
	[dreg:$0x5] =	wrdreg s0  }
.LBB2_1:
0x13: {  	s10 =	rddreg [dreg:$0x3]  }
0x14: {  	[tilespmem:s2], [sflag:$0x3] =	stream.linear.gather [hbm4b:s10+s2], $0x40, $0x38;
	[tilespmem:$0xC100] =	vst v63  }
0x15: {  	_ =	swait.ge [sflag:s7], $0x40  }
0x16: {  	s0 =	rddreg [dreg:$0x4];
	[sflag:s7] =	ssyncset.done $0x0  }
0x17: {  	s11 =	rddreg [dreg:$0x6];
	[sflag:s7] =	ssyncadd.s32 $0xFFFFFFC0  }
0x18: {  	[tilespmem:s11], [sflag:$0x3] =	stream.linear.gather [hbm4b:s0+s2], $0x40, $0x38;
	[tilespmem:$0xC100] =	vst v63  }
0x19: {  	_ =	swait.ge [sflag:s7], $0x40  }
0x1a: {  	[sflag:s7] =	ssyncset.done $0x0  }
0x1b: {  	s0 =	rddreg [dreg:$0x5];
	[sflag:s7] =	ssyncadd.s32 $0xFFFFFFC0  }
0x1c: {  	[tilespmem:s1], [sflag:$0x3] =	stream.linear.gather [hbm4b:s0+s2], $0xC000, $0x38;
	[tilespmem:$0xC100] =	vst v63  }
0x1d: {  	_ =	swait.ge [sflag:s7], $0xC000  }
0x1e: {  	[sflag:s7] =	ssyncset.done $0x0  }
0x1f: {  	[sflag:s7] =	ssyncadd.s32 $0xFFFF4000  }
0x20: {  	v3 =	vld [tilespmem:$0x0];
	_ =	sdelay $0x4  }
0x21: {  	v4 =	vshrl.u32 v3, $0x3  }
0x22: {  	v4 =	vmul.u32 $0x30, v4  }
0x23: {  	v3 =	vand.u32 $0x7, v3  }
0x24: {  	v3 =	vor.u32 v3, v4  }
0x25: {  	v4 =	vperm.xlane v3, v0;
	_ =	sdelay $0x1  }
0x26: {  	v4 =	vadd.s32 v1, v4;
	_ =	sdelay $0x3  }
0x27: {  	v3 =	vperm.xlane v3, v2  }
0x28: {  	[hbm4b:s3+s2] =	stream.indirect_vreg.scatter [tilespmem:s1], [sflag:$0x1], $0x80, v4, vm0, $0xb8;
	[tilespmem:$0xC100] =	vst v63  }
0x29: {  	s10 =	simm.s32 $0x900;
	v3 =	vadd.s32 v1, v3  }
0x2a: {  	[hbm4b:s4+s2] =	stream.indirect_vreg.scatter [tilespmem:s10], [sflag:$0x1], $0x80, v4, vm0, $0xb8;
	[tilespmem:$0xC100] =	vst v63  }
0x2b: {  	s11 =	simm.s32 $0x1100  }
0x2c: {  	[hbm4b:s5+s2] =	stream.indirect_vreg.scatter [tilespmem:s11], [sflag:$0x1], $0x80, v4, vm0, $0xb8;
	[tilespmem:$0xC100] =	vst v63  }
0x2d: {  	_ = 	snop  }
0x2e: {  	[hbm4b:s3+s2] =	stream.indirect_vreg.scatter [tilespmem:s12], [sflag:$0x1], $0x80, v3, vm0, $0xb8;
	[tilespmem:$0xC100] =	vst v63  }
0x2f: {  	_ = 	snop  }
0x30: {  	[hbm4b:s4+s2] =	stream.indirect_vreg.scatter [tilespmem:s13], [sflag:$0x1], $0x80, v3, vm0, $0xb8;
	[tilespmem:$0xC100] =	vst v63  }
0x31: {  	_ = 	snop  }
0x32: {  	[hbm4b:s5+s2] =	stream.indirect_vreg.scatter [tilespmem:s14], [sflag:$0x1], $0x80, v3, vm0, $0xb8;
	[tilespmem:$0xC100] =	vst v63  }
0x33: {  	v3 =	vld [tilespmem:$0x10];
	_ =	sdelay $0x4  }
0x34: {  	v57 =	vshrl.u32 v3, $0x3  }
0x35: {  	v4 =	vmul.u32 $0x30, v57  }
0x36: {  	v3 =	vand.u32 $0x7, v3  }
0x37: {  	v3 =	vor.u32 v3, v4  }
0x38: {  	v4 =	vperm.xlane v3, v0;
	_ =	sdelay $0x1  }
0x39: {  	v4 =	vadd.s32 v1, v4;
	_ =	sdelay $0x3  }
0x3a: {  	v3 =	vperm.xlane v3, v2  }
0x3b: {  	[hbm4b:s3+s2] =	stream.indirect_vreg.scatter [tilespmem:s15], [sflag:$0x1], $0x80, v4, vm0, $0xb8;
	[tilespmem:$0xC100] =	vst v63  }
0x3c: {  	v3 =	vadd.s32 v1, v3  }
0x3d: {  	[hbm4b:s4+s2] =	stream.indirect_vreg.scatter [tilespmem:s16], [sflag:$0x1], $0x80, v4, vm0, $0xb8;
	[tilespmem:$0xC100] =	vst v63  }
0x3e: {  	_ = 	snop  }
0x3f: {  	[hbm4b:s5+s2] =	stream.indirect_vreg.scatter [tilespmem:s17], [sflag:$0x1], $0x80, v4, vm0, $0xb8;
	[tilespmem:$0xC100] =	vst v63  }
0x40: {  	_ = 	snop  }
0x41: {  	[hbm4b:s3+s2] =	stream.indirect_vreg.scatter [tilespmem:s18], [sflag:$0x1], $0x80, v3, vm0, $0xb8;
	[tilespmem:$0xC100] =	vst v63  }
0x42: {  	_ = 	snop  }
0x43: {  	[hbm4b:s4+s2] =	stream.indirect_vreg.scatter [tilespmem:s19], [sflag:$0x1], $0x80, v3, vm0, $0xb8;
	[tilespmem:$0xC100] =	vst v63  }
0x44: {  	_ = 	snop  }
0x45: {  	[hbm4b:s5+s2] =	stream.indirect_vreg.scatter [tilespmem:s20], [sflag:$0x1], $0x80, v3, vm0, $0xb8;
	[tilespmem:$0xC100] =	vst v63  }
0x46: {  	v3 =	vld [tilespmem:$0x20];
	_ =	sdelay $0x4  }
0x47: {  	v58 =	vshrl.u32 v3, $0x3  }
0x48: {  	v4 =	vmul.u32 $0x30, v58  }
0x49: {  	v3 =	vand.u32 $0x7, v3  }
0x4a: {  	v3 =	vor.u32 v3, v4  }
0x4b: {  	v4 =	vperm.xlane v3, v0;
	_ =	sdelay $0x1  }
0x4c: {  	v4 =	vadd.s32 v1, v4;
	_ =	sdelay $0x3  }
0x4d: {  	v3 =	vperm.xlane v3, v2  }
0x4e: {  	[hbm4b:s3+s2] =	stream.indirect_vreg.scatter [tilespmem:s21], [sflag:$0x1], $0x80, v4, vm0, $0xb8;
	[tilespmem:$0xC100] =	vst v63  }
0x4f: {  	v3 =	vadd.s32 v1, v3  }
0x50: {  	[hbm4b:s4+s2] =	stream.indirect_vreg.scatter [tilespmem:s22], [sflag:$0x1], $0x80, v4, vm0, $0xb8;
	[tilespmem:$0xC100] =	vst v63  }
0x51: {  	_ = 	snop  }
0x52: {  	[hbm4b:s5+s2] =	stream.indirect_vreg.scatter [tilespmem:s23], [sflag:$0x1], $0x80, v4, vm0, $0xb8;
	[tilespmem:$0xC100] =	vst v63  }
0x53: {  	_ = 	snop  }
0x54: {  	[hbm4b:s3+s2] =	stream.indirect_vreg.scatter [tilespmem:s24], [sflag:$0x1], $0x80, v3, vm0, $0xb8;
	[tilespmem:$0xC100] =	vst v63  }
0x55: {  	_ = 	snop  }
0x56: {  	[hbm4b:s4+s2] =	stream.indirect_vreg.scatter [tilespmem:s25], [sflag:$0x1], $0x80, v3, vm0, $0xb8;
	[tilespmem:$0xC100] =	vst v63  }
0x57: {  	_ = 	snop  }
0x58: {  	[hbm4b:s5+s2] =	stream.indirect_vreg.scatter [tilespmem:s26], [sflag:$0x1], $0x80, v3, vm0, $0xb8;
	[tilespmem:$0xC100] =	vst v63  }
0x59: {  	v3 =	vld [tilespmem:$0x30];
	_ =	sdelay $0x4  }
0x5a: {  	v59 =	vshrl.u32 v3, $0x3  }
0x5b: {  	v4 =	vmul.u32 $0x30, v59  }
0x5c: {  	v3 =	vand.u32 $0x7, v3  }
0x5d: {  	v3 =	vor.u32 v3, v4  }
0x5e: {  	v4 =	vperm.xlane v3, v0;
	_ =	sdelay $0x1  }
0x5f: {  	v4 =	vadd.s32 v1, v4;
	_ =	sdelay $0x3  }
0x60: {  	v3 =	vperm.xlane v3, v2  }
0x61: {  	[hbm4b:s3+s2] =	stream.indirect_vreg.scatter [tilespmem:s28], [sflag:$0x1], $0x80, v4, vm0, $0xb8;
	[tilespmem:$0xC100] =	vst v63  }
0x62: {  	v3 =	vadd.s32 v1, v3  }
0x63: {  	[hbm4b:s4+s2] =	stream.indirect_vreg.scatter [tilespmem:s29], [sflag:$0x1], $0x80, v4, vm0, $0xb8;
	[tilespmem:$0xC100] =	vst v63  }
0x64: {  	_ = 	snop  }
0x65: {  	[hbm4b:s5+s2] =	stream.indirect_vreg.scatter [tilespmem:s30], [sflag:$0x1], $0x80, v4, vm0, $0xb8;
	[tilespmem:$0xC100] =	vst v63  }
0x66: {  	_ = 	snop  }
0x67: {  	[hbm4b:s3+s2] =	stream.indirect_vreg.scatter [tilespmem:s31], [sflag:$0x1], $0x80, v3, vm0, $0xb8;
	[tilespmem:$0xC100] =	vst v63  }
0x68: {  	s0 =	simm.s32 $0xB100  }
0x69: {  	[hbm4b:s4+s2] =	stream.indirect_vreg.scatter [tilespmem:s0], [sflag:$0x1], $0x80, v3, vm0, $0xb8;
	[tilespmem:$0xC100] =	vst v63  }
0x6a: {  	_ = 	snop  }
0x6b: {  	[hbm4b:s5+s2] =	stream.indirect_vreg.scatter [tilespmem:s8], [sflag:$0x1], $0x80, v3, vm0, $0xb8;
	[tilespmem:$0xC100] =	vst v63  }
0x6c: {  	v3 =	vld [tilespmem:$0x80];
	_ =	sdelay $0x4  }
0x6d: {  	v60 =	vshrl.u32 v3, $0x3  }
0x6e: {  	v4 =	vmul.u32 $0x30, v60  }
0x6f: {  	v3 =	vand.u32 $0x7, v3  }
0x70: {  	v3 =	vor.u32 v3, v4  }
0x71: {  	v4 =	vperm.xlane v3, v0;
	_ =	sdelay $0x1  }
0x72: {  	v4 =	vadd.s32 v1, v4;
	_ =	sdelay $0x3  }
0x73: {  	v3 =	vperm.xlane v3, v2  }
0x74: {  	[hbm4b:s3+s2] =	stream.indirect_vreg.scatter [tilespmem:s1], [sflag:$0x2], $0x80, v4, vm0, $0xb8;
	[tilespmem:$0xC100] =	vst v63  }
0x75: {  	v3 =	vadd.s32 v1, v3  }
0x76: {  	[hbm4b:s4+s2] =	stream.indirect_vreg.scatter [tilespmem:s10], [sflag:$0x2], $0x80, v4, vm0, $0xb8;
	[tilespmem:$0xC100] =	vst v63  }
0x77: {  	_ = 	snop  }
0x78: {  	[hbm4b:s5+s2] =	stream.indirect_vreg.scatter [tilespmem:s11], [sflag:$0x2], $0x80, v4, vm0, $0xb8;
	[tilespmem:$0xC100] =	vst v63  }
0x79: {  	_ = 	snop  }
0x7a: {  	[hbm4b:s3+s2] =	stream.indirect_vreg.scatter [tilespmem:s12], [sflag:$0x2], $0x80, v3, vm0, $0xb8;
	[tilespmem:$0xC100] =	vst v63  }
0x7b: {  	_ = 	snop  }
0x7c: {  	[hbm4b:s4+s2] =	stream.indirect_vreg.scatter [tilespmem:s13], [sflag:$0x2], $0x80, v3, vm0, $0xb8;
	[tilespmem:$0xC100] =	vst v63  }
0x7d: {  	_ = 	snop  }
0x7e: {  	[hbm4b:s5+s2] =	stream.indirect_vreg.scatter [tilespmem:s14], [sflag:$0x2], $0x80, v3, vm0, $0xb8;
	[tilespmem:$0xC100] =	vst v63  }
0x7f: {  	v3 =	vld [tilespmem:$0x90];
	_ =	sdelay $0x4  }
0x80: {  	v61 =	vshrl.u32 v3, $0x3  }
0x81: {  	v4 =	vmul.u32 $0x30, v61  }
0x82: {  	v3 =	vand.u32 $0x7, v3  }
0x83: {  	v3 =	vor.u32 v3, v4  }
0x84: {  	v4 =	vperm.xlane v3, v0;
	_ =	sdelay $0x1  }
0x85: {  	v4 =	vadd.s32 v1, v4;
	_ =	sdelay $0x3  }
0x86: {  	v3 =	vperm.xlane v3, v2  }
0x87: {  	[hbm4b:s3+s2] =	stream.indirect_vreg.scatter [tilespmem:s15], [sflag:$0x2], $0x80, v4, vm0, $0xb8;
	[tilespmem:$0xC100] =	vst v63  }
0x88: {  	v3 =	vadd.s32 v1, v3  }
0x89: {  	[hbm4b:s4+s2] =	stream.indirect_vreg.scatter [tilespmem:s16], [sflag:$0x2], $0x80, v4, vm0, $0xb8;
	[tilespmem:$0xC100] =	vst v63  }
0x8a: {  	_ = 	snop  }
0x8b: {  	[hbm4b:s5+s2] =	stream.indirect_vreg.scatter [tilespmem:s17], [sflag:$0x2], $0x80, v4, vm0, $0xb8;
	[tilespmem:$0xC100] =	vst v63  }
0x8c: {  	_ = 	snop  }
0x8d: {  	[hbm4b:s3+s2] =	stream.indirect_vreg.scatter [tilespmem:s18], [sflag:$0x2], $0x80, v3, vm0, $0xb8;
	[tilespmem:$0xC100] =	vst v63  }
0x8e: {  	_ = 	snop  }
0x8f: {  	[hbm4b:s4+s2] =	stream.indirect_vreg.scatter [tilespmem:s19], [sflag:$0x2], $0x80, v3, vm0, $0xb8;
	[tilespmem:$0xC100] =	vst v63  }
0x90: {  	_ = 	snop  }
0x91: {  	[hbm4b:s5+s2] =	stream.indirect_vreg.scatter [tilespmem:s20], [sflag:$0x2], $0x80, v3, vm0, $0xb8;
	[tilespmem:$0xC100] =	vst v63  }
0x92: {  	v3 =	vld [tilespmem:$0xA0];
	_ =	sdelay $0x4  }
0x93: {  	v62 =	vshrl.u32 v3, $0x3  }
0x94: {  	v4 =	vmul.u32 $0x30, v62  }
0x95: {  	v3 =	vand.u32 $0x7, v3  }
0x96: {  	v3 =	vor.u32 v3, v4  }
0x97: {  	v4 =	vperm.xlane v3, v0;
	_ =	sdelay $0x1  }
0x98: {  	v4 =	vadd.s32 v1, v4;
	_ =	sdelay $0x3  }
0x99: {  	v3 =	vperm.xlane v3, v2  }
0x9a: {  	[hbm4b:s3+s2] =	stream.indirect_vreg.scatter [tilespmem:s21], [sflag:$0x2], $0x80, v4, vm0, $0xb8;
	[tilespmem:$0xC100] =	vst v63  }
0x9b: {  	v3 =	vadd.s32 v1, v3  }
0x9c: {  	[hbm4b:s4+s2] =	stream.indirect_vreg.scatter [tilespmem:s22], [sflag:$0x2], $0x80, v4, vm0, $0xb8;
	[tilespmem:$0xC100] =	vst v63  }
0x9d: {  	_ = 	snop  }
0x9e: {  	[hbm4b:s5+s2] =	stream.indirect_vreg.scatter [tilespmem:s23], [sflag:$0x2], $0x80, v4, vm0, $0xb8;
	[tilespmem:$0xC100] =	vst v63  }
0x9f: {  	_ = 	snop  }
0xa0: {  	[hbm4b:s3+s2] =	stream.indirect_vreg.scatter [tilespmem:s24], [sflag:$0x2], $0x80, v3, vm0, $0xb8;
	[tilespmem:$0xC100] =	vst v63  }
0xa1: {  	_ = 	snop  }
0xa2: {  	[hbm4b:s4+s2] =	stream.indirect_vreg.scatter [tilespmem:s25], [sflag:$0x2], $0x80, v3, vm0, $0xb8;
	[tilespmem:$0xC100] =	vst v63  }
0xa3: {  	_ = 	snop  }
0xa4: {  	[hbm4b:s5+s2] =	stream.indirect_vreg.scatter [tilespmem:s26], [sflag:$0x2], $0x80, v3, vm0, $0xb8;
	[tilespmem:$0xC100] =	vst v63  }
0xa5: {  	v3 =	vld [tilespmem:$0xB0];
	_ =	sdelay $0x4  }
0xa6: {  	v63 =	vshrl.u32 v3, $0x3  }
0xa7: {  	v4 =	vmul.u32 $0x30, v63  }
0xa8: {  	v3 =	vand.u32 $0x7, v3  }
0xa9: {  	v3 =	vor.u32 v3, v4  }
0xaa: {  	v4 =	vperm.xlane v3, v0;
	_ =	sdelay $0x1  }
0xab: {  	v4 =	vadd.s32 v1, v4;
	_ =	sdelay $0x3  }
0xac: {  	v3 =	vperm.xlane v3, v2  }
0xad: {  	[hbm4b:s3+s2] =	stream.indirect_vreg.scatter [tilespmem:s28], [sflag:$0x2], $0x80, v4, vm0, $0xb8;
	[tilespmem:$0xC100] =	vst v63  }
0xae: {  	v3 =	vadd.s32 v1, v3  }
0xaf: {  	[hbm4b:s4+s2] =	stream.indirect_vreg.scatter [tilespmem:s29], [sflag:$0x2], $0x80, v4, vm0, $0xb8;
	[tilespmem:$0xC100] =	vst v63  }
0xb0: {  	_ = 	snop  }
0xb1: {  	[hbm4b:s5+s2] =	stream.indirect_vreg.scatter [tilespmem:s30], [sflag:$0x2], $0x80, v4, vm0, $0xb8;
	[tilespmem:$0xC100] =	vst v63  }
0xb2: {  	_ = 	snop  }
0xb3: {  	[hbm4b:s3+s2] =	stream.indirect_vreg.scatter [tilespmem:s31], [sflag:$0x2], $0x80, v3, vm0, $0xb8;
	[tilespmem:$0xC100] =	vst v63  }
0xb4: {  	_ = 	snop  }
0xb5: {  	[hbm4b:s4+s2] =	stream.indirect_vreg.scatter [tilespmem:s0], [sflag:$0x2], $0x80, v3, vm0, $0xb8;
	[tilespmem:$0xC100] =	vst v63  }
0xb6: {  	s11 =	simm.s32 $0x1  }
0xb7: {  	[hbm4b:s5+s2] =	stream.indirect_vreg.scatter [tilespmem:s8], [sflag:$0x2], $0x80, v3, vm0, $0xb8;
	[tilespmem:$0xC100] =	vst v63  }
0xb8: {  	p0 =	sne.s32 s6, $0x1;
	_ =	swait.ge [sflag:s11], $0xC000  }
.Ltmp0:
0xb9: {  	[sflag:s11] =	ssyncset.done $0x0;
	(pc) =	sbr.rel @p0 .LBB2_1-.Ltmp0, $4  }
0xba: {  	[sflag:s11] =	ssyncadd.s32 $0xFFFF4000  }
0xbb: {  	_ =	swait.ge [sflag:s9], $0xC000  }
0xbc: {  	[sflag:s9] =	ssyncset.done $0x0  }
0xbd: {  	s6 =	sadd.s32 $0xFFFFFFFF, s6;
	[sflag:s9] =	ssyncadd.s32 $0xFFFF4000  }
0xbe: {  	_ =	sfence.sel $0x180000  }
0xbf: {  	[bflag:$0x0] =	sbarrier.arrive $0xFFFF  }
0xc0: {  	_ =	strace $0x90000047  }
0xc1: {  	s0 =	stileid.u32;
	[bflag:$0x2] =	sbarrier.arrive $0xFFFF  }
0xc2: {  	p0 =	sne.s32 s0, $0x0;
	s0 =	rddreg [dreg:$0x2]  }
0xc3: {  	s0 =	sadd.s32 @!p0 $0x100000, s0  }
0xc4: {  	[sflag:s0] =	ssyncadd.tile.s32 @!p0 $0x1;
	_ =	shalt  }
.Lfunc_end2:
_tile_overlayer_lowered:
.L_overlay_start_2:
0xc5: {  	(tag) =	ssettag $0x2  }
0xc6: {  	s0 =	rddreg [dreg:$0x0];
	s2 =	stileid.u32  }
0xc7: {  	s1 =	rddreg [dreg:$0x1];
	p0 =	sne.s32 s2, $0x0  }
0xc8: {  	s3 =	rddreg [dreg:$0x2];
	[bflag:$0x3] =	sbarrier.arrive $0xFFFF;
	s2 =	simm.s32 @!p0 $0x1C03  }
0xc9: {  	[timem:s3], [sflag:s2] =	dma.local @!p0 [hbm:s0], s1  }
0xca: {  	s0 =	simm.s32 @!p0 $0x3  }
0xcb: {  	_ =	swait.ge @!p0 [sflag:s0], s1  }
0xcc: {  	s1 =	ssub.s32 @!p0 $0x0, s1;
	[sflag:s0] =	ssyncset.done @!p0 $0x0  }
0xcd: {  	[sflag:s0] =	ssyncadd.s32 @!p0 s1  }
0xce: {  	[bflag:$0x3] =	sbarrier.arrive $0xFFFF  }
0xcf: {  	_ =	shalt  }

// kernel: kernel.9.cloned.1.call-start
scs
__scs_entry_jumppad:
0x0: {  	(pc) =	sbr.rel $0x88, $3  }
0x1: {  	(tag) =	ssettag $0x0;
	lr =	simm.s32 $0x1  }
0x2: {  	[smem:$0x3F9C] =	sst lr;
	_ =	strace $0xD0000000  }
0x3: {  	_ = 	snop  }
0x4: {  	_ = 	snop  }
0x5: {  	_ = 	snop  }
0x6: {  	_ = 	snop  }
0x7: {  	_ = 	snop  }
__scs_overlays_trampoline_lowered:
0x8: {  	[smem:$0x3FAB] =	sst s0  }
0x9: {  	[smem:$0x3FAC] =	sst s1  }
0xa: {  	[smem:$0x3FAD] =	sst s2  }
0xb: {  	[smem:$0x3FAE] =	sst s3  }
0xc: {  	[smem:$0x3FAF] =	sst s4  }
0xd: {  	[smem:$0x3FB0] =	sst s5  }
0xe: {  	[smem:$0x3FB1] =	sst s6  }
0xf: {  	[smem:$0x3FB2] =	sst s7  }
0x10: {  	[smem:$0x3FB3] =	sst s8  }
0x11: {  	[smem:$0x3FB4] =	sst s9;
	s0 =	simm.s32 @!p0 $0x0  }
0x12: {  	s1 =	sld [smem:$0x3F9A];
	s0 =	simm.s32 @p0 $0x1  }
0x13: {  	[smem:$0x3FB5] =	sst s0;
	s0 =	simm.s32 @!p1 $0x0  }
0x14: {  	s2 =	sld [smem:$0x3F99];
	s0 =	simm.s32 @p1 $0x1  }
0x15: {  	[smem:$0x3FB6] =	sst s0;
	s0 =	simm.s32 @!p2 $0x0  }
0x16: {  	s3 =	sld [smem:$0x3FDB];
	s0 =	simm.s32 @p2 $0x1  }
0x17: {  	s4 =	simm.s32 $0x1BF5;
	[smem:$0x3FB8] =	sst s0  }
0x18: {  	s0 =	sld [smem:$0x3F9B];
	_ =	swait.ge [sflag:s4], $0x0  }
0x19: {  	s7 =	sld [smem:$0x3F9C]  }
0x1a: {  	s8 =	sadd.s32 $0xFFFFE003, lr  }
0x1b: {  	s9 =	sadd.s32 $0xFFFFFEF7, lr;
	s5 =	simm.s32 $0xFFFFFFFF;
	p2 =	slt.u32 s8, $0xFFFFF086  }
0x1c: {  	p1 =	slt.u32 s9, $0xF7A;
	s5 =	simm.s32 @!p2 $0x0  }
0x1d: {  	s5 =	simm.s32 @p1 $0x1;
	p0 =	seq.s32 s7, s2  }
0x1e: {  	s7 =	smul.u32 @!p0 $0xF7A, s2;
	p2 =	seq.s32 @!p0 s5, $0x0  }
0x1f: {  	s9 =	smul.u32 $0xF7A, s1;
	s8 =	simm.s32 @!p0 $0x1BF5;
	p2 =	por !p2, p0  }
0x20: {  	[sflag:s8] =	ssyncset.s32 @!p0 $0xFFFFF086;
	s6 =	sadd.s32 @!p0 s3, s7;
	s7 =	simm.s32 @!p0 $0x108  }
0x21: {  	s3 =	sadd.s32 s3, s9;
	s6 =	sadd.s32 @!p0 $0x88, s6;
	s7 =	simm.s32 @p2 $0x1082  }
0x22: {  	[simem:s7], [sflag:s8] =	dma.local @!p0 [hbm:s6], $0xF7A  }
0x23: {  	s9 =	sor.u32 $0xD0000000, s2;
	s6 =	simm.s32 $0x108;
	_ =	swait.ge @!p0 [sflag:s8], $0x0  }
0x24: {  	s3 =	sadd.s32 $0x88, s3;
	s6 =	simm.s32 @!p1 $0x1082;
	[sflag:s4] =	ssyncset.s32 $0xFFFFF086  }
0x25: {  	[simem:s6], [sflag:s4] =	dma.local [hbm:s3], $0xF7A  }
0x26: {  	[smem:$0x3F9C] =	sst s1;
	(tag) =	ssettag s2;
	_ =	strace s9  }
0x27: {  	s1 =	sld [smem:$0x3FAC]  }
0x28: {  	s2 =	sld [smem:$0x3FAD]  }
0x29: {  	s4 =	sld [smem:$0x3FAF]  }
0x2a: {  	p0 =	seq.s32 s5, $0x0;
	s5 =	sld [smem:$0x3FB0]  }
0x2b: {  	s6 =	sld [smem:$0x3FB1]  }
0x2c: {  	s7 =	sld [smem:$0x3FB2]  }
0x2d: {  	s3 =	simm.s32 $0x108;
	s8 =	sld [smem:$0x3FB3]  }
0x2e: {  	s3 =	simm.s32 @!p0 $0x1082;
	s9 =	sld [smem:$0x3FB4]  }
0x2f: {  	lr =	sadd.s32 s0, s3;
	s0 =	sld [smem:$0x3FAB]  }
0x30: {  	s3 =	sld [smem:$0x3FAE]  }
0x31: {  	[smem:$0x3FB7] =	sst s10  }
0x32: {  	s10 =	sld [smem:$0x3FB5];
	_ =	sdelay $0x3  }
0x33: {  	p0 =	seq.s32 s10, $0x1;
	s10 =	sld [smem:$0x3FB7];
	_ =	sdelay $0x3  }
0x34: {  	[smem:$0x3FB7] =	sst s10  }
0x35: {  	s10 =	sld [smem:$0x3FB6];
	_ =	sdelay $0x3  }
0x36: {  	p1 =	seq.s32 s10, $0x1;
	s10 =	sld [smem:$0x3FB7];
	_ =	sdelay $0x3  }
0x37: {  	[smem:$0x3FB7] =	sst s10  }
0x38: {  	s10 =	sld [smem:$0x3FB8]  }
0x39: {  	_ = 	snop;
	(pc) =	sbr.ind lr, $3  }
0x3a: {  	_ = 	snop  }
0x3b: {  	_ = 	snop  }
0x3c: {  	p2 =	seq.s32 s10, $0x1;
	s10 =	sld [smem:$0x3FB7]  }
0x3d: {  	_ =	shalt  }
0x3e: {  	_ =	shalt  }
0x3f: {  	_ =	shalt  }
0x40: {  	_ =	shalt  }
0x41: {  	_ =	shalt  }
0x42: {  	_ =	shalt  }
0x43: {  	_ =	shalt  }
0x44: {  	_ =	shalt  }
0x45: {  	_ =	shalt  }
0x46: {  	_ =	shalt  }
0x47: {  	_ =	shalt  }
0x48: {  	_ =	shalt  }
0x49: {  	_ =	shalt  }
0x4a: {  	_ =	shalt  }
0x4b: {  	_ =	shalt  }
0x4c: {  	_ =	shalt  }
0x4d: {  	_ =	shalt  }
0x4e: {  	_ =	shalt  }
0x4f: {  	_ =	shalt  }
0x50: {  	_ =	shalt  }
0x51: {  	_ =	shalt  }
0x52: {  	_ =	shalt  }
0x53: {  	_ =	shalt  }
0x54: {  	_ =	shalt  }
0x55: {  	_ =	shalt  }
0x56: {  	_ =	shalt  }
0x57: {  	_ =	shalt  }
0x58: {  	_ =	shalt  }
0x59: {  	_ =	shalt  }
0x5a: {  	_ =	shalt  }
0x5b: {  	_ =	shalt  }
0x5c: {  	_ =	shalt  }
0x5d: {  	_ =	shalt  }
0x5e: {  	_ =	shalt  }
0x5f: {  	_ =	shalt  }
0x60: {  	_ =	shalt  }
0x61: {  	_ =	shalt  }
0x62: {  	_ =	shalt  }
0x63: {  	_ =	shalt  }
0x64: {  	_ =	shalt  }
0x65: {  	_ =	shalt  }
0x66: {  	_ =	shalt  }
0x67: {  	_ =	shalt  }
0x68: {  	_ =	shalt  }
0x69: {  	_ =	shalt  }
0x6a: {  	_ =	shalt  }
0x6b: {  	_ =	shalt  }
0x6c: {  	_ =	shalt  }
0x6d: {  	_ =	shalt  }
0x6e: {  	_ =	shalt  }
0x6f: {  	_ =	shalt  }
0x70: {  	_ =	shalt  }
0x71: {  	_ =	shalt  }
0x72: {  	_ =	shalt  }
0x73: {  	_ =	shalt  }
0x74: {  	_ =	shalt  }
0x75: {  	_ =	shalt  }
0x76: {  	_ =	shalt  }
0x77: {  	_ =	shalt  }
0x78: {  	_ =	shalt  }
0x79: {  	_ =	shalt  }
0x7a: {  	_ =	shalt  }
0x7b: {  	_ =	shalt  }
0x7c: {  	_ =	shalt  }
0x7d: {  	_ =	shalt  }
0x7e: {  	_ =	shalt  }
0x7f: {  	_ =	shalt  }
0x80: {  	_ =	shalt  }
0x81: {  	_ =	shalt  }
0x82: {  	_ =	shalt  }
0x83: {  	_ =	shalt  }
0x84: {  	_ =	shalt  }
0x85: {  	_ =	shalt  }
0x86: {  	_ =	shalt  }
0x87: {  	_ =	shalt  }
.Lfunc_end0:
.L_simem_size_0:
called_computation.1_lowered:
.L_overlay_start_0:
0x88: {  	s2 =	sld [smem:$0x3FD9]  }
0x89: {  	s3 =	sld [smem:$0x3FFE];
	_ =	sdelay $0x1  }
0x8a: {  	s1 =	srdreg.scid  }
0x8b: {  	s0 =	sand.u32 $0x1, s1  }
0x8c: {  	s14 =	sshll.u32 s0, $0xA;
	s2 =	sadd.s32 s3, s2  }
0x8d: {  	s2 =	sadd.s32 s2, s14  }
0x8e: {  	[smem:$0x3FC3] =	sst s2  }
0x8f: {  	_ = 	snop  }
0x90: {  	s2 =	sld [smem:$0x3FD0];
	_ =	sdelay $0x2  }
0x91: {  	s15 =	simm.s32 $0xA;
	s4 =	simm.s32 $0x10  }
0x92: {  	[smem:s4], [sflag:s15] =	dma.local [hbm:s2], $0x1  }
0x93: {  	_ =	swait.eq [sflag:s15], $0x1  }
0x94: {  	[sflag:s15] =	ssyncset.done $0x0  }
0x95: {  	[sflag:s15] =	ssyncadd.s32 $0xFFFFFFFF  }
0x96: {  	s16 =	sld [smem:$0x10];
	(tm) =	ssettm $0x1  }
0x97: {  	s17 =	sld [smem:$0x3FFB];
	_ =	sdelay $0x3  }
0x98: {  	_ =	strace s17  }
0x99: {  	s3 =	sld [smem:$0x3FFC];
	_ =	sdelay $0x3  }
0x9a: {  	_ =	strace s3  }
0x9b: {  	s3 =	sld [smem:$0x3FFD];
	_ =	sdelay $0x3  }
0x9c: {  	_ =	strace s3  }
0x9d: {  	_ =	strace $0x8FFFFFFF  }
0x9e: {  	s18 =	sld [smem:$0x3FDB];
	_ =	sdelay $0x1  }
0x9f: {  	s19 =	simm.s32 $_scs_section_size  }
0xa0: {  	s5 =	simm.s32 $_size__tile_overlayer_lowered;
	s6 =	simm.s32 $_tile_overlayer_lowered  }
0xa1: {  	s22 =	simm.s32 $0x1BFF;
	s21 =	sshll.u32 s6, $0x1;
	s3 =	sadd.s32 s19, s18  }
0xa2: {  	s7 =	simm.s32 $0x0;
	s20 =	sshll.u32 s5, $0x1;
	s5 =	sadd.s32 s21, s3  }
0xa3: {  	[timem:s7], [sflag:s22] =	dma.local [hbm:s5], s20  }
0xa4: {  	_ =	swait.ge [sflag:s22], s20  }
0xa5: {  	s4 =	ssub.s32 $0x0, s20;
	[sflag:s22] =	ssyncset.done $0x0  }
0xa6: {  	[sflag:s22] =	ssyncadd.s32 s4;
	_ =	sdelay $0x1  }
0xa7: {  	s23 =	simm.s32 $0x1B8B  }
0xa8: {  	_ =	swait.ge [sflag:s23], $0x1  }
0xa9: {  	[sflag:s23] =	ssyncset.done $0x0  }
0xaa: {  	s25 =	simm.s32 $0x1B8E;
	s24 =	sld [smem:$0x3FFE];
	[sflag:s23] =	ssyncadd.s32 $0xFFFFFFFF  }
0xab: {  	s26 =	simm.s32 $execute0_lowered;
	[smem:$0x3FD2] =	sst s25  }
0xac: {  	s5 =	sshll.u32 s26, $0x1;
	_ =	strace $0x80000049;
	[dreg:$0x1] =	wrdreg $0xFFFFFFFF  }
0xad: {  	s28 =	simm.s32 $_size_execute0_lowered;
	s3 =	sadd.s32 s3, s5;
	[dreg:$0x0] =	wrdreg $0x0  }
0xae: {  	s5 =	sshll.u32 s28, $0x1;
	[dreg:$0x2] =	wrdreg s3  }
0xaf: {  	[dreg:$0x3] =	wrdreg s5  }
0xb0: {  	[dreg:$0x4] =	wrdreg $0xC0  }
0xb1: {  	_ =	task [dreg:s7], $0x5FFFF  }
0xb2: {  	[dreg:$0x1] =	wrdreg $0xFFFFFFFF  }
0xb3: {  	[dreg:$0x0] =	wrdreg $0x60  }
0xb4: {  	[dreg:$0x2] =	wrdreg s24  }
0xb5: {  	[dreg:$0x3] =	wrdreg s16  }
0xb6: {  	[dreg:$0x4] =	wrdreg $0x9  }
0xb7: {  	_ =	task.clear_ibuf [dreg:s7], $0x5FFFF;
	_ =	strace $0x90000049  }
0xb8: {  	s29 =	simm.s32 $0x9;
	_ =	strace $0x8000004B  }
0xb9: {  	_ =	swait.ge [sflag:s29], $0x1  }
0xba: {  	[sflag:s29] =	ssyncadd.s32 $0xFFFFFFFF  }
0xbb: {  	_ =	strace $0x9000004B  }
0xbc: {  	_ =	sfence  }
0xbd: {  	s30 =	sld [smem:$0x0];
	_ =	sdelay $0x2  }
0xbe: {  	s31 =	sshll.u32 s1, $0xD;
	s1 =	sshrl.u32 s1, $0x2  }
0xbf: {  	s3 =	sand.u32 $0x4000, s31;
	s1 =	sadd.s32 s1, s30  }
0xc0: {  	s0 =	sor.u32 s3, s0;
	s1 =	sshll.u32 s1, $0x11  }
0xc1: {  	s0 =	sor.u32 s1, s0  }
0xc2: {  	s0 =	sadd.s32 $0x8F2B, s0  }
0xc3: {  	[sflag:s0] =	ssyncadd.remote.s32 $0x1  }
0xc4: {  	_ =	sfence.sel $0xFFFF  }
0xc5: {  	[dreg:$0x0] =	wrdreg $0xFFFFFFFF;
	(pc) =	sbr.abs _section_cstart, $3  }
0xc6: {  	[dreg:$0x1] =	wrdreg $0xFFFFFFFF  }
0xc7: {  	_ =	task.clear_ibuf [dreg:s7], $0x2FFFF;
	_ =	strace $0x9FFFFFFF  }
0xc8: {  	(tm) =	ssettm $0x7FFFFFFF  }
0xc9: {  	_ =	shalt  }
tec
execute0_lowered:
.L_overlay_start_1:
0x0: {  	(tag) =	ssettag $0x1  }
0x1: {  	s0 =	rddreg [dreg:$0x0]  }
0x2: {  	s2 =	rddreg [dreg:$0x1]  }
0x3: {  	s1 =	simm.s32 $0x0;
	s4 =	srdreg.scid;
	s8 =	stileid.u32  }
0x4: {  	s12 =	simm.s32 $0x3;
	s14 =	simm.s32 $0x200;
	s15 =	simm.s32 $0x13A00  }
0x5: {  	s16 =	simm.s32 $0x14200;
	s17 =	simm.s32 $0x14A00;
	s18 =	simm.s32 $0x15200  }
0x6: {  	s19 =	simm.s32 $0x15A00;
	s20 =	simm.s32 $0x16200;
	s21 =	simm.s32 $0x16A00  }
0x7: {  	s22 =	simm.s32 $0x17200;
	s23 =	simm.s32 $0x17A00;
	s24 =	simm.s32 $0x1  }
0x8: {  	s25 =	simm.s32 $0x2;
	s26 =	simm.s32 $0x0;
	[smem:$0x7FF] =	sst s1  }
0x9: {  	s3 =	sadd.s32 $0xC1E00, s0;
	s4 =	sand.u32 $0x1, s4;
	s5 =	sadd.s32 $0x1A00, s0  }
0xa: {  	s8 =	sshll.u32 s8, $0x3;
	s9 =	sadd.s32 $0xC1C00, s0;
	s6 =	ssub.s32 $0x2, s4  }
0xb: {  	_ =	strace $0x8000004A;
	s4 =	sshll.u32 s4, $0x7;
	s7 =	sshrl.u32 s6, $0x1  }
0xc: {  	s30 =	sor.u32 s8, s4;
	s8 =	sadd.s32 $0xC1F00, s0;
	s11 =	ssub.s32 s6, s7  }
0xd: {  	v2 =	vlaneseq.u32;
	s4 =	sadd.s32 s5, s30;
	s31 =	sor.u32 $0x100, s30;
	s10 =	smul.u32 $0x300, s30  }
0xe: {  	vm0 =	vmmov $0xffff;
	v1 =	vshrl.u32 v2, $0x3;
	s6 =	sadd.s32 s9, s30;
	s5 =	sadd.s32 s5, s31;
	s7 =	sadd.s32 s9, s31  }
0xf: {  	v0 =	vand.u32 $0x7, v2;
	v2 =	vor.u32 $0x8, v2;
	v1 =	vmul.u32 $0x8, v1;
	s9 =	sadd.s32 $0xC2000, s0;
	s11 =	smax.u32 s11, $0x1;
	s10 =	sadd.s32 s2, s10  }
.LBB2_1:
0x10: {  	[tilespmem:s1], [sflag:$0x3] =	stream.linear.gather [hbm4b:s4+s1], $0x40, $0x38;
	[tilespmem:$0x18200] =	vst v63  }
0x11: {  	_ =	swait.ge [sflag:s12], $0x40  }
0x12: {  	[sflag:s12] =	ssyncset.done $0x0  }
0x13: {  	s0 =	simm.s32 $0x80;
	[sflag:s12] =	ssyncadd.s32 $0xFFFFFFC0  }
0x14: {  	[tilespmem:s0], [sflag:$0x3] =	stream.linear.gather [hbm4b:s5+s1], $0x40, $0x38;
	[tilespmem:$0x18200] =	vst v63  }
0x15: {  	_ =	swait.ge [sflag:s12], $0x40  }
0x16: {  	[sflag:s12] =	ssyncset.done $0x0  }
0x17: {  	s28 =	simm.s32 $0x100;
	[sflag:s12] =	ssyncadd.s32 $0xFFFFFFC0  }
0x18: {  	[tilespmem:s28], [sflag:$0x3] =	stream.linear.gather [hbm4b:s6+s1], $0x40, $0x38;
	[tilespmem:$0x18200] =	vst v63  }
0x19: {  	_ =	swait.ge [sflag:s12], $0x40  }
0x1a: {  	[sflag:s12] =	ssyncset.done $0x0  }
0x1b: {  	s29 =	simm.s32 $0x180;
	[sflag:s12] =	ssyncadd.s32 $0xFFFFFFC0  }
0x1c: {  	[tilespmem:s29], [sflag:$0x3] =	stream.linear.gather [hbm4b:s7+s1], $0x40, $0x38;
	[tilespmem:$0x18200] =	vst v63  }
0x1d: {  	_ =	swait.ge [sflag:s12], $0x40  }
0x1e: {  	[sflag:s12] =	ssyncset.done $0x0  }
0x1f: {  	[sflag:s12] =	ssyncadd.s32 $0xFFFFFFC0  }
0x20: {  	v3 =	vld [tilespmem:$0x0];
	_ =	sdelay $0x4  }
0x21: {  	v4 =	vshrl.u32 v3, $0x3  }
0x22: {  	v4 =	vmul.u32 $0x30, v4  }
0x23: {  	v3 =	vand.u32 $0x7, v3  }
0x24: {  	v3 =	vor.u32 v3, v4  }
0x25: {  	v4 =	vperm.xlane v3, v0;
	_ =	sdelay $0x1  }
0x26: {  	v4 =	vadd.s32 v1, v4;
	_ =	sdelay $0x3  }
0x27: {  	v3 =	vperm.xlane v3, v2  }
0x28: {  	[tilespmem:s14], [sflag:$0x1] =	stream.indirect_vreg.gather [hbm4b:s3+s1], $0x80, v4, vm0, $0xb8;
	[tilespmem:$0x18200] =	vst v63  }
0x29: {  	s13 =	simm.s32 $0xA00;
	v3 =	vadd.s32 v1, v3  }
0x2a: {  	[tilespmem:s13], [sflag:$0x1] =	stream.indirect_vreg.gather [hbm4b:s8+s1], $0x80, v4, vm0, $0xb8;
	[tilespmem:$0x18200] =	vst v63  }
0x2b: {  	s2 =	simm.s32 $0x1200  }
0x2c: {  	[tilespmem:s2], [sflag:$0x1] =	stream.indirect_vreg.gather [hbm4b:s9+s1], $0x80, v4, vm0, $0xb8;
	[tilespmem:$0x18200] =	vst v63  }
0x2d: {  	s13 =	simm.s32 $0x1A00  }
0x2e: {  	[tilespmem:s13], [sflag:$0x1] =	stream.indirect_vreg.gather [hbm4b:s3+s1], $0x80, v3, vm0, $0xb8;
	[tilespmem:$0x18200] =	vst v63  }
0x2f: {  	s2 =	simm.s32 $0x2200  }
0x30: {  	[tilespmem:s2], [sflag:$0x1] =	stream.indirect_vreg.gather [hbm4b:s8+s1], $0x80, v3, vm0, $0xb8;
	[tilespmem:$0x18200] =	vst v63  }
0x31: {  	s13 =	simm.s32 $0x2A00  }
0x32: {  	[tilespmem:s13], [sflag:$0x1] =	stream.indirect_vreg.gather [hbm4b:s9+s1], $0x80, v3, vm0, $0xb8;
	[tilespmem:$0x18200] =	vst v63  }
0x33: {  	v3 =	vld [tilespmem:$0x10];
	_ =	sdelay $0x4  }
0x34: {  	v4 =	vshrl.u32 v3, $0x3  }
0x35: {  	v4 =	vmul.u32 $0x30, v4  }
0x36: {  	v3 =	vand.u32 $0x7, v3  }
0x37: {  	v3 =	vor.u32 v3, v4  }
0x38: {  	v4 =	vperm.xlane v3, v0;
	_ =	sdelay $0x1  }
0x39: {  	v4 =	vadd.s32 v1, v4;
	_ =	sdelay $0x3  }
0x3a: {  	s2 =	simm.s32 $0x3200;
	v3 =	vperm.xlane v3, v2  }
0x3b: {  	[tilespmem:s2], [sflag:$0x1] =	stream.indirect_vreg.gather [hbm4b:s3+s1], $0x80, v4, vm0, $0xb8;
	[tilespmem:$0x18200] =	vst v63  }
0x3c: {  	s13 =	simm.s32 $0x3A00;
	v3 =	vadd.s32 v1, v3  }
0x3d: {  	[tilespmem:s13], [sflag:$0x1] =	stream.indirect_vreg.gather [hbm4b:s8+s1], $0x80, v4, vm0, $0xb8;
	[tilespmem:$0x18200] =	vst v63  }
0x3e: {  	s2 =	simm.s32 $0x4200  }
0x3f: {  	[tilespmem:s2], [sflag:$0x1] =	stream.indirect_vreg.gather [hbm4b:s9+s1], $0x80, v4, vm0, $0xb8;
	[tilespmem:$0x18200] =	vst v63  }
0x40: {  	s13 =	simm.s32 $0x4A00  }
0x41: {  	[tilespmem:s13], [sflag:$0x1] =	stream.indirect_vreg.gather [hbm4b:s3+s1], $0x80, v3, vm0, $0xb8;
	[tilespmem:$0x18200] =	vst v63  }
0x42: {  	s2 =	simm.s32 $0x5200  }
0x43: {  	[tilespmem:s2], [sflag:$0x1] =	stream.indirect_vreg.gather [hbm4b:s8+s1], $0x80, v3, vm0, $0xb8;
	[tilespmem:$0x18200] =	vst v63  }
0x44: {  	s13 =	simm.s32 $0x5A00  }
0x45: {  	[tilespmem:s13], [sflag:$0x1] =	stream.indirect_vreg.gather [hbm4b:s9+s1], $0x80, v3, vm0, $0xb8;
	[tilespmem:$0x18200] =	vst v63  }
0x46: {  	v3 =	vld [tilespmem:$0x20];
	_ =	sdelay $0x4  }
0x47: {  	v4 =	vshrl.u32 v3, $0x3  }
0x48: {  	v4 =	vmul.u32 $0x30, v4  }
0x49: {  	v3 =	vand.u32 $0x7, v3  }
0x4a: {  	v3 =	vor.u32 v3, v4  }
0x4b: {  	v4 =	vperm.xlane v3, v0;
	_ =	sdelay $0x1  }
0x4c: {  	v4 =	vadd.s32 v1, v4;
	_ =	sdelay $0x3  }
0x4d: {  	s2 =	simm.s32 $0x6200;
	v3 =	vperm.xlane v3, v2  }
0x4e: {  	[tilespmem:s2], [sflag:$0x1] =	stream.indirect_vreg.gather [hbm4b:s3+s1], $0x80, v4, vm0, $0xb8;
	[tilespmem:$0x18200] =	vst v63  }
0x4f: {  	s13 =	simm.s32 $0x6A00;
	v3 =	vadd.s32 v1, v3  }
0x50: {  	[tilespmem:s13], [sflag:$0x1] =	stream.indirect_vreg.gather [hbm4b:s8+s1], $0x80, v4, vm0, $0xb8;
	[tilespmem:$0x18200] =	vst v63  }
0x51: {  	s2 =	simm.s32 $0x7200  }
0x52: {  	[tilespmem:s2], [sflag:$0x1] =	stream.indirect_vreg.gather [hbm4b:s9+s1], $0x80, v4, vm0, $0xb8;
	[tilespmem:$0x18200] =	vst v63  }
0x53: {  	s13 =	simm.s32 $0x7A00  }
0x54: {  	[tilespmem:s13], [sflag:$0x1] =	stream.indirect_vreg.gather [hbm4b:s3+s1], $0x80, v3, vm0, $0xb8;
	[tilespmem:$0x18200] =	vst v63  }
0x55: {  	s2 =	simm.s32 $0x8200  }
0x56: {  	[tilespmem:s2], [sflag:$0x1] =	stream.indirect_vreg.gather [hbm4b:s8+s1], $0x80, v3, vm0, $0xb8;
	[tilespmem:$0x18200] =	vst v63  }
0x57: {  	s13 =	simm.s32 $0x8A00  }
0x58: {  	[tilespmem:s13], [sflag:$0x1] =	stream.indirect_vreg.gather [hbm4b:s9+s1], $0x80, v3, vm0, $0xb8;
	[tilespmem:$0x18200] =	vst v63  }
0x59: {  	v3 =	vld [tilespmem:$0x30];
	_ =	sdelay $0x4  }
0x5a: {  	v4 =	vshrl.u32 v3, $0x3  }
0x5b: {  	v4 =	vmul.u32 $0x30, v4  }
0x5c: {  	v3 =	vand.u32 $0x7, v3  }
0x5d: {  	v3 =	vor.u32 v3, v4  }
0x5e: {  	v4 =	vperm.xlane v3, v0;
	_ =	sdelay $0x1  }
0x5f: {  	v4 =	vadd.s32 v1, v4;
	_ =	sdelay $0x3  }
0x60: {  	s2 =	simm.s32 $0x9200;
	v3 =	vperm.xlane v3, v2  }
0x61: {  	[tilespmem:s2], [sflag:$0x1] =	stream.indirect_vreg.gather [hbm4b:s3+s1], $0x80, v4, vm0, $0xb8;
	[tilespmem:$0x18200] =	vst v63  }
0x62: {  	s13 =	simm.s32 $0x9A00;
	v3 =	vadd.s32 v1, v3  }
0x63: {  	[tilespmem:s13], [sflag:$0x1] =	stream.indirect_vreg.gather [hbm4b:s8+s1], $0x80, v4, vm0, $0xb8;
	[tilespmem:$0x18200] =	vst v63  }
0x64: {  	s2 =	simm.s32 $0xA200  }
0x65: {  	[tilespmem:s2], [sflag:$0x1] =	stream.indirect_vreg.gather [hbm4b:s9+s1], $0x80, v4, vm0, $0xb8;
	[tilespmem:$0x18200] =	vst v63  }
0x66: {  	s13 =	simm.s32 $0xAA00  }
0x67: {  	[tilespmem:s13], [sflag:$0x1] =	stream.indirect_vreg.gather [hbm4b:s3+s1], $0x80, v3, vm0, $0xb8;
	[tilespmem:$0x18200] =	vst v63  }
0x68: {  	s2 =	simm.s32 $0xB200  }
0x69: {  	[tilespmem:s2], [sflag:$0x1] =	stream.indirect_vreg.gather [hbm4b:s8+s1], $0x80, v3, vm0, $0xb8;
	[tilespmem:$0x18200] =	vst v63  }
0x6a: {  	s13 =	simm.s32 $0xBA00  }
0x6b: {  	[tilespmem:s13], [sflag:$0x1] =	stream.indirect_vreg.gather [hbm4b:s9+s1], $0x80, v3, vm0, $0xb8;
	[tilespmem:$0x18200] =	vst v63  }
0x6c: {  	v3 =	vld [tilespmem:$0x80];
	_ =	sdelay $0x4  }
0x6d: {  	v4 =	vshrl.u32 v3, $0x3  }
0x6e: {  	v4 =	vmul.u32 $0x30, v4  }
0x6f: {  	v3 =	vand.u32 $0x7, v3  }
0x70: {  	v3 =	vor.u32 v3, v4  }
0x71: {  	v4 =	vperm.xlane v3, v0;
	_ =	sdelay $0x1  }
0x72: {  	v4 =	vadd.s32 v1, v4;
	_ =	sdelay $0x3  }
0x73: {  	s2 =	simm.s32 $0xC200;
	v3 =	vperm.xlane v3, v2  }
0x74: {  	[tilespmem:s2], [sflag:$0x2] =	stream.indirect_vreg.gather [hbm4b:s3+s1], $0x80, v4, vm0, $0xb8;
	[tilespmem:$0x18200] =	vst v63  }
0x75: {  	s13 =	simm.s32 $0xCA00;
	v3 =	vadd.s32 v1, v3  }
0x76: {  	[tilespmem:s13], [sflag:$0x2] =	stream.indirect_vreg.gather [hbm4b:s8+s1], $0x80, v4, vm0, $0xb8;
	[tilespmem:$0x18200] =	vst v63  }
0x77: {  	s2 =	simm.s32 $0xD200  }
0x78: {  	[tilespmem:s2], [sflag:$0x2] =	stream.indirect_vreg.gather [hbm4b:s9+s1], $0x80, v4, vm0, $0xb8;
	[tilespmem:$0x18200] =	vst v63  }
0x79: {  	s13 =	simm.s32 $0xDA00  }
0x7a: {  	[tilespmem:s13], [sflag:$0x2] =	stream.indirect_vreg.gather [hbm4b:s3+s1], $0x80, v3, vm0, $0xb8;
	[tilespmem:$0x18200] =	vst v63  }
0x7b: {  	s2 =	simm.s32 $0xE200  }
0x7c: {  	[tilespmem:s2], [sflag:$0x2] =	stream.indirect_vreg.gather [hbm4b:s8+s1], $0x80, v3, vm0, $0xb8;
	[tilespmem:$0x18200] =	vst v63  }
0x7d: {  	s13 =	simm.s32 $0xEA00  }
0x7e: {  	[tilespmem:s13], [sflag:$0x2] =	stream.indirect_vreg.gather [hbm4b:s9+s1], $0x80, v3, vm0, $0xb8;
	[tilespmem:$0x18200] =	vst v63  }
0x7f: {  	v3 =	vld [tilespmem:$0x90];
	_ =	sdelay $0x4  }
0x80: {  	v4 =	vshrl.u32 v3, $0x3  }
0x81: {  	v4 =	vmul.u32 $0x30, v4  }
0x82: {  	v3 =	vand.u32 $0x7, v3  }
0x83: {  	v3 =	vor.u32 v3, v4  }
0x84: {  	v4 =	vperm.xlane v3, v0;
	_ =	sdelay $0x1  }
0x85: {  	v4 =	vadd.s32 v1, v4;
	_ =	sdelay $0x3  }
0x86: {  	s2 =	simm.s32 $0xF200;
	v3 =	vperm.xlane v3, v2  }
0x87: {  	[tilespmem:s2], [sflag:$0x2] =	stream.indirect_vreg.gather [hbm4b:s3+s1], $0x80, v4, vm0, $0xb8;
	[tilespmem:$0x18200] =	vst v63  }
0x88: {  	s13 =	simm.s32 $0xFA00;
	v3 =	vadd.s32 v1, v3  }
0x89: {  	[tilespmem:s13], [sflag:$0x2] =	stream.indirect_vreg.gather [hbm4b:s8+s1], $0x80, v4, vm0, $0xb8;
	[tilespmem:$0x18200] =	vst v63  }
0x8a: {  	s2 =	simm.s32 $0x10200  }
0x8b: {  	[tilespmem:s2], [sflag:$0x2] =	stream.indirect_vreg.gather [hbm4b:s9+s1], $0x80, v4, vm0, $0xb8;
	[tilespmem:$0x18200] =	vst v63  }
0x8c: {  	s13 =	simm.s32 $0x10A00  }
0x8d: {  	[tilespmem:s13], [sflag:$0x2] =	stream.indirect_vreg.gather [hbm4b:s3+s1], $0x80, v3, vm0, $0xb8;
	[tilespmem:$0x18200] =	vst v63  }
0x8e: {  	s2 =	simm.s32 $0x11200  }
0x8f: {  	[tilespmem:s2], [sflag:$0x2] =	stream.indirect_vreg.gather [hbm4b:s8+s1], $0x80, v3, vm0, $0xb8;
	[tilespmem:$0x18200] =	vst v63  }
0x90: {  	s13 =	simm.s32 $0x11A00  }
0x91: {  	[tilespmem:s13], [sflag:$0x2] =	stream.indirect_vreg.gather [hbm4b:s9+s1], $0x80, v3, vm0, $0xb8;
	[tilespmem:$0x18200] =	vst v63  }
0x92: {  	v3 =	vld [tilespmem:$0xA0];
	_ =	sdelay $0x4  }
0x93: {  	v4 =	vshrl.u32 v3, $0x3  }
0x94: {  	v4 =	vmul.u32 $0x30, v4  }
0x95: {  	v3 =	vand.u32 $0x7, v3  }
0x96: {  	v3 =	vor.u32 v3, v4  }
0x97: {  	v4 =	vperm.xlane v3, v0;
	_ =	sdelay $0x1  }
0x98: {  	v4 =	vadd.s32 v1, v4;
	_ =	sdelay $0x3  }
0x99: {  	s2 =	simm.s32 $0x12200;
	v3 =	vperm.xlane v3, v2  }
0x9a: {  	[tilespmem:s2], [sflag:$0x2] =	stream.indirect_vreg.gather [hbm4b:s3+s1], $0x80, v4, vm0, $0xb8;
	[tilespmem:$0x18200] =	vst v63  }
0x9b: {  	s13 =	simm.s32 $0x12A00;
	v3 =	vadd.s32 v1, v3  }
0x9c: {  	[tilespmem:s13], [sflag:$0x2] =	stream.indirect_vreg.gather [hbm4b:s8+s1], $0x80, v4, vm0, $0xb8;
	[tilespmem:$0x18200] =	vst v63  }
0x9d: {  	s2 =	simm.s32 $0x13200  }
0x9e: {  	[tilespmem:s2], [sflag:$0x2] =	stream.indirect_vreg.gather [hbm4b:s9+s1], $0x80, v4, vm0, $0xb8;
	[tilespmem:$0x18200] =	vst v63  }
0x9f: {  	_ = 	snop  }
0xa0: {  	[tilespmem:s15], [sflag:$0x2] =	stream.indirect_vreg.gather [hbm4b:s3+s1], $0x80, v3, vm0, $0xb8;
	[tilespmem:$0x18200] =	vst v63  }
0xa1: {  	_ = 	snop  }
0xa2: {  	[tilespmem:s16], [sflag:$0x2] =	stream.indirect_vreg.gather [hbm4b:s8+s1], $0x80, v3, vm0, $0xb8;
	[tilespmem:$0x18200] =	vst v63  }
0xa3: {  	_ = 	snop  }
0xa4: {  	[tilespmem:s17], [sflag:$0x2] =	stream.indirect_vreg.gather [hbm4b:s9+s1], $0x80, v3, vm0, $0xb8;
	[tilespmem:$0x18200] =	vst v63  }
0xa5: {  	v3 =	vld [tilespmem:$0xB0];
	_ =	sdelay $0x4  }
0xa6: {  	v4 =	vshrl.u32 v3, $0x3  }
0xa7: {  	v4 =	vmul.u32 $0x30, v4  }
0xa8: {  	v3 =	vand.u32 $0x7, v3  }
0xa9: {  	v3 =	vor.u32 v3, v4  }
0xaa: {  	v4 =	vperm.xlane v3, v0;
	_ =	sdelay $0x1  }
0xab: {  	v4 =	vadd.s32 v1, v4;
	_ =	sdelay $0x3  }
0xac: {  	v3 =	vperm.xlane v3, v2  }
0xad: {  	[tilespmem:s18], [sflag:$0x2] =	stream.indirect_vreg.gather [hbm4b:s3+s1], $0x80, v4, vm0, $0xb8;
	[tilespmem:$0x18200] =	vst v63  }
0xae: {  	v3 =	vadd.s32 v1, v3  }
0xaf: {  	[tilespmem:s19], [sflag:$0x2] =	stream.indirect_vreg.gather [hbm4b:s8+s1], $0x80, v4, vm0, $0xb8;
	[tilespmem:$0x18200] =	vst v63  }
0xb0: {  	_ = 	snop  }
0xb1: {  	[tilespmem:s20], [sflag:$0x2] =	stream.indirect_vreg.gather [hbm4b:s9+s1], $0x80, v4, vm0, $0xb8;
	[tilespmem:$0x18200] =	vst v63  }
0xb2: {  	_ = 	snop  }
0xb3: {  	[tilespmem:s21], [sflag:$0x2] =	stream.indirect_vreg.gather [hbm4b:s3+s1], $0x80, v3, vm0, $0xb8;
	[tilespmem:$0x18200] =	vst v63  }
0xb4: {  	_ = 	snop  }
0xb5: {  	[tilespmem:s22], [sflag:$0x2] =	stream.indirect_vreg.gather [hbm4b:s8+s1], $0x80, v3, vm0, $0xb8;
	[tilespmem:$0x18200] =	vst v63  }
0xb6: {  	_ = 	snop  }
0xb7: {  	[tilespmem:s23], [sflag:$0x2] =	stream.indirect_vreg.gather [hbm4b:s9+s1], $0x80, v3, vm0, $0xb8;
	[tilespmem:$0x18200] =	vst v63  }
0xb8: {  	_ =	swait.ge [sflag:s24], $0xC000  }
0xb9: {  	[sflag:s24] =	ssyncset.done $0x0  }
0xba: {  	s13 =	simm.s32 $0x0;
	[sflag:s24] =	ssyncadd.s32 $0xFFFF4000  }
0xbb: {  	s0 =	smul.u32 $0x1800, s13;
	_ =	swait.ge [sflag:s25], $0xC000  }
0xbc: {  	s30 =	sand.u32 $0x380, s1;
	[sflag:s25] =	ssyncset.done $0x0  }
0xbd: {  	s0 =	sor.u32 s30, s0;
	[sflag:s25] =	ssyncadd.s32 $0xFFFF4000  }
0xbe: {  	v4 =	vld [tilespmem:s0+$0x210]  }
0xbf: {  	v3 =	vld [tilespmem:s0+$0xC210]  }
0xc0: {  	v6 =	vld [tilespmem:s0+$0x220]  }
0xc1: {  	v5 =	vld [tilespmem:s0+$0xC220]  }
0xc2: {  	v10 =	vld [tilespmem:s0+$0x230]  }
0xc3: {  	v9 =	vld [tilespmem:s0+$0xC230]  }
0xc4: {  	v12 =	vld [tilespmem:s0+$0x240]  }
0xc5: {  	v11 =	vld [tilespmem:s0+$0xC240]  }
0xc6: {  	v13 =	vld [tilespmem:s0+$0x260]  }
0xc7: {  	v14 =	vld [tilespmem:s0+$0x270]  }
0xc8: {  	v15 =	vld [tilespmem:s0+$0x600]  }
0xc9: {  	v16 =	vld [tilespmem:s0+$0x610]  }
0xca: {  	v17 =	vld [tilespmem:s0+$0x620]  }
0xcb: {  	v18 =	vld [tilespmem:s0+$0x630]  }
0xcc: {  	v19 =	vld [tilespmem:s0+$0x640]  }
0xcd: {  	v20 =	vld [tilespmem:s0+$0x650]  }
0xce: {  	v21 =	vld [tilespmem:s0+$0x660]  }
0xcf: {  	v22 =	vld [tilespmem:s0+$0x670]  }
0xd0: {  	v23 =	vld [tilespmem:s0+$0xA00]  }
0xd1: {  	v24 =	vld [tilespmem:s0+$0xA10]  }
0xd2: {  	v25 =	vld [tilespmem:s0+$0xA20]  }
0xd3: {  	v26 =	vld [tilespmem:s0+$0xA30]  }
0xd4: {  	v27 =	vld [tilespmem:s0+$0xA40]  }
0xd5: {  	v28 =	vld [tilespmem:s0+$0xA50]  }
0xd6: {  	v29 =	vld [tilespmem:s0+$0xA60]  }
0xd7: {  	v30 =	vld [tilespmem:s0+$0xA70]  }
0xd8: {  	v31 =	vld [tilespmem:s0+$0xE00]  }
0xd9: {  	v32 =	vld [tilespmem:s0+$0xE10]  }
0xda: {  	v33 =	vld [tilespmem:s0+$0xE20]  }
0xdb: {  	v34 =	vld [tilespmem:s0+$0xE30]  }
0xdc: {  	v35 =	vld [tilespmem:s0+$0xE40]  }
0xdd: {  	v36 =	vld [tilespmem:s0+$0xE50]  }
0xde: {  	v37 =	vld [tilespmem:s0+$0xE60]  }
0xdf: {  	v38 =	vld [tilespmem:s0+$0xE70]  }
0xe0: {  	v39 =	vld [tilespmem:s0+$0x1200]  }
0xe1: {  	v40 =	vld [tilespmem:s0+$0x1210]  }
0xe2: {  	v41 =	vld [tilespmem:s0+$0x1220]  }
0xe3: {  	v42 =	vld [tilespmem:s0+$0x1230]  }
0xe4: {  	v43 =	vld [tilespmem:s0+$0x1240]  }
0xe5: {  	v45 =	vld [tilespmem:s0+$0x1260]  }
0xe6: {  	v46 =	vld [tilespmem:s0+$0x1600]  }
0xe7: {  	v47 =	vld [tilespmem:s0+$0x1610]  }
0xe8: {  	v48 =	vld [tilespmem:s0+$0xD610]  }
0xe9: {  	v49 =	vld [tilespmem:s0+$0xD630]  }
0xea: {  	v50 =	vld [tilespmem:s0+$0x1620]  }
0xeb: {  	v7 =	vld.msk [tilespmem:s28+$0x0 ss:$0x0], $0xffff  }
0xec: {  	v8 =	vld.msk [tilespmem:s29+$0x0 ss:$0x0], $0xffff  }
0xed: {  	v51 =	vld [tilespmem:s0+$0x1630]  }
0xee: {  	v52 =	vld [tilespmem:s0+$0xD620]  }
0xef: {  	v53 =	vld [tilespmem:s0+$0xD600]  }
0xf0: {  	v54 =	vld [tilespmem:s0+$0x1270]  }
0xf1: {  	v55 =	vld [tilespmem:s0+$0xD270]  }
0xf2: {  	v57 =	vld [tilespmem:s0+$0xD250];
	v51 =	vmul.f32 v51, v7  }
0xf3: {  	v56 =	vld [tilespmem:s0+$0xD260];
	v49 =	vmul.f32 v49, v8;
	v50 =	vmul.f32 v50, v7  }
0xf4: {  	v44 =	vld [tilespmem:s0+$0x1250];
	v52 =	vmul.f32 v52, v8;
	v47 =	vmul.f32 v47, v7  }
0xf5: {  	v58 =	vld [tilespmem:s0+$0xD240];
	v48 =	vmul.f32 v48, v8;
	v46 =	vmul.f32 v46, v7  }
0xf6: {  	v63 =	vmul.f32 v53, v8;
	v53 =	vld [tilespmem:s0+$0xD230];
	v59 =	vmul.f32 v54, v7;
	v49 =	vadd.f32 v49, v51  }
0xf7: {  	v60 =	vmul.f32 v55, v8;
	v62 =	vmul.f32 v57, v8;
	v57 =	vld [tilespmem:s0+$0xCE60];
	v50 =	vadd.f32 v52, v50  }
0xf8: {  	v45 =	vmul.f32 v45, v7;
	v61 =	vmul.f32 v56, v8;
	v55 =	vld [tilespmem:s0+$0xCA70];
	v47 =	vadd.f32 v48, v47;
	[tilespmem:s0+$0x1630] =	vst v49  }
0xf9: {  	v44 =	vmul.f32 v44, v7;
	v43 =	vmul.f32 v43, v7;
	v56 =	vld [tilespmem:s0+$0xCA60];
	v46 =	vadd.f32 v63, v46;
	[tilespmem:s0+$0x1620] =	vst v50  }
0xfa: {  	v42 =	vmul.f32 v42, v7;
	v41 =	vmul.f32 v41, v7;
	v48 =	vld [tilespmem:s0+$0xD220];
	v52 =	vadd.f32 v60, v59;
	[tilespmem:s0+$0x1610] =	vst v47  }
0xfb: {  	v12 =	vmul.f32 v12, v7;
	v11 =	vmul.f32 v11, v8;
	v45 =	vadd.f32 v61, v45;
	v59 =	vld [tilespmem:s0+$0xCE50];
	[tilespmem:s0+$0x1600] =	vst v46  }
0xfc: {  	v40 =	vmul.f32 v40, v7;
	v63 =	vmul.f32 v58, v8;
	v44 =	vadd.f32 v62, v44;
	v60 =	vld [tilespmem:s0+$0xCE40];
	[tilespmem:s0+$0x1270] =	vst v52  }
0xfd: {  	v39 =	vmul.f32 v39, v7;
	v61 =	vld [tilespmem:s0+$0xCE30];
	v11 =	vadd.f32 v11, v12;
	[tilespmem:s0+$0x1260] =	vst v45;
	v58 =	vmul.f32 v53, v8  }
0xfe: {  	v37 =	vmul.f32 v37, v7;
	v62 =	vld [tilespmem:s0+$0xCE20];
	v43 =	vadd.f32 v63, v43;
	[tilespmem:s0+$0x1250] =	vst v44;
	v46 =	vmul.f32 v57, v8  }
0xff: {  	v38 =	vmul.f32 v38, v7;
	v49 =	vld [tilespmem:s0+$0xD210];
	[tilespmem:s0+$0x240] =	vst v11;
	v48 =	vmul.f32 v48, v8;
	v42 =	vadd.f32 v58, v42  }
0x100: {  	v36 =	vmul.f32 v36, v7;
	v50 =	vld [tilespmem:s0+$0xD200];
	[tilespmem:s0+$0x1240] =	vst v43;
	v54 =	vmul.f32 v59, v8;
	v37 =	vadd.f32 v46, v37  }
0x101: {  	v35 =	vmul.f32 v35, v7;
	v47 =	vld [tilespmem:s0+$0xCE70];
	v45 =	vmul.f32 v60, v8;
	v41 =	vadd.f32 v48, v41;
	[tilespmem:s0+$0x1230] =	vst v42  }
0x102: {  	v34 =	vmul.f32 v34, v7;
	v63 =	vld [tilespmem:s0+$0xCE10];
	v44 =	vmul.f32 v61, v8;
	v36 =	vadd.f32 v54, v36;
	[tilespmem:s0+$0xE60] =	vst v37  }
0x103: {  	v33 =	vmul.f32 v33, v7;
	v53 =	vld [tilespmem:s0+$0xCE00];
	v43 =	vmul.f32 v62, v8;
	v35 =	vadd.f32 v45, v35;
	[tilespmem:s0+$0x1220] =	vst v41  }
0x104: {  	v32 =	vmul.f32 v32, v7;
	v58 =	vld [tilespmem:s0+$0xCA40];
	v49 =	vmul.f32 v49, v8;
	v34 =	vadd.f32 v44, v34;
	[tilespmem:s0+$0xE50] =	vst v36  }
0x105: {  	v31 =	vmul.f32 v31, v7;
	v59 =	vld [tilespmem:s0+$0xCA30];
	v50 =	vmul.f32 v50, v8;
	v33 =	vadd.f32 v43, v33;
	[tilespmem:s0+$0xE40] =	vst v35  }
0x106: {  	v6 =	vmul.f32 v6, v7;
	v60 =	vld [tilespmem:s0+$0xCA20];
	v47 =	vmul.f32 v47, v8;
	v40 =	vadd.f32 v49, v40;
	[tilespmem:s0+$0xE30] =	vst v34  }
0x107: {  	v5 =	vmul.f32 v5, v8;
	v61 =	vld [tilespmem:s0+$0xCA10];
	v42 =	vmul.f32 v63, v8;
	v39 =	vadd.f32 v50, v39;
	[tilespmem:s0+$0xE20] =	vst v33  }
0x108: {  	v27 =	vmul.f32 v27, v7;
	v12 =	vld [tilespmem:s0+$0x1660];
	v38 =	vadd.f32 v47, v38;
	v41 =	vmul.f32 v53, v8;
	[tilespmem:s0+$0x1210] =	vst v40  }
0x109: {  	v5 =	vadd.f32 v5, v6;
	v6 =	vld [tilespmem:s0+$0x200];
	v32 =	vadd.f32 v42, v32;
	v37 =	vmul.f32 v58, v8;
	[tilespmem:s0+$0x1200] =	vst v39  }
0x10a: {  	v26 =	vmul.f32 v26, v7;
	v57 =	vld [tilespmem:s0+$0xCA50];
	v36 =	vmul.f32 v59, v8;
	[tilespmem:s0+$0xE70] =	vst v38;
	v31 =	vadd.f32 v41, v31  }
0x10b: {  	v25 =	vmul.f32 v25, v7;
	v62 =	vld [tilespmem:s0+$0xCA00];
	v35 =	vmul.f32 v60, v8;
	[tilespmem:s0+$0xE10] =	vst v32;
	v27 =	vadd.f32 v37, v27  }
0x10c: {  	v24 =	vmul.f32 v24, v7;
	v63 =	vld [tilespmem:s0+$0xC670];
	v34 =	vmul.f32 v61, v8;
	v26 =	vadd.f32 v36, v26;
	[tilespmem:s0+$0xE00] =	vst v31  }
0x10d: {  	v30 =	vmul.f32 v30, v7;
	v40 =	vmul.f32 v55, v8;
	v25 =	vadd.f32 v35, v25;
	v31 =	vld [tilespmem:s0+$0xC660];
	[tilespmem:s0+$0xA40] =	vst v27  }
0x10e: {  	v29 =	vmul.f32 v29, v7;
	v39 =	vmul.f32 v56, v8;
	v24 =	vadd.f32 v34, v24;
	v27 =	vld [tilespmem:s0+$0xC620];
	[tilespmem:s0+$0xA30] =	vst v26  }
0x10f: {  	v28 =	vmul.f32 v28, v7;
	v38 =	vmul.f32 v57, v8;
	v30 =	vadd.f32 v40, v30;
	v26 =	vld [tilespmem:s0+$0xC610];
	[tilespmem:s0+$0xA20] =	vst v25  }
0x110: {  	v23 =	vmul.f32 v23, v7;
	v33 =	vmul.f32 v62, v8;
	v29 =	vadd.f32 v39, v29;
	v25 =	vld [tilespmem:s0+$0xC600];
	[tilespmem:s0+$0xA10] =	vst v24  }
0x111: {  	v22 =	vmul.f32 v22, v7;
	v32 =	vmul.f32 v63, v8;
	v28 =	vadd.f32 v38, v28;
	[tilespmem:s0+$0xA70] =	vst v30;
	v30 =	vld [tilespmem:s0+$0xC650]  }
0x112: {  	v21 =	vmul.f32 v21, v7;
	v23 =	vadd.f32 v33, v23;
	[tilespmem:s0+$0xA60] =	vst v29;
	v29 =	vld [tilespmem:s0+$0xC640];
	v31 =	vmul.f32 v31, v8  }
0x113: {  	v17 =	vmul.f32 v17, v7;
	v22 =	vadd.f32 v32, v22;
	[tilespmem:s0+$0xA50] =	vst v28;
	v28 =	vld [tilespmem:s0+$0xC630];
	v27 =	vmul.f32 v27, v8  }
0x114: {  	v16 =	vmul.f32 v16, v7;
	[tilespmem:s0+$0xA00] =	vst v23;
	v23 =	vld [tilespmem:s0+$0xC260];
	v26 =	vmul.f32 v26, v8;
	v21 =	vadd.f32 v31, v21  }
0x115: {  	v15 =	vmul.f32 v15, v7;
	v24 =	vld [tilespmem:s0+$0xC270];
	[tilespmem:s0+$0x670] =	vst v22;
	v25 =	vmul.f32 v25, v8;
	v17 =	vadd.f32 v27, v17  }
0x116: {  	v20 =	vmul.f32 v20, v7;
	v22 =	vld [tilespmem:s0+$0x250];
	v30 =	vmul.f32 v30, v8;
	v16 =	vadd.f32 v26, v16;
	[tilespmem:s0+$0x660] =	vst v21  }
0x117: {  	v19 =	vmul.f32 v19, v7;
	v29 =	vmul.f32 v29, v8;
	v15 =	vadd.f32 v25, v15;
	v21 =	vld [tilespmem:s0+$0xC250];
	[tilespmem:s0+$0x620] =	vst v17  }
0x118: {  	v18 =	vmul.f32 v18, v7;
	v28 =	vmul.f32 v28, v8;
	v20 =	vadd.f32 v30, v20;
	v17 =	vld [tilespmem:s0+$0x1640];
	[tilespmem:s0+$0x610] =	vst v16  }
0x119: {  	v13 =	vmul.f32 v13, v7;
	v23 =	vmul.f32 v23, v8;
	v19 =	vadd.f32 v29, v19;
	[tilespmem:s0+$0x600] =	vst v15;
	v15 =	vld [tilespmem:s0+$0x1650]  }
0x11a: {  	v14 =	vmul.f32 v14, v7;
	v24 =	vmul.f32 v24, v8;
	v18 =	vadd.f32 v28, v18;
	[tilespmem:s0+$0x650] =	vst v20;
	v20 =	vld [tilespmem:s0+$0xD640]  }
0x11b: {  	v10 =	vmul.f32 v10, v7;
	v9 =	vmul.f32 v9, v8;
	v13 =	vadd.f32 v23, v13;
	[tilespmem:s0+$0x640] =	vst v19;
	v19 =	vld [tilespmem:s0+$0xD650]  }
0x11c: {  	v4 =	vmul.f32 v4, v7;
	v3 =	vmul.f32 v3, v8;
	v14 =	vadd.f32 v24, v14;
	[tilespmem:s0+$0x630] =	vst v18;
	v18 =	vld [tilespmem:s0+$0xD660]  }
0x11d: {  	v9 =	vadd.f32 v9, v10;
	v10 =	vmul.f32 v22, v7;
	v16 =	vld [tilespmem:s0+$0xD670];
	[tilespmem:s0+$0x260] =	vst v13;
	v13 =	vmul.f32 v21, v8  }
0x11e: {  	v3 =	vadd.f32 v3, v4;
	[tilespmem:s0+$0x270] =	vst v14;
	v14 =	vld [tilespmem:s0+$0x1670]  }
0x11f: {  	s30 =	simm.s32 $0x0;
	[tilespmem:s0+$0x230] =	vst v9;
	v9 =	vld [tilespmem:s0+$0xC200];
	v11 =	vmul.f32 v17, v7;
	v17 =	vmul.f32 v20, v8;
	v4 =	vadd.f32 v13, v10  }
0x120: {  	s31 =	simm.s32 $0x80;
	s30 =	smul.u32 $0x1800, s30;
	[tilespmem:s0+$0x220] =	vst v5;
	v5 =	vmul.f32 v15, v7;
	v10 =	vmul.f32 v19, v8  }
0x121: {  	s2 =	sand.u32 $0x380, s31;
	v11 =	vadd.f32 v17, v11;
	[tilespmem:s0+$0x250] =	vst v4;
	v4 =	vmul.f32 v12, v7;
	v12 =	vmul.f32 v18, v8  }
0x122: {  	s30 =	sor.u32 s2, s30;
	[tilespmem:s0+$0x210] =	vst v3;
	v5 =	vadd.f32 v10, v5  }
0x123: {  	v3 =	vld [tilespmem:s30+$0x210];
	v10 =	vmul.f32 v14, v7;
	[tilespmem:s0+$0x1640] =	vst v11;
	v11 =	vmul.f32 v16, v8;
	v12 =	vadd.f32 v12, v4  }
0x124: {  	v7 =	vmul.f32 v6, v7;
	v8 =	vmul.f32 v9, v8;
	v4 =	vld [tilespmem:s30+$0xC210];
	[tilespmem:s0+$0x1650] =	vst v5  }
0x125: {  	v9 =	vadd.f32 v11, v10;
	v6 =	vld [tilespmem:s30+$0x220];
	[tilespmem:s0+$0x1660] =	vst v12  }
0x126: {  	v7 =	vadd.f32 v8, v7;
	v5 =	vld [tilespmem:s30+$0xC220]  }
0x127: {  	v8 =	vld [tilespmem:s30+$0x230];
	[tilespmem:s0+$0x1670] =	vst v9  }
0x128: {  	v18 =	vld [tilespmem:s30+$0x630];
	[tilespmem:s0+$0x200] =	vst v7  }
0x129: {  	v7 =	vld [tilespmem:s30+$0xC230]  }
0x12a: {  	v10 =	vld [tilespmem:s30+$0x240]  }
0x12b: {  	v9 =	vld [tilespmem:s30+$0xC240]  }
0x12c: {  	v12 =	vld [tilespmem:s30+$0x250]  }
0x12d: {  	v11 =	vld [tilespmem:s30+$0xC250]  }
0x12e: {  	v13 =	vld [tilespmem:s30+$0x260]  }
0x12f: {  	v14 =	vld [tilespmem:s30+$0x270]  }
0x130: {  	v15 =	vld [tilespmem:s30+$0x600]  }
0x131: {  	v16 =	vld [tilespmem:s30+$0x610]  }
0x132: {  	v17 =	vld [tilespmem:s30+$0x620]  }
0x133: {  	v19 =	vld [tilespmem:s30+$0x640]  }
0x134: {  	v20 =	vld [tilespmem:s30+$0x650]  }
0x135: {  	v21 =	vld [tilespmem:s30+$0x660]  }
0x136: {  	v22 =	vld [tilespmem:s30+$0x670]  }
0x137: {  	v23 =	vld [tilespmem:s30+$0xA00]  }
0x138: {  	v24 =	vld [tilespmem:s30+$0xA10]  }
0x139: {  	v25 =	vld [tilespmem:s30+$0xA20]  }
0x13a: {  	v26 =	vld [tilespmem:s30+$0xA30]  }
0x13b: {  	v27 =	vld [tilespmem:s30+$0xA40]  }
0x13c: {  	v28 =	vld [tilespmem:s30+$0xA50]  }
0x13d: {  	v29 =	vld [tilespmem:s30+$0xA60]  }
0x13e: {  	v30 =	vld [tilespmem:s30+$0xA70]  }
0x13f: {  	v32 =	vld [tilespmem:s30+$0xE00]  }
0x140: {  	v34 =	vld [tilespmem:s30+$0xE10]  }
0x141: {  	v35 =	vld [tilespmem:s30+$0xE20]  }
0x142: {  	v36 =	vld [tilespmem:s30+$0xE30]  }
0x143: {  	v37 =	vld [tilespmem:s30+$0xE40]  }
0x144: {  	v38 =	vld [tilespmem:s30+$0xE50]  }
0x145: {  	v39 =	vld [tilespmem:s30+$0xE60]  }
0x146: {  	v40 =	vld [tilespmem:s30+$0xE70]  }
0x147: {  	v41 =	vld [tilespmem:s30+$0x1200]  }
0x148: {  	v42 =	vld [tilespmem:s30+$0x1210]  }
0x149: {  	v43 =	vld [tilespmem:s30+$0x1220]  }
0x14a: {  	v44 =	vld [tilespmem:s30+$0x1230]  }
0x14b: {  	v45 =	vld [tilespmem:s30+$0x1240]  }
0x14c: {  	v46 =	vld [tilespmem:s30+$0x1250]  }
0x14d: {  	v47 =	vld [tilespmem:s30+$0x1260]  }
0x14e: {  	v48 =	vld [tilespmem:s30+$0x1600]  }
0x14f: {  	v50 =	vld [tilespmem:s30+$0x1610]  }
0x150: {  	v49 =	vld [tilespmem:s30+$0xD610]  }
0x151: {  	s0 =	simm.s32 $0x2;
	v51 =	vld [tilespmem:s30+$0xD630]  }
.LBB2_2:
0x152: {  	p0 =	sne.s32 s0, $0x3F;
	v52 =	vld [tilespmem:s30+$0x1620];
	s28 =	sadd.s32 $0x1, s28  }
0x153: {  	s29 =	sadd.s32 $0x1, s29;
	v33 =	vld.msk [tilespmem:s28+$0x0 ss:$0x0], $0xffff  }
0x154: {  	v31 =	vld.msk [tilespmem:s29+$0x0 ss:$0x0], $0xffff  }
0x155: {  	v53 =	vld [tilespmem:s30+$0x1630]  }
0x156: {  	v54 =	vld [tilespmem:s30+$0xD620]  }
0x157: {  	v55 =	vld [tilespmem:s30+$0xD600]  }
0x158: {  	v56 =	vld [tilespmem:s30+$0x1270]  }
0x159: {  	v50 =	vmul.f32 v50, v33;
	v52 =	vmul.f32 v52, v33;
	v57 =	vld [tilespmem:s30+$0xD270]  }
0x15a: {  	v51 =	vmul.f32 v51, v31;
	v58 =	vld [tilespmem:s30+$0xD260];
	v53 =	vmul.f32 v53, v33  }
0x15b: {  	v49 =	vmul.f32 v49, v31;
	v59 =	vld [tilespmem:s30+$0xD250];
	v54 =	vmul.f32 v54, v31  }
0x15c: {  	v48 =	vmul.f32 v48, v33;
	v60 =	vld [tilespmem:s30+$0xD240];
	v55 =	vmul.f32 v55, v31;
	v51 =	vadd.f32 v51, v53  }
0x15d: {  	v49 =	vadd.f32 v49, v50;
	v53 =	vld [tilespmem:s30+$0xD230];
	v56 =	vmul.f32 v56, v33;
	v50 =	vadd.f32 v54, v52  }
0x15e: {  	v47 =	vmul.f32 v47, v33;
	v52 =	vld [tilespmem:s30+$0xD220];
	v54 =	vmul.f32 v57, v31;
	v48 =	vadd.f32 v55, v48;
	[tilespmem:s30+$0x1630] =	vst v51  }
0x15f: {  	v46 =	vmul.f32 v46, v33;
	v51 =	vld [tilespmem:s30+$0xD210];
	v55 =	vmul.f32 v58, v31;
	[tilespmem:s30+$0x1620] =	vst v50  }
0x160: {  	v45 =	vmul.f32 v45, v33;
	v50 =	vld [tilespmem:s30+$0xD200];
	v57 =	vmul.f32 v59, v31;
	v54 =	vadd.f32 v54, v56;
	[tilespmem:s30+$0x1610] =	vst v49  }
0x161: {  	v44 =	vmul.f32 v44, v33;
	v49 =	vld [tilespmem:s30+$0xCE70];
	v56 =	vmul.f32 v60, v31;
	v47 =	vadd.f32 v55, v47;
	[tilespmem:s30+$0x1600] =	vst v48  }
0x162: {  	v43 =	vmul.f32 v43, v33;
	v48 =	vld [tilespmem:s30+$0xCE60];
	v53 =	vmul.f32 v53, v31;
	v46 =	vadd.f32 v57, v46;
	[tilespmem:s30+$0x1270] =	vst v54  }
0x163: {  	v42 =	vmul.f32 v42, v33;
	v54 =	vld [tilespmem:s30+$0xCE50];
	v52 =	vmul.f32 v52, v31;
	v45 =	vadd.f32 v56, v45;
	[tilespmem:s30+$0x1260] =	vst v47  }
0x164: {  	v41 =	vmul.f32 v41, v33;
	v47 =	vld [tilespmem:s30+$0xCE40];
	v51 =	vmul.f32 v51, v31;
	v44 =	vadd.f32 v53, v44;
	[tilespmem:s30+$0x1250] =	vst v46  }
0x165: {  	v40 =	vmul.f32 v40, v33;
	v46 =	vld [tilespmem:s30+$0xCE30];
	v50 =	vmul.f32 v50, v31;
	v43 =	vadd.f32 v52, v43;
	[tilespmem:s30+$0x1240] =	vst v45  }
0x166: {  	v39 =	vmul.f32 v39, v33;
	v45 =	vld [tilespmem:s30+$0xCE20];
	v49 =	vmul.f32 v49, v31;
	v42 =	vadd.f32 v51, v42;
	[tilespmem:s30+$0x1230] =	vst v44  }
0x167: {  	v38 =	vmul.f32 v38, v33;
	v44 =	vld [tilespmem:s30+$0xCE10];
	v48 =	vmul.f32 v48, v31;
	v41 =	vadd.f32 v50, v41;
	[tilespmem:s30+$0x1220] =	vst v43  }
0x168: {  	v37 =	vmul.f32 v37, v33;
	v43 =	vld [tilespmem:s30+$0xCE00];
	v50 =	vmul.f32 v54, v31;
	v40 =	vadd.f32 v49, v40;
	[tilespmem:s30+$0x1210] =	vst v42  }
0x169: {  	v36 =	vmul.f32 v36, v33;
	v42 =	vld [tilespmem:s30+$0xCA70];
	v47 =	vmul.f32 v47, v31;
	v39 =	vadd.f32 v48, v39;
	[tilespmem:s30+$0x1200] =	vst v41  }
0x16a: {  	v35 =	vmul.f32 v35, v33;
	v41 =	vld [tilespmem:s30+$0xCA60];
	v46 =	vmul.f32 v46, v31;
	v38 =	vadd.f32 v50, v38;
	[tilespmem:s30+$0xE70] =	vst v40  }
0x16b: {  	v34 =	vmul.f32 v34, v33;
	v40 =	vld [tilespmem:s30+$0xCA50];
	v45 =	vmul.f32 v45, v31;
	v37 =	vadd.f32 v47, v37;
	[tilespmem:s30+$0xE60] =	vst v39  }
0x16c: {  	v32 =	vmul.f32 v32, v33;
	v39 =	vld [tilespmem:s30+$0xCA40];
	v44 =	vmul.f32 v44, v31;
	v36 =	vadd.f32 v46, v36;
	[tilespmem:s30+$0xE50] =	vst v38  }
0x16d: {  	v30 =	vmul.f32 v30, v33;
	v38 =	vld [tilespmem:s30+$0xCA30];
	v43 =	vmul.f32 v43, v31;
	v35 =	vadd.f32 v45, v35;
	[tilespmem:s30+$0xE40] =	vst v37  }
0x16e: {  	v29 =	vmul.f32 v29, v33;
	v37 =	vld [tilespmem:s30+$0xCA20];
	v42 =	vmul.f32 v42, v31;
	v34 =	vadd.f32 v44, v34;
	[tilespmem:s30+$0xE30] =	vst v36  }
0x16f: {  	v28 =	vmul.f32 v28, v33;
	v36 =	vld [tilespmem:s30+$0xCA10];
	v41 =	vmul.f32 v41, v31;
	v32 =	vadd.f32 v43, v32;
	[tilespmem:s30+$0xE20] =	vst v35  }
0x170: {  	v27 =	vmul.f32 v27, v33;
	v35 =	vld [tilespmem:s30+$0xCA00];
	v40 =	vmul.f32 v40, v31;
	v30 =	vadd.f32 v42, v30;
	[tilespmem:s30+$0xE10] =	vst v34  }
0x171: {  	v26 =	vmul.f32 v26, v33;
	v34 =	vld [tilespmem:s30+$0xC670];
	v39 =	vmul.f32 v39, v31;
	v29 =	vadd.f32 v41, v29;
	[tilespmem:s30+$0xE00] =	vst v32  }
0x172: {  	v25 =	vmul.f32 v25, v33;
	v32 =	vld [tilespmem:s30+$0xC660];
	v38 =	vmul.f32 v38, v31;
	v28 =	vadd.f32 v40, v28;
	[tilespmem:s30+$0xA70] =	vst v30  }
0x173: {  	v24 =	vmul.f32 v24, v33;
	v30 =	vld [tilespmem:s30+$0xC650];
	v37 =	vmul.f32 v37, v31;
	v27 =	vadd.f32 v39, v27;
	[tilespmem:s30+$0xA60] =	vst v29  }
0x174: {  	v23 =	vmul.f32 v23, v33;
	v29 =	vld [tilespmem:s30+$0xC640];
	v36 =	vmul.f32 v36, v31;
	v26 =	vadd.f32 v38, v26;
	[tilespmem:s30+$0xA50] =	vst v28  }
0x175: {  	v22 =	vmul.f32 v22, v33;
	v28 =	vld [tilespmem:s30+$0xC630];
	v35 =	vmul.f32 v35, v31;
	v25 =	vadd.f32 v37, v25;
	[tilespmem:s30+$0xA40] =	vst v27  }
0x176: {  	v21 =	vmul.f32 v21, v33;
	v27 =	vld [tilespmem:s30+$0xC620];
	v34 =	vmul.f32 v34, v31;
	v24 =	vadd.f32 v36, v24;
	[tilespmem:s30+$0xA30] =	vst v26  }
0x177: {  	v20 =	vmul.f32 v20, v33;
	v26 =	vld [tilespmem:s30+$0xC610];
	v32 =	vmul.f32 v32, v31;
	v23 =	vadd.f32 v35, v23;
	[tilespmem:s30+$0xA20] =	vst v25  }
0x178: {  	v19 =	vmul.f32 v19, v33;
	v25 =	vld [tilespmem:s30+$0xC600];
	v30 =	vmul.f32 v30, v31;
	v22 =	vadd.f32 v34, v22;
	[tilespmem:s30+$0xA10] =	vst v24  }
0x179: {  	v18 =	vmul.f32 v18, v33;
	v24 =	vld [tilespmem:s30+$0xC270];
	v29 =	vmul.f32 v29, v31;
	v21 =	vadd.f32 v32, v21;
	[tilespmem:s30+$0xA00] =	vst v23  }
0x17a: {  	v17 =	vmul.f32 v17, v33;
	v23 =	vld [tilespmem:s30+$0xC260];
	v28 =	vmul.f32 v28, v31;
	v20 =	vadd.f32 v30, v20;
	[tilespmem:s30+$0x670] =	vst v22  }
0x17b: {  	v16 =	vmul.f32 v16, v33;
	v22 =	vmul.f32 v27, v31;
	v19 =	vadd.f32 v29, v19;
	[tilespmem:s30+$0x660] =	vst v21;
	v21 =	vld [tilespmem:s30+$0xD640]  }
0x17c: {  	v15 =	vmul.f32 v15, v33;
	v26 =	vmul.f32 v26, v31;
	v18 =	vadd.f32 v28, v18;
	[tilespmem:s30+$0x650] =	vst v20;
	v20 =	vld [tilespmem:s30+$0xD650]  }
0x17d: {  	v14 =	vmul.f32 v14, v33;
	v25 =	vmul.f32 v25, v31;
	v17 =	vadd.f32 v22, v17;
	[tilespmem:s30+$0x640] =	vst v19;
	v19 =	vld [tilespmem:s30+$0xD660]  }
0x17e: {  	v13 =	vmul.f32 v13, v33;
	v22 =	vmul.f32 v24, v31;
	v16 =	vadd.f32 v26, v16;
	[tilespmem:s30+$0x630] =	vst v18;
	v18 =	vld [tilespmem:s30+$0xD670]  }
0x17f: {  	v12 =	vmul.f32 v12, v33;
	v23 =	vmul.f32 v23, v31;
	v15 =	vadd.f32 v25, v15;
	[tilespmem:s30+$0x620] =	vst v17;
	v17 =	vld [tilespmem:s30+$0x1640]  }
0x180: {  	v10 =	vmul.f32 v10, v33;
	v11 =	vmul.f32 v11, v31;
	v14 =	vadd.f32 v22, v14;
	[tilespmem:s30+$0x610] =	vst v16;
	v16 =	vld [tilespmem:s30+$0x1650]  }
0x181: {  	v8 =	vmul.f32 v8, v33;
	v9 =	vmul.f32 v9, v31;
	v13 =	vadd.f32 v23, v13;
	[tilespmem:s30+$0x600] =	vst v15;
	v15 =	vld [tilespmem:s30+$0x1660]  }
0x182: {  	v6 =	vmul.f32 v6, v33;
	v7 =	vmul.f32 v7, v31;
	v11 =	vadd.f32 v11, v12;
	[tilespmem:s30+$0x270] =	vst v14;
	v12 =	vld [tilespmem:s30+$0x1670]  }
0x183: {  	v3 =	vmul.f32 v3, v33;
	v5 =	vmul.f32 v5, v31;
	v9 =	vadd.f32 v9, v10;
	v14 =	vld [tilespmem:s30+$0x200];
	[tilespmem:s30+$0x260] =	vst v13  }
0x184: {  	v4 =	vmul.f32 v4, v31;
	v7 =	vadd.f32 v7, v8;
	v10 =	vld [tilespmem:s30+$0xC200];
	[tilespmem:s30+$0x250] =	vst v11;
	v8 =	vmul.f32 v17, v33  }
0x185: {  	s2 =	sshrl.u32 s0, $0x3;
	v5 =	vadd.f32 v5, v6;
	v6 =	vmul.f32 v21, v31;
	[tilespmem:s30+$0x240] =	vst v9;
	v9 =	vmul.f32 v16, v33  }
0x186: {  	s31 =	sadd.s32 $0x80, s31;
	s2 =	smul.u32 $0x1800, s2;
	v3 =	vadd.f32 v4, v3;
	v4 =	vmul.f32 v20, v31;
	[tilespmem:s30+$0x230] =	vst v7;
	v7 =	vmul.f32 v15, v33  }
0x187: {  	s13 =	sand.u32 $0x380, s31;
	[tilespmem:s30+$0x220] =	vst v5;
	v5 =	vadd.f32 v6, v8;
	v6 =	vmul.f32 v19, v31;
	v8 =	vmul.f32 v12, v33  }
0x188: {  	s2 =	sor.u32 s13, s2;
	v9 =	vadd.f32 v4, v9;
	v12 =	vmul.f32 v18, v31;
	v11 =	vmul.f32 v14, v33;
	[tilespmem:s30+$0x210] =	vst v3  }
0x189: {  	v3 =	vld [tilespmem:s2+$0x210];
	v10 =	vmul.f32 v10, v31;
	[tilespmem:s30+$0x1640] =	vst v5;
	v5 =	vadd.f32 v6, v7  }
0x18a: {  	v7 =	vadd.f32 v12, v8;
	v4 =	vld [tilespmem:s2+$0xC210];
	[tilespmem:s30+$0x1650] =	vst v9  }
0x18b: {  	v6 =	vld [tilespmem:s2+$0x220];
	v9 =	vadd.f32 v10, v11;
	[tilespmem:s30+$0x1660] =	vst v5  }
0x18c: {  	v5 =	vld [tilespmem:s2+$0xC220];
	[tilespmem:s30+$0x1670] =	vst v7  }
0x18d: {  	v8 =	vld [tilespmem:s2+$0x230];
	[tilespmem:s30+$0x200] =	vst v9;
	s30 =	smov.u32 s2  }
0x18e: {  	v7 =	vld [tilespmem:s30+$0xC230]  }
0x18f: {  	v10 =	vld [tilespmem:s30+$0x240]  }
0x190: {  	v9 =	vld [tilespmem:s30+$0xC240]  }
0x191: {  	v12 =	vld [tilespmem:s30+$0x250]  }
0x192: {  	v11 =	vld [tilespmem:s30+$0xC250]  }
0x193: {  	v13 =	vld [tilespmem:s30+$0x260]  }
0x194: {  	v14 =	vld [tilespmem:s30+$0x270]  }
0x195: {  	v15 =	vld [tilespmem:s30+$0x600]  }
0x196: {  	v16 =	vld [tilespmem:s30+$0x610]  }
0x197: {  	v17 =	vld [tilespmem:s30+$0x620]  }
0x198: {  	v18 =	vld [tilespmem:s30+$0x630]  }
0x199: {  	v19 =	vld [tilespmem:s30+$0x640]  }
0x19a: {  	v20 =	vld [tilespmem:s30+$0x650]  }
0x19b: {  	v21 =	vld [tilespmem:s30+$0x660]  }
0x19c: {  	v22 =	vld [tilespmem:s30+$0x670]  }
0x19d: {  	v23 =	vld [tilespmem:s30+$0xA00]  }
0x19e: {  	v24 =	vld [tilespmem:s30+$0xA10]  }
0x19f: {  	v25 =	vld [tilespmem:s30+$0xA20]  }
0x1a0: {  	v26 =	vld [tilespmem:s30+$0xA30]  }
0x1a1: {  	v27 =	vld [tilespmem:s30+$0xA40]  }
0x1a2: {  	v28 =	vld [tilespmem:s30+$0xA50]  }
0x1a3: {  	v29 =	vld [tilespmem:s30+$0xA60]  }
0x1a4: {  	v30 =	vld [tilespmem:s30+$0xA70]  }
0x1a5: {  	v32 =	vld [tilespmem:s30+$0xE00]  }
0x1a6: {  	v34 =	vld [tilespmem:s30+$0xE10]  }
0x1a7: {  	v35 =	vld [tilespmem:s30+$0xE20]  }
0x1a8: {  	v36 =	vld [tilespmem:s30+$0xE30]  }
0x1a9: {  	v37 =	vld [tilespmem:s30+$0xE40]  }
0x1aa: {  	v38 =	vld [tilespmem:s30+$0xE50]  }
0x1ab: {  	v39 =	vld [tilespmem:s30+$0xE60]  }
0x1ac: {  	v40 =	vld [tilespmem:s30+$0xE70]  }
0x1ad: {  	v41 =	vld [tilespmem:s30+$0x1200]  }
0x1ae: {  	v42 =	vld [tilespmem:s30+$0x1210]  }
0x1af: {  	v43 =	vld [tilespmem:s30+$0x1220]  }
0x1b0: {  	v44 =	vld [tilespmem:s30+$0x1230]  }
0x1b1: {  	v45 =	vld [tilespmem:s30+$0x1240]  }
0x1b2: {  	v46 =	vld [tilespmem:s30+$0x1250]  }
.Ltmp0:
0x1b3: {  	v47 =	vld [tilespmem:s30+$0x1260];
	(pc) =	sbr.rel @p0 .LBB2_2-.Ltmp0, $4  }
0x1b4: {  	v48 =	vld [tilespmem:s30+$0x1600]  }
0x1b5: {  	v50 =	vld [tilespmem:s30+$0x1610]  }
0x1b6: {  	v49 =	vld [tilespmem:s30+$0xD610]  }
0x1b7: {  	s0 =	sadd.s32 $0x1, s0;
	v51 =	vld [tilespmem:s30+$0xD630]  }
0x1b8: {  	v52 =	vld [tilespmem:s30+$0x1620]  }
0x1b9: {  	s0 =	sadd.s32 $0x1, s28;
	v53 =	vld [tilespmem:s30+$0x1630]  }
0x1ba: {  	s31 =	sadd.s32 $0x1, s29;
	v31 =	vld.msk [tilespmem:s0+$0x0 ss:$0x0], $0xffff  }
0x1bb: {  	v33 =	vld.msk [tilespmem:s31+$0x0 ss:$0x0], $0xffff  }
0x1bc: {  	v54 =	vld [tilespmem:s30+$0xD620];
	_ =	sdelay $0x1  }
0x1bd: {  	v55 =	vld [tilespmem:s30+$0xD600]  }
0x1be: {  	v56 =	vld [tilespmem:s30+$0x1270]  }
0x1bf: {  	v58 =	vld [tilespmem:s30+$0xD260];
	v53 =	vmul.f32 v53, v31;
	v51 =	vmul.f32 v51, v33  }
0x1c0: {  	v57 =	vld [tilespmem:s30+$0xD270];
	v52 =	vmul.f32 v52, v31;
	v54 =	vmul.f32 v54, v33  }
0x1c1: {  	v59 =	vld [tilespmem:s30+$0xD250];
	v50 =	vmul.f32 v50, v31;
	v49 =	vmul.f32 v49, v33  }
0x1c2: {  	v60 =	vld [tilespmem:s30+$0xD240];
	v48 =	vmul.f32 v48, v31;
	v62 =	vmul.f32 v55, v33;
	v51 =	vadd.f32 v51, v53  }
0x1c3: {  	v61 =	vld [tilespmem:s30+$0xD220];
	v63 =	vmul.f32 v56, v31;
	v47 =	vmul.f32 v47, v31;
	v52 =	vadd.f32 v54, v52  }
0x1c4: {  	v58 =	vmul.f32 v58, v33;
	v55 =	vld [tilespmem:s30+$0xC660];
	v12 =	vmul.f32 v12, v31;
	v49 =	vadd.f32 v49, v50;
	[tilespmem:s30+$0x1630] =	vst v51  }
0x1c5: {  	v56 =	vld [tilespmem:s30+$0xC650];
	v11 =	vmul.f32 v11, v33;
	v10 =	vmul.f32 v10, v31;
	v48 =	vadd.f32 v62, v48;
	[tilespmem:s30+$0x1620] =	vst v52  }
0x1c6: {  	v9 =	vmul.f32 v9, v33;
	v8 =	vmul.f32 v8, v31;
	v53 =	vld [tilespmem:s30+$0xD230];
	v47 =	vadd.f32 v58, v47;
	[tilespmem:s30+$0x1610] =	vst v49  }
0x1c7: {  	v7 =	vmul.f32 v7, v33;
	v6 =	vmul.f32 v6, v31;
	v50 =	vld [tilespmem:s30+$0xD200];
	v11 =	vadd.f32 v11, v12;
	[tilespmem:s30+$0x1600] =	vst v48  }
0x1c8: {  	v5 =	vmul.f32 v5, v33;
	v3 =	vmul.f32 v3, v31;
	v58 =	vld [tilespmem:s30+$0xCE20];
	v9 =	vadd.f32 v9, v10;
	[tilespmem:s30+$0x1260] =	vst v47  }
0x1c9: {  	v4 =	vmul.f32 v4, v33;
	v62 =	vmul.f32 v59, v33;
	v59 =	vld [tilespmem:s30+$0xCE10];
	v7 =	vadd.f32 v7, v8;
	[tilespmem:s30+$0x250] =	vst v11  }
0x1ca: {  	v57 =	vmul.f32 v57, v33;
	v54 =	vld [tilespmem:s30+$0xC670];
	v5 =	vadd.f32 v5, v6;
	[tilespmem:s30+$0x240] =	vst v9  }
0x1cb: {  	v46 =	vmul.f32 v46, v31;
	v3 =	vadd.f32 v4, v3;
	v51 =	vld [tilespmem:s30+$0xD210];
	[tilespmem:s30+$0x230] =	vst v7  }
0x1cc: {  	v45 =	vmul.f32 v45, v31;
	v49 =	vld [tilespmem:s30+$0xCE70];
	v52 =	vadd.f32 v57, v63;
	v63 =	vmul.f32 v60, v33;
	[tilespmem:s30+$0x220] =	vst v5  }
0x1cd: {  	v43 =	vmul.f32 v43, v31;
	v48 =	vld [tilespmem:s30+$0xCE60];
	v46 =	vadd.f32 v62, v46;
	v57 =	vmul.f32 v61, v33;
	[tilespmem:s30+$0x210] =	vst v3  }
0x1ce: {  	v44 =	vmul.f32 v44, v31;
	v47 =	vld [tilespmem:s30+$0xCE40];
	[tilespmem:s30+$0x1270] =	vst v52;
	v45 =	vadd.f32 v63, v45;
	v53 =	vmul.f32 v53, v33  }
0x1cf: {  	v41 =	vmul.f32 v41, v31;
	v60 =	vld [tilespmem:s30+$0xCE00];
	[tilespmem:s30+$0x1250] =	vst v46;
	v43 =	vadd.f32 v57, v43;
	v50 =	vmul.f32 v50, v33  }
0x1d0: {  	v35 =	vmul.f32 v35, v31;
	v61 =	vld [tilespmem:s30+$0xCA70];
	[tilespmem:s30+$0x1240] =	vst v45;
	v45 =	vmul.f32 v58, v33;
	v44 =	vadd.f32 v53, v44  }
0x1d1: {  	v42 =	vmul.f32 v42, v31;
	v52 =	vld [tilespmem:s30+$0xCE50];
	[tilespmem:s30+$0x1220] =	vst v43;
	v51 =	vmul.f32 v51, v33;
	v41 =	vadd.f32 v50, v41  }
0x1d2: {  	v40 =	vmul.f32 v40, v31;
	v46 =	vld [tilespmem:s30+$0xCE30];
	v49 =	vmul.f32 v49, v33;
	v35 =	vadd.f32 v45, v35;
	[tilespmem:s30+$0x1230] =	vst v44  }
0x1d3: {  	v39 =	vmul.f32 v39, v31;
	v62 =	vld [tilespmem:s30+$0xCA60];
	v48 =	vmul.f32 v48, v33;
	v42 =	vadd.f32 v51, v42;
	[tilespmem:s30+$0x1200] =	vst v41  }
0x1d4: {  	v37 =	vmul.f32 v37, v31;
	v57 =	vld [tilespmem:s30+$0xC640];
	v47 =	vmul.f32 v47, v33;
	v40 =	vadd.f32 v49, v40;
	[tilespmem:s30+$0xE20] =	vst v35  }
0x1d5: {  	v32 =	vmul.f32 v32, v31;
	v58 =	vld [tilespmem:s30+$0xC630];
	v43 =	vmul.f32 v60, v33;
	v39 =	vadd.f32 v48, v39;
	[tilespmem:s30+$0x1210] =	vst v42  }
0x1d6: {  	v38 =	vmul.f32 v38, v31;
	v50 =	vld [tilespmem:s30+$0xCA30];
	v63 =	vmul.f32 v52, v33;
	v37 =	vadd.f32 v47, v37;
	[tilespmem:s30+$0xE70] =	vst v40  }
0x1d7: {  	v36 =	vmul.f32 v36, v31;
	v53 =	vld [tilespmem:s30+$0xCA00];
	v46 =	vmul.f32 v46, v33;
	v32 =	vadd.f32 v43, v32;
	[tilespmem:s30+$0xE60] =	vst v39  }
0x1d8: {  	v34 =	vmul.f32 v34, v31;
	v60 =	vld [tilespmem:s30+$0xC610];
	v44 =	vmul.f32 v59, v33;
	v38 =	vadd.f32 v63, v38;
	[tilespmem:s30+$0xE40] =	vst v37  }
0x1d9: {  	v29 =	vmul.f32 v29, v31;
	v45 =	vld [tilespmem:s30+$0x1640];
	v41 =	vmul.f32 v62, v33;
	v36 =	vadd.f32 v46, v36;
	[tilespmem:s30+$0xE00] =	vst v32  }
0x1da: {  	v21 =	vmul.f32 v21, v31;
	v48 =	vld [tilespmem:s30+$0xCA50];
	v62 =	vmul.f32 v55, v33;
	v34 =	vadd.f32 v44, v34;
	[tilespmem:s30+$0xE50] =	vst v38  }
0x1db: {  	v30 =	vmul.f32 v30, v31;
	v49 =	vld [tilespmem:s30+$0xCA40];
	v42 =	vmul.f32 v61, v33;
	v29 =	vadd.f32 v41, v29;
	[tilespmem:s30+$0xE30] =	vst v36  }
0x1dc: {  	v23 =	vmul.f32 v23, v31;
	v51 =	vld [tilespmem:s30+$0xCA20];
	v21 =	vadd.f32 v62, v21;
	v35 =	vmul.f32 v53, v33;
	[tilespmem:s30+$0xE10] =	vst v34  }
0x1dd: {  	v16 =	vmul.f32 v16, v31;
	v52 =	vld [tilespmem:s30+$0xCA10];
	v41 =	vmul.f32 v60, v33;
	v30 =	vadd.f32 v42, v30;
	[tilespmem:s30+$0xA60] =	vst v29  }
0x1de: {  	v26 =	vmul.f32 v26, v31;
	v59 =	vld [tilespmem:s30+$0xC620];
	v38 =	vmul.f32 v50, v33;
	[tilespmem:s30+$0x660] =	vst v21;
	v23 =	vadd.f32 v35, v23  }
0x1df: {  	v22 =	vmul.f32 v22, v31;
	v43 =	vld [tilespmem:s30+$0xD670];
	v34 =	vmul.f32 v54, v33;
	v16 =	vadd.f32 v41, v16;
	[tilespmem:s30+$0xA70] =	vst v30  }
0x1e0: {  	v28 =	vmul.f32 v28, v31;
	v61 =	vld [tilespmem:s30+$0xC600];
	v40 =	vmul.f32 v48, v33;
	v26 =	vadd.f32 v38, v26;
	[tilespmem:s30+$0xA00] =	vst v23  }
0x1e1: {  	v27 =	vmul.f32 v27, v31;
	v63 =	vld [tilespmem:s30+$0xC270];
	v39 =	vmul.f32 v49, v33;
	v22 =	vadd.f32 v34, v22;
	[tilespmem:s30+$0x610] =	vst v16  }
0x1e2: {  	v25 =	vmul.f32 v25, v31;
	v46 =	vld [tilespmem:s30+$0x1650];
	v37 =	vmul.f32 v51, v33;
	v28 =	vadd.f32 v40, v28;
	[tilespmem:s30+$0xA30] =	vst v26  }
0x1e3: {  	v24 =	vmul.f32 v24, v31;
	v50 =	vld [tilespmem:s30+$0xC200];
	v36 =	vmul.f32 v52, v33;
	v27 =	vadd.f32 v39, v27;
	[tilespmem:s30+$0x670] =	vst v22  }
0x1e4: {  	v19 =	vmul.f32 v19, v31;
	v35 =	vmul.f32 v57, v33;
	v48 =	vld [tilespmem:s30+$0x1660];
	v25 =	vadd.f32 v37, v25;
	[tilespmem:s30+$0xA50] =	vst v28  }
0x1e5: {  	v20 =	vmul.f32 v20, v31;
	v51 =	vld [tilespmem:s30+$0x200];
	v30 =	vmul.f32 v56, v33;
	v24 =	vadd.f32 v36, v24;
	[tilespmem:s30+$0xA40] =	vst v27  }
0x1e6: {  	v18 =	vmul.f32 v18, v31;
	v34 =	vld [tilespmem:s30+$0xC260];
	v37 =	vmul.f32 v58, v33;
	v19 =	vadd.f32 v35, v19;
	[tilespmem:s30+$0xA20] =	vst v25  }
0x1e7: {  	v17 =	vmul.f32 v17, v31;
	v38 =	vld [tilespmem:s30+$0xD650];
	v39 =	vmul.f32 v59, v33;
	v20 =	vadd.f32 v30, v20;
	[tilespmem:s30+$0xA10] =	vst v24  }
0x1e8: {  	v15 =	vmul.f32 v15, v31;
	v36 =	vld [tilespmem:s30+$0xD640];
	v42 =	vmul.f32 v61, v33;
	v18 =	vadd.f32 v37, v18;
	[tilespmem:s30+$0x640] =	vst v19  }
0x1e9: {  	v14 =	vmul.f32 v14, v31;
	v40 =	vld [tilespmem:s30+$0xD660];
	v44 =	vmul.f32 v63, v33;
	v17 =	vadd.f32 v39, v17;
	[tilespmem:s30+$0x650] =	vst v20  }
0x1ea: {  	v49 =	vld [tilespmem:s30+$0x1670];
	v15 =	vadd.f32 v42, v15;
	v10 =	vmul.f32 v50, v33;
	v61 =	vmul.f32 v51, v31;
	[tilespmem:s30+$0x630] =	vst v18  }
0x1eb: {  	v13 =	vmul.f32 v13, v31;
	v14 =	vadd.f32 v44, v14;
	[tilespmem:s30+$0x620] =	vst v17;
	v47 =	vmul.f32 v34, v33  }
0x1ec: {  	v54 =	vmul.f32 v46, v31;
	[tilespmem:s30+$0x600] =	vst v15;
	v55 =	vmul.f32 v38, v33;
	v63 =	vadd.f32 v10, v61  }
0x1ed: {  	v52 =	vmul.f32 v45, v31;
	[tilespmem:s30+$0x270] =	vst v14;
	v53 =	vmul.f32 v36, v33;
	v13 =	vadd.f32 v47, v13  }
0x1ee: {  	v56 =	vmul.f32 v48, v31;
	v58 =	vmul.f32 v40, v33;
	v3 =	vadd.f32 v55, v54;
	[tilespmem:s30+$0x200] =	vst v63  }
0x1ef: {  	v60 =	vmul.f32 v43, v33;
	v59 =	vmul.f32 v49, v31;
	v57 =	vadd.f32 v53, v52;
	[tilespmem:s30+$0x260] =	vst v13  }
0x1f0: {  	v62 =	vadd.f32 v58, v56;
	[tilespmem:s30+$0x1650] =	vst v3  }
0x1f1: {  	s26 =	sadd.s32 $0x1, s26;
	v3 =	vadd.f32 v60, v59;
	[tilespmem:s30+$0x1640] =	vst v57  }
0x1f2: {  	p0 =	sne.s32 s26, s11;
	[tilespmem:s30+$0x1660] =	vst v62  }
.Ltmp1:
0x1f3: {  	[tilespmem:s30+$0x1670] =	vst v3;
	(pc) =	sbr.rel @p0 .LBB2_1-.Ltmp1, $4  }
0x1f4: {  	[hbm4b:s10+s1] =	stream.linear.scatter [tilespmem:s14], [sflag:$0x3], $0xC000, $0x38;
	[tilespmem:$0x18200] =	vst v63  }
0x1f5: {  	_ =	swait.ge [sflag:s12], $0xC000  }
0x1f6: {  	[sflag:s12] =	ssyncset.done $0x0  }
0x1f7: {  	[sflag:s12] =	ssyncadd.s32 $0xFFFF4000  }
0x1f8: {  	_ =	sfence.sel $0x180000  }
0x1f9: {  	[bflag:$0x0] =	sbarrier.arrive $0xFFFF  }
0x1fa: {  	_ =	strace $0x9000004A  }
0x1fb: {  	s0 =	stileid.u32;
	[bflag:$0x2] =	sbarrier.arrive $0xFFFF  }
0x1fc: {  	p0 =	sne.s32 s0, $0x0;
	s0 =	rddreg [dreg:$0x2]  }
0x1fd: {  	s0 =	sadd.s32 @!p0 $0x100000, s0  }
0x1fe: {  	[sflag:s0] =	ssyncadd.tile.s32 @!p0 $0x1;
	_ =	shalt  }
.Lfunc_end2:
_tile_overlayer_lowered:
.L_overlay_start_2:
0x1ff: {  	(tag) =	ssettag $0x2  }
0x200: {  	s0 =	rddreg [dreg:$0x0];
	s2 =	stileid.u32  }
0x201: {  	s1 =	rddreg [dreg:$0x1];
	p0 =	sne.s32 s2, $0x0  }
0x202: {  	s3 =	rddreg [dreg:$0x2];
	[bflag:$0x3] =	sbarrier.arrive $0xFFFF;
	s2 =	simm.s32 @!p0 $0x1C03  }
0x203: {  	[timem:s3], [sflag:s2] =	dma.local @!p0 [hbm:s0], s1  }
0x204: {  	s0 =	simm.s32 @!p0 $0x3  }
0x205: {  	_ =	swait.ge @!p0 [sflag:s0], s1  }
0x206: {  	s1 =	ssub.s32 @!p0 $0x0, s1;
	[sflag:s0] =	ssyncset.done @!p0 $0x0  }
0x207: {  	[sflag:s0] =	ssyncadd.s32 @!p0 s1  }
0x208: {  	[bflag:$0x3] =	sbarrier.arrive $0xFFFF  }
0x209: {  	_ =	shalt  }

</sc_bundles>
